<compile_context>
chip_gen: v7x
topology: tpu7x:2x2x1
jax: 0.10.2.dev20260603
libtpu: 0.0.44.dev20260713+nightly
codegen_flags: <defaults>
</compile_context>

<pallas_src>
import functools

import jax
import jax.numpy as jnp
from jax import lax
from jax.experimental import pallas as pl
from jax.experimental.pallas import tpu as pltpu
from jax.experimental.pallas import tpu_sc as plsc

N = 10000
E = 320000
D = 128
H = D // 2

NC = 2
NS = 16
NW = NC * NS
CH = 125
EPT_D = E // NW
NCHUNK_D = EPT_D // CH
EPT_S = E // NS
NCHUNK_S = EPT_S // CH
NBUF = 5
RPS = N // NS
DEGW = 16

_mesh = plsc.VectorSubcoreMesh(core_axis_name="c", subcore_axis_name="s")
_sc_params = pltpu.CompilerParams(use_tc_tiling_on_sc=False)



@functools.partial(
    pl.kernel,
    out_type=jax.ShapeDtypeStruct((NC, NS, RPS, DEGW), jnp.float32),
    mesh=_mesh,
    scratch_types=[
        pltpu.VMEM((NCHUNK_D, CH), jnp.int32),
        pltpu.VMEM((CH, DEGW), jnp.float32),
        pltpu.VMEM((RPS, DEGW), jnp.float32),
        pltpu.VMEM_SHARED((N, DEGW), jnp.float32),
        pltpu.SemaphoreType.DMA,
    ],
    compiler_params=_sc_params,
)
def _deg_kernel(dst_hbm, out_hbm, idx_v, ones_v, z_v, acc, sem):
    cid = lax.axis_index("c")
    sid = lax.axis_index("s")
    wid = cid * NS + sid

    @pl.loop(0, RPS)
    def _(i):
        z_v[i, :] = jnp.zeros((DEGW,), jnp.float32)

    pltpu.sync_copy(z_v, acc.at[pl.ds(sid * RPS, RPS)])

    @pl.loop(0, CH)
    def _(i):
        ones_v[i, :] = jnp.ones((DEGW,), jnp.float32)

    pltpu.sync_copy(dst_hbm.at[wid], idx_v)
    plsc.subcore_barrier()

    @pl.loop(0, NCHUNK_D)
    def _(g):
        pltpu.async_copy(ones_v, acc.at[idx_v.at[g]], sem, add=True)

    @pl.loop(0, NCHUNK_D)
    def _(g):
        pltpu.make_async_copy(ones_v, acc.at[idx_v.at[g]], sem).wait()

    plsc.subcore_barrier()
    pltpu.sync_copy(acc.at[pl.ds(sid * RPS, RPS)], out_hbm.at[cid].at[sid])


@functools.partial(
    pl.kernel,
    out_type=jax.ShapeDtypeStruct((NC, NS, RPS, H), jnp.float32),
    mesh=_mesh,
    scratch_types=[
        pltpu.VMEM((NCHUNK_S, CH), jnp.int32),
        pltpu.VMEM((NCHUNK_S, CH), jnp.int32),
        [pltpu.VMEM((CH, H), jnp.float32)] * NBUF,
        [pltpu.SemaphoreType.DMA] * NBUF,
        pltpu.VMEM_SHARED((N, H), jnp.float32),
    ],
    compiler_params=_sc_params,
)
def _seg_kernel(y_hbm, src_hbm, dst_hbm, out_hbm,
                src_v, dst_v, bufs, sems, acc):
    cid = lax.axis_index("c")
    sid = lax.axis_index("s")

    @pl.loop(0, CH)
    def _(i):
        @pl.loop(0, H, step=16)
        def _(j):
            bufs[0][i, pl.ds(j, 16)] = jnp.zeros((16,), jnp.float32)

    @pl.loop(0, RPS, step=CH)
    def _(k):
        pltpu.sync_copy(bufs[0], acc.at[pl.ds(sid * RPS + k, CH)])

    pltpu.sync_copy(src_hbm.at[sid], src_v)
    pltpu.sync_copy(dst_hbm.at[sid], dst_v)
    plsc.subcore_barrier()

    y_half = y_hbm.at[cid]

    for k in range(NBUF - 1):
        pltpu.async_copy(y_half.at[src_v.at[k]], bufs[k], sems[k])

    @pl.loop(0, NCHUNK_S // NBUF)
    def _(i):
        g = NBUF * i
        for k in range(NBUF):
            buf, sem = bufs[k], sems[k]
            nbuf = bufs[(k + NBUF - 1) % NBUF]
            nsem = sems[(k + NBUF - 1) % NBUF]
            pltpu.make_async_copy(y_half.at[src_v.at[g + k]], buf,
                                  sem).wait()
            if k == 0:
                pltpu.async_copy(y_half.at[src_v.at[g + NBUF - 1]], nbuf,
                                 nsem)
            else:
                @pl.when(g + k + NBUF - 1 < NCHUNK_S)
                def _():
                    pltpu.async_copy(y_half.at[src_v.at[g + k + NBUF - 1]],
                                     nbuf, nsem)
            pltpu.sync_copy(buf, acc.at[dst_v.at[g + k]], add=True)

    plsc.subcore_barrier()
    pltpu.sync_copy(acc.at[pl.ds(sid * RPS, RPS)], out_hbm.at[cid].at[sid])



RB = 2000


def _prep_body(x_ref, w_ref, d0_ref, d1_ref, y_ref, dis_ref):
    dis = lax.rsqrt(1.0 + d0_ref[...] + d1_ref[...])
    dis_ref[...] = dis
    xw = jnp.dot(x_ref[...], w_ref[...], preferred_element_type=jnp.float32)
    y_ref[0, ...] = dis * xw[:, :H]
    y_ref[1, ...] = dis * xw[:, H:]


def _prep(x, w, d0, d1):
    return pl.pallas_call(
        _prep_body,
        grid=(N // RB,),
        in_specs=[pl.BlockSpec((RB, D), lambda i: (i, 0)),
                  pl.BlockSpec((D, D), lambda i: (0, 0)),
                  pl.BlockSpec((RB, 1), lambda i: (i, 0)),
                  pl.BlockSpec((RB, 1), lambda i: (i, 0))],
        out_specs=[pl.BlockSpec((NC, RB, H), lambda i: (0, i, 0)),
                   pl.BlockSpec((RB, 1), lambda i: (i, 0))],
        out_shape=[jax.ShapeDtypeStruct((NC, N, H), jnp.float32),
                   jax.ShapeDtypeStruct((N, 1), jnp.float32)],
    )(x, w, d0, d1)


def _mid_body(s_ref, y_ref, dis_ref, b_ref, w_ref, y2_ref):
    dis = dis_ref[...]
    h0 = jnp.maximum(dis * (s_ref[0, ...] + y_ref[0, ...]) + b_ref[:, :H], 0.0)
    h1 = jnp.maximum(dis * (s_ref[1, ...] + y_ref[1, ...]) + b_ref[:, H:], 0.0)
    xw = (jnp.dot(h0, w_ref[:H, :], preferred_element_type=jnp.float32)
          + jnp.dot(h1, w_ref[H:, :], preferred_element_type=jnp.float32))
    y2_ref[0, ...] = dis * xw[:, :H]
    y2_ref[1, ...] = dis * xw[:, H:]


def _mid(s, y, dis, b, w):
    return pl.pallas_call(
        _mid_body,
        grid=(N // RB,),
        in_specs=[pl.BlockSpec((NC, RB, H), lambda i: (0, i, 0)),
                  pl.BlockSpec((NC, RB, H), lambda i: (0, i, 0)),
                  pl.BlockSpec((RB, 1), lambda i: (i, 0)),
                  pl.BlockSpec((1, D), lambda i: (0, 0)),
                  pl.BlockSpec((D, D), lambda i: (0, 0))],
        out_specs=pl.BlockSpec((NC, RB, H), lambda i: (0, i, 0)),
        out_shape=jax.ShapeDtypeStruct((NC, N, H), jnp.float32),
    )(s, y, dis, b, w)


def _fin_body(s_ref, y_ref, dis_ref, b_ref, o_ref):
    dis = dis_ref[...]
    o_ref[:, :H] = dis * (s_ref[0, ...] + y_ref[0, ...]) + b_ref[:, :H]
    o_ref[:, H:] = dis * (s_ref[1, ...] + y_ref[1, ...]) + b_ref[:, H:]


def _fin(s, y, dis, b):
    return pl.pallas_call(
        _fin_body,
        grid=(N // RB,),
        in_specs=[pl.BlockSpec((NC, RB, H), lambda i: (0, i, 0)),
                  pl.BlockSpec((NC, RB, H), lambda i: (0, i, 0)),
                  pl.BlockSpec((RB, 1), lambda i: (i, 0)),
                  pl.BlockSpec((1, D), lambda i: (0, 0))],
        out_specs=pl.BlockSpec((RB, D), lambda i: (i, 0)),
        out_shape=jax.ShapeDtypeStruct((N, D), jnp.float32),
    )(s, y, dis, b)



def kernel(x, edge_idx, W1, b1, W2, b2):
    src3 = edge_idx[0].reshape(NS, NCHUNK_S, CH)
    dst3 = edge_idx[1].reshape(NS, NCHUNK_S, CH)
    dst3d = edge_idx[1].reshape(NW, NCHUNK_D, CH)

    deg_parts = _deg_kernel(dst3d)
    deg_parts = deg_parts.reshape(NC, N, DEGW)
    d0 = deg_parts[0, :, 0:1]
    d1 = deg_parts[1, :, 0:1]

    y1, dis = _prep(x, W1, d0, d1)

    s1 = _seg_kernel(y1, src3, dst3).reshape(NC, N, H)
    y2 = _mid(s1, y1, dis, b1.reshape(1, D), W2)

    s2 = _seg_kernel(y2, src3, dst3).reshape(NC, N, H)
    return _fin(s2, y2, dis, b2.reshape(1, D))

# --- scband reference (transcript-rebuilt; emitter-appended) ---
"""Pipeline reference for scband-gcn-62843961475710 (READ-ONLY COPY).

The authoritative reference and input builder live on the scoring server;
editing this copy changes nothing except your own understanding.
"""

import jax, jax.numpy as jnp
import numpy as np

N = 10000
E = 320000
D_IN = 128
D_HID = 128
D_OUT = 128


def gcn_conv(x, edge_index, W, b):
    # PyG GCNConv semantics: add self-loops, symmetric normalization
    n = x.shape[0]
    src = edge_index[0]
    dst = edge_index[1]
    loop = jnp.arange(n, dtype=src.dtype)
    src = jnp.concatenate([src, loop])
    dst = jnp.concatenate([dst, loop])
    ew = jnp.ones(src.shape[0], dtype=x.dtype)
    deg = jnp.zeros(n, dtype=x.dtype).at[dst].add(ew)
    deg_inv_sqrt = jnp.where(deg > 0, deg ** -0.5, 0.0)
    norm = deg_inv_sqrt[src] * ew * deg_inv_sqrt[dst]
    xw = x @ W
    msgs = xw[src] * norm[:, None]
    out = jnp.zeros((n, xw.shape[1]), dtype=x.dtype).at[dst].add(msgs)
    return out + b


def setup_inputs(seed: int = 0) -> dict:
    key = jax.random.key(seed)
    k1, k2, k3, k4, k5, k6 = jax.random.split(key, 6)
    x = jax.random.normal(k1, (N, D_IN), dtype=jnp.float32)
    edge_idx = jax.random.randint(k2, (2, E), 0, N, dtype=jnp.int32)
    W1 = jax.random.normal(k3, (D_IN, D_HID), dtype=jnp.float32) * 0.05
    b1 = jnp.zeros((D_HID,), dtype=jnp.float32)
    W2 = jax.random.normal(k4, (D_HID, D_OUT), dtype=jnp.float32) * 0.05
    b2 = jnp.zeros((D_OUT,), dtype=jnp.float32)
    return {"x": x, "edge_idx": edge_idx, "W1": W1, "b1": b1, "W2": W2, "b2": b2}


def reference(x, edge_idx, W1, b1, W2, b2):
    # GCN.forward with dropout in eval mode (identity)
    hidden = jax.nn.relu(gcn_conv(x, edge_idx, W1, b1))
    return gcn_conv(hidden, edge_idx, W2, b2)

if __name__ == "__main__":
    import jax
    _d = setup_inputs()
    print(jax.jit(kernel)(*tuple(_d.values())))

</pallas_src>

<mosaic_0001>
#map = affine_map<(d0, d1) -> (0, 0, 0)>
#map1 = affine_map<(d0, d1) -> (0, 0, 0, 0)>
module attributes {stable_mosaic.version = 14 : i64} {
  func.func @_seg_kernel(%arg0: i32, %arg1: i32, %arg2: memref<2x10000x64xf32, #tpu.memory_space<hbm>>, %arg3: memref<16x160x125xi32, #tpu.memory_space<hbm>>, %arg4: memref<16x160x125xi32, #tpu.memory_space<hbm>>, %arg5: memref<2x16x625x64xf32, #tpu.memory_space<hbm>>, %arg6: memref<160x125xi32, #tpu.memory_space<vmem>>, %arg7: memref<160x125xi32, #tpu.memory_space<vmem>>, %arg8: memref<125x64xf32, #tpu.memory_space<vmem>>, %arg9: memref<125x64xf32, #tpu.memory_space<vmem>>, %arg10: memref<125x64xf32, #tpu.memory_space<vmem>>, %arg11: memref<125x64xf32, #tpu.memory_space<vmem>>, %arg12: memref<125x64xf32, #tpu.memory_space<vmem>>, %arg13: memref<!tpu.dma_semaphore, #tpu.memory_space<semaphore_mem>>, %arg14: memref<!tpu.dma_semaphore, #tpu.memory_space<semaphore_mem>>, %arg15: memref<!tpu.dma_semaphore, #tpu.memory_space<semaphore_mem>>, %arg16: memref<!tpu.dma_semaphore, #tpu.memory_space<semaphore_mem>>, %arg17: memref<!tpu.dma_semaphore, #tpu.memory_space<semaphore_mem>>, %arg18: memref<10000x64xf32, #tpu.memory_space<vmem_shared>>) attributes {dimension_semantics = [#tpu.dimension_semantics<core_parallel>, #tpu.dimension_semantics<subcore_parallel>], iteration_bounds = array<i64: 2, 16>, scalar_prefetch = 0 : i64, scratch_operands = 13 : i64, tpu.core_type = #tpu.core_type<sc_vector_subcore>, window_params = [{transform_indices = #map}, {transform_indices = #map}, {transform_indices = #map}, {transform_indices = #map1}]} {
    %scan3A = arith.constant 0 : i32
    %scan3A_0 = arith.constant 125 : i32
    %scan3A_1 = arith.addi %scan3A, %scan3A_0 : i32
    %scan3A_2 = arith.constant 1 : i32
    scf.for %scan3A_59 = %scan3A to %scan3A_1 step %scan3A_2  : i32 {
      %mul3A_60 = arith.constant 1 : i32
      %mul3A_61 = arith.muli %scan3A_59, %mul3A_60 : i32
      %add3A = arith.constant 0 : i32
      %add3A_62 = arith.addi %add3A, %mul3A_61 : i32
      %scan3A_63 = arith.constant 0 : i32
      %scan3A_64 = arith.constant 4 : i32
      %scan3A_65 = arith.addi %scan3A_63, %scan3A_64 : i32
      %scan3A_66 = arith.constant 1 : i32
      scf.for %scan3A_68 = %scan3A_63 to %scan3A_65 step %scan3A_66  : i32 {
        %mul3A_69 = arith.constant 16 : i32
        %mul3A_70 = arith.muli %scan3A_68, %mul3A_69 : i32
        %add3A_71 = arith.constant 0 : i32
        %add3A_72 = arith.addi %add3A_71, %mul3A_70 : i32
        %broadcast_in_dim3A = arith.constant 0.000000e+00 : f32
        %broadcast_in_dim3A_73 = vector.broadcast %broadcast_in_dim3A : f32 to vector<16xf32>
        %swap3A = arith.index_cast %add3A_62 : i32 to index
        %swap3A_74 = arith.index_cast %add3A_72 : i32 to index
        %swap3A_75 = tpu.vector_load %arg8[%swap3A, %swap3A_74] {strides = array<i32>} : memref<125x64xf32, #tpu.memory_space<vmem>>, vector<1x16xf32>,
        %swap3A_76 = vector.shape_cast %swap3A_75 : vector<1x16xf32> to vector<16xf32>
        %swap3A_77 = vector.shape_cast %broadcast_in_dim3A_73 : vector<16xf32> to vector<1x16xf32>
        tpu.vector_store %arg8[%swap3A, %swap3A_74], %swap3A_77 {strides = array<i32>} : memref<125x64xf32, #tpu.memory_space<vmem>>, vector<1x16xf32>,
      }
      %scan3A_67 = arith.constant 4 : i32
    }
    %scan3A_3 = arith.constant 125 : i32
    %scan3A_4 = arith.constant 0 : i32
    %scan3A_5 = arith.constant 5 : i32
    %scan3A_6 = arith.addi %scan3A_4, %scan3A_5 : i32
    %scan3A_7 = arith.constant 1 : i32
    scf.for %scan3A_59 = %scan3A_4 to %scan3A_6 step %scan3A_7  : i32 {
      %mul3A_60 = arith.constant 125 : i32
      %mul3A_61 = arith.muli %scan3A_59, %mul3A_60 : i32
      %add3A = arith.constant 0 : i32
      %add3A_62 = arith.addi %add3A, %mul3A_61 : i32
      %mul3A_63 = arith.constant 625 : i32
      %mul3A_64 = arith.muli %arg1, %mul3A_63 : i32
      %add3A_65 = arith.addi %mul3A_64, %add3A_62 : i32
      "tpu.region"() ({
        %run_scoped3A = tpu.sem_alloc : memref<!tpu.dma_semaphore, #tpu.memory_space<semaphore_mem>>
        %dma_start3A_66 = arith.constant 0 : i32
        %dma_start3A_67 = tpu.memref_slice %arg18[%add3A_65, %dma_start3A_66] : memref<10000x64xf32, #tpu.memory_space<vmem_shared>> -> memref<125x64xf32, #tpu.memory_space<vmem_shared>>
        %dma_start3A_68 = arith.constant 0 : i32
        %dma_start3A_69 = tpu.memref_slice %arg18[%add3A_65, %dma_start3A_68] : memref<10000x64xf32, #tpu.memory_space<vmem_shared>> -> memref<125x64xf32, #tpu.memory_space<vmem_shared>>
        tpu.enqueue_dma source(%arg8 : memref<125x64xf32, #tpu.memory_space<vmem>>) target(%dma_start3A_69 : memref<125x64xf32, #tpu.memory_space<vmem_shared>>) target_semaphore(%run_scoped3A : memref<!tpu.dma_semaphore, #tpu.memory_space<semaphore_mem>>)
        %dma_wait3A = arith.constant 0 : i32
        %dma_wait3A_70 = tpu.memref_slice %arg18[%add3A_65, %dma_wait3A] : memref<10000x64xf32, #tpu.memory_space<vmem_shared>> -> memref<125x64xf32, #tpu.memory_space<vmem_shared>>
        %dma_wait3A_71 = arith.constant 0 : i32
        %dma_wait3A_72 = tpu.memref_slice %arg18[%add3A_65, %dma_wait3A_71] : memref<10000x64xf32, #tpu.memory_space<vmem_shared>> -> memref<125x64xf32, #tpu.memory_space<vmem_shared>>
        tpu.wait_dma2 semaphore(%run_scoped3A : memref<!tpu.dma_semaphore, #tpu.memory_space<semaphore_mem>>) src(%arg8 : memref<125x64xf32, #tpu.memory_space<vmem>>) dst(%dma_wait3A_72 : memref<125x64xf32, #tpu.memory_space<vmem_shared>>)
        tpu.yield
      }) : () -> ()
    }
    %scan3A_8 = arith.constant 5 : i32
    "tpu.region"() ({
      %run_scoped3A = tpu.sem_alloc : memref<!tpu.dma_semaphore, #tpu.memory_space<semaphore_mem>>
      %dma_start3A_59 = arith.constant 0 : i32
      %dma_start3A_60 = arith.constant 0 : i32
      %dma_start3A_61 = tpu.memref_slice %arg3[%arg1, %dma_start3A_59, %dma_start3A_60] : memref<16x160x125xi32, #tpu.memory_space<hbm>> -> memref<1x160x125xi32, #tpu.memory_space<hbm>>
      %dma_start3A_62 = tpu.memref_squeeze %dma_start3A_61 : memref<1x160x125xi32, #tpu.memory_space<hbm>> -> memref<160x125xi32, #tpu.memory_space<hbm>>
      %dma_start3A_63 = arith.constant 0 : i32
      %dma_start3A_64 = arith.constant 0 : i32
      %dma_start3A_65 = tpu.memref_slice %arg3[%arg1, %dma_start3A_63, %dma_start3A_64] : memref<16x160x125xi32, #tpu.memory_space<hbm>> -> memref<1x160x125xi32, #tpu.memory_space<hbm>>
      %dma_start3A_66 = tpu.memref_squeeze %dma_start3A_65 : memref<1x160x125xi32, #tpu.memory_space<hbm>> -> memref<160x125xi32, #tpu.memory_space<hbm>>
      tpu.enqueue_dma source(%dma_start3A_66 : memref<160x125xi32, #tpu.memory_space<hbm>>) target(%arg6 : memref<160x125xi32, #tpu.memory_space<vmem>>) target_semaphore(%run_scoped3A : memref<!tpu.dma_semaphore, #tpu.memory_space<semaphore_mem>>)
      %dma_wait3A = arith.constant 0 : i32
      %dma_wait3A_67 = arith.constant 0 : i32
      %dma_wait3A_68 = tpu.memref_slice %arg3[%arg1, %dma_wait3A, %dma_wait3A_67] : memref<16x160x125xi32, #tpu.memory_space<hbm>> -> memref<1x160x125xi32, #tpu.memory_space<hbm>>
      %dma_wait3A_69 = tpu.memref_squeeze %dma_wait3A_68 : memref<1x160x125xi32, #tpu.memory_space<hbm>> -> memref<160x125xi32, #tpu.memory_space<hbm>>
      %dma_wait3A_70 = arith.constant 0 : i32
      %dma_wait3A_71 = arith.constant 0 : i32
      %dma_wait3A_72 = tpu.memref_slice %arg3[%arg1, %dma_wait3A_70, %dma_wait3A_71] : memref<16x160x125xi32, #tpu.memory_space<hbm>> -> memref<1x160x125xi32, #tpu.memory_space<hbm>>
      %dma_wait3A_73 = tpu.memref_squeeze %dma_wait3A_72 : memref<1x160x125xi32, #tpu.memory_space<hbm>> -> memref<160x125xi32, #tpu.memory_space<hbm>>
      tpu.wait_dma2 semaphore(%run_scoped3A : memref<!tpu.dma_semaphore, #tpu.memory_space<semaphore_mem>>) src(%dma_wait3A_73 : memref<160x125xi32, #tpu.memory_space<hbm>>) dst(%arg6 : memref<160x125xi32, #tpu.memory_space<vmem>>)
      tpu.yield
    }) : () -> ()
    "tpu.region"() ({
      %run_scoped3A = tpu.sem_alloc : memref<!tpu.dma_semaphore, #tpu.memory_space<semaphore_mem>>
      %dma_start3A_59 = arith.constant 0 : i32
      %dma_start3A_60 = arith.constant 0 : i32
      %dma_start3A_61 = tpu.memref_slice %arg4[%arg1, %dma_start3A_59, %dma_start3A_60] : memref<16x160x125xi32, #tpu.memory_space<hbm>> -> memref<1x160x125xi32, #tpu.memory_space<hbm>>
      %dma_start3A_62 = tpu.memref_squeeze %dma_start3A_61 : memref<1x160x125xi32, #tpu.memory_space<hbm>> -> memref<160x125xi32, #tpu.memory_space<hbm>>
      %dma_start3A_63 = arith.constant 0 : i32
      %dma_start3A_64 = arith.constant 0 : i32
      %dma_start3A_65 = tpu.memref_slice %arg4[%arg1, %dma_start3A_63, %dma_start3A_64] : memref<16x160x125xi32, #tpu.memory_space<hbm>> -> memref<1x160x125xi32, #tpu.memory_space<hbm>>
      %dma_start3A_66 = tpu.memref_squeeze %dma_start3A_65 : memref<1x160x125xi32, #tpu.memory_space<hbm>> -> memref<160x125xi32, #tpu.memory_space<hbm>>
      tpu.enqueue_dma source(%dma_start3A_66 : memref<160x125xi32, #tpu.memory_space<hbm>>) target(%arg7 : memref<160x125xi32, #tpu.memory_space<vmem>>) target_semaphore(%run_scoped3A : memref<!tpu.dma_semaphore, #tpu.memory_space<semaphore_mem>>)
      %dma_wait3A = arith.constant 0 : i32
      %dma_wait3A_67 = arith.constant 0 : i32
      %dma_wait3A_68 = tpu.memref_slice %arg4[%arg1, %dma_wait3A, %dma_wait3A_67] : memref<16x160x125xi32, #tpu.memory_space<hbm>> -> memref<1x160x125xi32, #tpu.memory_space<hbm>>
      %dma_wait3A_69 = tpu.memref_squeeze %dma_wait3A_68 : memref<1x160x125xi32, #tpu.memory_space<hbm>> -> memref<160x125xi32, #tpu.memory_space<hbm>>
      %dma_wait3A_70 = arith.constant 0 : i32
      %dma_wait3A_71 = arith.constant 0 : i32
      %dma_wait3A_72 = tpu.memref_slice %arg4[%arg1, %dma_wait3A_70, %dma_wait3A_71] : memref<16x160x125xi32, #tpu.memory_space<hbm>> -> memref<1x160x125xi32, #tpu.memory_space<hbm>>
      %dma_wait3A_73 = tpu.memref_squeeze %dma_wait3A_72 : memref<1x160x125xi32, #tpu.memory_space<hbm>> -> memref<160x125xi32, #tpu.memory_space<hbm>>
      tpu.wait_dma2 semaphore(%run_scoped3A : memref<!tpu.dma_semaphore, #tpu.memory_space<semaphore_mem>>) src(%dma_wait3A_73 : memref<160x125xi32, #tpu.memory_space<hbm>>) dst(%arg7 : memref<160x125xi32, #tpu.memory_space<vmem>>)
      tpu.yield
    }) : () -> ()
    %barrier3A = arith.constant 0 : index
    tpu.barrier barrier_id(%barrier3A)
    %dma_start3A = arith.constant 0 : i32
    %dma_start3A_9 = arith.constant 0 : i32
    %dma_start3A_10 = tpu.memref_slice %arg6[%dma_start3A, %dma_start3A_9] : memref<160x125xi32, #tpu.memory_space<vmem>> -> memref<1x125xi32, #tpu.memory_space<vmem>>
    %dma_start3A_11 = tpu.memref_squeeze %dma_start3A_10 : memref<1x125xi32, #tpu.memory_space<vmem>> -> memref<125xi32, #tpu.memory_space<vmem>>
    %dma_start3A_12 = arith.constant 0 : i32
    %dma_start3A_13 = arith.constant 0 : i32
    %dma_start3A_14 = tpu.memref_slice %arg2[%arg0, %dma_start3A_12, %dma_start3A_13] : memref<2x10000x64xf32, #tpu.memory_space<hbm>> -> memref<1x10000x64xf32, #tpu.memory_space<hbm>>
    %dma_start3A_15 = tpu.memref_squeeze %dma_start3A_14 : memref<1x10000x64xf32, #tpu.memory_space<hbm>> -> memref<10000x64xf32, #tpu.memory_space<hbm>>
    %dma_start3A_16 = arith.constant 0 : i32
    %dma_start3A_17 = arith.constant 0 : i32
    %dma_start3A_18 = tpu.memref_slice %dma_start3A_15[%dma_start3A_16, %dma_start3A_17] : memref<10000x64xf32, #tpu.memory_space<hbm>> -> memref<10000x64xf32, #tpu.memory_space<hbm>>
    tpu.enqueue_indirect_dma source(%dma_start3A_18 : memref<10000x64xf32, #tpu.memory_space<hbm>>) target(%arg8 : memref<125x64xf32, #tpu.memory_space<vmem>>) offsets(%dma_start3A_11 : memref<125xi32, #tpu.memory_space<vmem>>) semaphore(%arg13 : memref<!tpu.dma_semaphore, #tpu.memory_space<semaphore_mem>>)
    %dma_start3A_19 = arith.constant 1 : i32
    %dma_start3A_20 = arith.constant 0 : i32
    %dma_start3A_21 = tpu.memref_slice %arg6[%dma_start3A_19, %dma_start3A_20] : memref<160x125xi32, #tpu.memory_space<vmem>> -> memref<1x125xi32, #tpu.memory_space<vmem>>
    %dma_start3A_22 = tpu.memref_squeeze %dma_start3A_21 : memref<1x125xi32, #tpu.memory_space<vmem>> -> memref<125xi32, #tpu.memory_space<vmem>>
    %dma_start3A_23 = arith.constant 0 : i32
    %dma_start3A_24 = arith.constant 0 : i32
    %dma_start3A_25 = tpu.memref_slice %arg2[%arg0, %dma_start3A_23, %dma_start3A_24] : memref<2x10000x64xf32, #tpu.memory_space<hbm>> -> memref<1x10000x64xf32, #tpu.memory_space<hbm>>
    %dma_start3A_26 = tpu.memref_squeeze %dma_start3A_25 : memref<1x10000x64xf32, #tpu.memory_space<hbm>> -> memref<10000x64xf32, #tpu.memory_space<hbm>>
    %dma_start3A_27 = arith.constant 0 : i32
    %dma_start3A_28 = arith.constant 0 : i32
    %dma_start3A_29 = tpu.memref_slice %dma_start3A_26[%dma_start3A_27, %dma_start3A_28] : memref<10000x64xf32, #tpu.memory_space<hbm>> -> memref<10000x64xf32, #tpu.memory_space<hbm>>
    tpu.enqueue_indirect_dma source(%dma_start3A_29 : memref<10000x64xf32, #tpu.memory_space<hbm>>) target(%arg9 : memref<125x64xf32, #tpu.memory_space<vmem>>) offsets(%dma_start3A_22 : memref<125xi32, #tpu.memory_space<vmem>>) semaphore(%arg14 : memref<!tpu.dma_semaphore, #tpu.memory_space<semaphore_mem>>)
    %dma_start3A_30 = arith.constant 2 : i32
    %dma_start3A_31 = arith.constant 0 : i32
    %dma_start3A_32 = tpu.memref_slice %arg6[%dma_start3A_30, %dma_start3A_31] : memref<160x125xi32, #tpu.memory_space<vmem>> -> memref<1x125xi32, #tpu.memory_space<vmem>>
    %dma_start3A_33 = tpu.memref_squeeze %dma_start3A_32 : memref<1x125xi32, #tpu.memory_space<vmem>> -> memref<125xi32, #tpu.memory_space<vmem>>
    %dma_start3A_34 = arith.constant 0 : i32
    %dma_start3A_35 = arith.constant 0 : i32
    %dma_start3A_36 = tpu.memref_slice %arg2[%arg0, %dma_start3A_34, %dma_start3A_35] : memref<2x10000x64xf32, #tpu.memory_space<hbm>> -> memref<1x10000x64xf32, #tpu.memory_space<hbm>>
    %dma_start3A_37 = tpu.memref_squeeze %dma_start3A_36 : memref<1x10000x64xf32, #tpu.memory_space<hbm>> -> memref<10000x64xf32, #tpu.memory_space<hbm>>
    %dma_start3A_38 = arith.constant 0 : i32
    %dma_start3A_39 = arith.constant 0 : i32
    %dma_start3A_40 = tpu.memref_slice %dma_start3A_37[%dma_start3A_38, %dma_start3A_39] : memref<10000x64xf32, #tpu.memory_space<hbm>> -> memref<10000x64xf32, #tpu.memory_space<hbm>>
    tpu.enqueue_indirect_dma source(%dma_start3A_40 : memref<10000x64xf32, #tpu.memory_space<hbm>>) target(%arg10 : memref<125x64xf32, #tpu.memory_space<vmem>>) offsets(%dma_start3A_33 : memref<125xi32, #tpu.memory_space<vmem>>) semaphore(%arg15 : memref<!tpu.dma_semaphore, #tpu.memory_space<semaphore_mem>>)
    %dma_start3A_41 = arith.constant 3 : i32
    %dma_start3A_42 = arith.constant 0 : i32
    %dma_start3A_43 = tpu.memref_slice %arg6[%dma_start3A_41, %dma_start3A_42] : memref<160x125xi32, #tpu.memory_space<vmem>> -> memref<1x125xi32, #tpu.memory_space<vmem>>
    %dma_start3A_44 = tpu.memref_squeeze %dma_start3A_43 : memref<1x125xi32, #tpu.memory_space<vmem>> -> memref<125xi32, #tpu.memory_space<vmem>>
    %dma_start3A_45 = arith.constant 0 : i32
    %dma_start3A_46 = arith.constant 0 : i32
    %dma_start3A_47 = tpu.memref_slice %arg2[%arg0, %dma_start3A_45, %dma_start3A_46] : memref<2x10000x64xf32, #tpu.memory_space<hbm>> -> memref<1x10000x64xf32, #tpu.memory_space<hbm>>
    %dma_start3A_48 = tpu.memref_squeeze %dma_start3A_47 : memref<1x10000x64xf32, #tpu.memory_space<hbm>> -> memref<10000x64xf32, #tpu.memory_space<hbm>>
    %dma_start3A_49 = arith.constant 0 : i32
    %dma_start3A_50 = arith.constant 0 : i32
    %dma_start3A_51 = tpu.memref_slice %dma_start3A_48[%dma_start3A_49, %dma_start3A_50] : memref<10000x64xf32, #tpu.memory_space<hbm>> -> memref<10000x64xf32, #tpu.memory_space<hbm>>
    tpu.enqueue_indirect_dma source(%dma_start3A_51 : memref<10000x64xf32, #tpu.memory_space<hbm>>) target(%arg11 : memref<125x64xf32, #tpu.memory_space<vmem>>) offsets(%dma_start3A_44 : memref<125xi32, #tpu.memory_space<vmem>>) semaphore(%arg16 : memref<!tpu.dma_semaphore, #tpu.memory_space<semaphore_mem>>)
    %scan3A_52 = arith.constant 0 : i32
    %scan3A_53 = arith.constant 32 : i32
    %scan3A_54 = arith.addi %scan3A_52, %scan3A_53 : i32
    %scan3A_55 = arith.constant 1 : i32
    scf.for %scan3A_59 = %scan3A_52 to %scan3A_54 step %scan3A_55  : i32 {
      %mul3A_60 = arith.constant 1 : i32
      %mul3A_61 = arith.muli %scan3A_59, %mul3A_60 : i32
      %add3A = arith.constant 0 : i32
      %add3A_62 = arith.addi %add3A, %mul3A_61 : i32
      %mul3A_63 = arith.constant 5 : i32
      %mul3A_64 = arith.muli %mul3A_63, %add3A_62 : i32
      %add3A_65 = arith.constant 0 : i32
      %add3A_66 = arith.addi %mul3A_64, %add3A_65 : i32
      %dma_wait3A = arith.constant 0 : i32
      %dma_wait3A_67 = tpu.memref_slice %arg6[%add3A_66, %dma_wait3A] : memref<160x125xi32, #tpu.memory_space<vmem>> -> memref<1x125xi32, #tpu.memory_space<vmem>>
      %dma_wait3A_68 = tpu.memref_squeeze %dma_wait3A_67 : memref<1x125xi32, #tpu.memory_space<vmem>> -> memref<125xi32, #tpu.memory_space<vmem>>
      %dma_wait3A_69 = arith.constant 0 : i32
      %dma_wait3A_70 = arith.constant 0 : i32
      %dma_wait3A_71 = tpu.memref_slice %arg2[%arg0, %dma_wait3A_69, %dma_wait3A_70] : memref<2x10000x64xf32, #tpu.memory_space<hbm>> -> memref<1x10000x64xf32, #tpu.memory_space<hbm>>
      %dma_wait3A_72 = tpu.memref_squeeze %dma_wait3A_71 : memref<1x10000x64xf32, #tpu.memory_space<hbm>> -> memref<10000x64xf32, #tpu.memory_space<hbm>>
      %dma_wait3A_73 = arith.constant 0 : i32
      %dma_wait3A_74 = arith.constant 0 : i32
      %dma_wait3A_75 = tpu.memref_slice %dma_wait3A_72[%dma_wait3A_73, %dma_wait3A_74] : memref<10000x64xf32, #tpu.memory_space<hbm>> -> memref<10000x64xf32, #tpu.memory_space<hbm>>
      tpu.wait_indirect_dma semaphore(%arg13 : memref<!tpu.dma_semaphore, #tpu.memory_space<semaphore_mem>>) src(%dma_wait3A_75 : memref<10000x64xf32, #tpu.memory_space<hbm>>) dst(%arg8 : memref<125x64xf32, #tpu.memory_space<vmem>>)
      %add3A_76 = arith.constant 5 : i32
      %add3A_77 = arith.addi %mul3A_64, %add3A_76 : i32
      %sub3A = arith.constant 1 : i32
      %sub3A_78 = arith.subi %add3A_77, %sub3A : i32
      %dma_start3A_79 = arith.constant 0 : i32
      %dma_start3A_80 = tpu.memref_slice %arg6[%sub3A_78, %dma_start3A_79] : memref<160x125xi32, #tpu.memory_space<vmem>> -> memref<1x125xi32, #tpu.memory_space<vmem>>
      %dma_start3A_81 = tpu.memref_squeeze %dma_start3A_80 : memref<1x125xi32, #tpu.memory_space<vmem>> -> memref<125xi32, #tpu.memory_space<vmem>>
      %dma_start3A_82 = arith.constant 0 : i32
      %dma_start3A_83 = arith.constant 0 : i32
      %dma_start3A_84 = tpu.memref_slice %arg2[%arg0, %dma_start3A_82, %dma_start3A_83] : memref<2x10000x64xf32, #tpu.memory_space<hbm>> -> memref<1x10000x64xf32, #tpu.memory_space<hbm>>
      %dma_start3A_85 = tpu.memref_squeeze %dma_start3A_84 : memref<1x10000x64xf32, #tpu.memory_space<hbm>> -> memref<10000x64xf32, #tpu.memory_space<hbm>>
      %dma_start3A_86 = arith.constant 0 : i32
      %dma_start3A_87 = arith.constant 0 : i32
      %dma_start3A_88 = tpu.memref_slice %dma_start3A_85[%dma_start3A_86, %dma_start3A_87] : memref<10000x64xf32, #tpu.memory_space<hbm>> -> memref<10000x64xf32, #tpu.memory_space<hbm>>
      tpu.enqueue_indirect_dma source(%dma_start3A_88 : memref<10000x64xf32, #tpu.memory_space<hbm>>) target(%arg12 : memref<125x64xf32, #tpu.memory_space<vmem>>) offsets(%dma_start3A_81 : memref<125xi32, #tpu.memory_space<vmem>>) semaphore(%arg17 : memref<!tpu.dma_semaphore, #tpu.memory_space<semaphore_mem>>)
      %add3A_89 = arith.constant 0 : i32
      %add3A_90 = arith.addi %mul3A_64, %add3A_89 : i32
      "tpu.region"() ({
        %run_scoped3A = tpu.sem_alloc : memref<!tpu.dma_semaphore, #tpu.memory_space<semaphore_mem>>
        %dma_start3A_188 = arith.constant 0 : i32
        %dma_start3A_189 = tpu.memref_slice %arg7[%add3A_90, %dma_start3A_188] : memref<160x125xi32, #tpu.memory_space<vmem>> -> memref<1x125xi32, #tpu.memory_space<vmem>>
        %dma_start3A_190 = tpu.memref_squeeze %dma_start3A_189 : memref<1x125xi32, #tpu.memory_space<vmem>> -> memref<125xi32, #tpu.memory_space<vmem>>
        %dma_start3A_191 = arith.constant 0 : i32
        %dma_start3A_192 = arith.constant 0 : i32
        %dma_start3A_193 = tpu.memref_slice %arg18[%dma_start3A_191, %dma_start3A_192] : memref<10000x64xf32, #tpu.memory_space<vmem_shared>> -> memref<10000x64xf32, #tpu.memory_space<vmem_shared>>
        tpu.enqueue_indirect_dma source(%arg8 : memref<125x64xf32, #tpu.memory_space<vmem>>) target(%dma_start3A_193 : memref<10000x64xf32, #tpu.memory_space<vmem_shared>>) offsets(%dma_start3A_190 : memref<125xi32, #tpu.memory_space<vmem>>) semaphore(%run_scoped3A : memref<!tpu.dma_semaphore, #tpu.memory_space<semaphore_mem>>) {add = true}
        %dma_wait3A_194 = arith.constant 0 : i32
        %dma_wait3A_195 = tpu.memref_slice %arg7[%add3A_90, %dma_wait3A_194] : memref<160x125xi32, #tpu.memory_space<vmem>> -> memref<1x125xi32, #tpu.memory_space<vmem>>
        %dma_wait3A_196 = tpu.memref_squeeze %dma_wait3A_195 : memref<1x125xi32, #tpu.memory_space<vmem>> -> memref<125xi32, #tpu.memory_space<vmem>>
        %dma_wait3A_197 = arith.constant 0 : i32
        %dma_wait3A_198 = arith.constant 0 : i32
        %dma_wait3A_199 = tpu.memref_slice %arg18[%dma_wait3A_197, %dma_wait3A_198] : memref<10000x64xf32, #tpu.memory_space<vmem_shared>> -> memref<10000x64xf32, #tpu.memory_space<vmem_shared>>
        tpu.wait_indirect_dma semaphore(%run_scoped3A : memref<!tpu.dma_semaphore, #tpu.memory_space<semaphore_mem>>) src(%arg8 : memref<125x64xf32, #tpu.memory_space<vmem>>) dst(%dma_wait3A_199 : memref<10000x64xf32, #tpu.memory_space<vmem_shared>>)
        tpu.yield
      }) : () -> ()
      %add3A_91 = arith.constant 1 : i32
      %add3A_92 = arith.addi %mul3A_64, %add3A_91 : i32
      %dma_wait3A_93 = arith.constant 0 : i32
      %dma_wait3A_94 = tpu.memref_slice %arg6[%add3A_92, %dma_wait3A_93] : memref<160x125xi32, #tpu.memory_space<vmem>> -> memref<1x125xi32, #tpu.memory_space<vmem>>
      %dma_wait3A_95 = tpu.memref_squeeze %dma_wait3A_94 : memref<1x125xi32, #tpu.memory_space<vmem>> -> memref<125xi32, #tpu.memory_space<vmem>>
      %dma_wait3A_96 = arith.constant 0 : i32
      %dma_wait3A_97 = arith.constant 0 : i32
      %dma_wait3A_98 = tpu.memref_slice %arg2[%arg0, %dma_wait3A_96, %dma_wait3A_97] : memref<2x10000x64xf32, #tpu.memory_space<hbm>> -> memref<1x10000x64xf32, #tpu.memory_space<hbm>>
      %dma_wait3A_99 = tpu.memref_squeeze %dma_wait3A_98 : memref<1x10000x64xf32, #tpu.memory_space<hbm>> -> memref<10000x64xf32, #tpu.memory_space<hbm>>
      %dma_wait3A_100 = arith.constant 0 : i32
      %dma_wait3A_101 = arith.constant 0 : i32
      %dma_wait3A_102 = tpu.memref_slice %dma_wait3A_99[%dma_wait3A_100, %dma_wait3A_101] : memref<10000x64xf32, #tpu.memory_space<hbm>> -> memref<10000x64xf32, #tpu.memory_space<hbm>>
      tpu.wait_indirect_dma semaphore(%arg14 : memref<!tpu.dma_semaphore, #tpu.memory_space<semaphore_mem>>) src(%dma_wait3A_102 : memref<10000x64xf32, #tpu.memory_space<hbm>>) dst(%arg9 : memref<125x64xf32, #tpu.memory_space<vmem>>)
      %add3A_103 = arith.constant 1 : i32
      %add3A_104 = arith.addi %mul3A_64, %add3A_103 : i32
      %add3A_105 = arith.constant 5 : i32
      %add3A_106 = arith.addi %add3A_104, %add3A_105 : i32
      %sub3A_107 = arith.constant 1 : i32
      %sub3A_108 = arith.subi %add3A_106, %sub3A_107 : i32
      %lt3A = arith.constant 160 : i32
      %lt3A_109 = arith.cmpi slt, %sub3A_108, %lt3A : i32
      %convert_element_type3A = arith.extui %lt3A_109 : i1 to i32
      %cond3A = arith.constant 0 : i32
      %cond3A_110 = arith.cmpi ne, %convert_element_type3A, %cond3A : i32
      scf.if %cond3A_110 {
        %add3A_188 = arith.constant 1 : i32
        %add3A_189 = arith.addi %mul3A_64, %add3A_188 : i32
        %add3A_190 = arith.constant 5 : i32
        %add3A_191 = arith.addi %add3A_189, %add3A_190 : i32
        %sub3A_192 = arith.constant 1 : i32
        %sub3A_193 = arith.subi %add3A_191, %sub3A_192 : i32
        %dma_start3A_194 = arith.constant 0 : i32
        %dma_start3A_195 = tpu.memref_slice %arg6[%sub3A_193, %dma_start3A_194] : memref<160x125xi32, #tpu.memory_space<vmem>> -> memref<1x125xi32, #tpu.memory_space<vmem>>
        %dma_start3A_196 = tpu.memref_squeeze %dma_start3A_195 : memref<1x125xi32, #tpu.memory_space<vmem>> -> memref<125xi32, #tpu.memory_space<vmem>>
        %dma_start3A_197 = arith.constant 0 : i32
        %dma_start3A_198 = arith.constant 0 : i32
        %dma_start3A_199 = tpu.memref_slice %arg2[%arg0, %dma_start3A_197, %dma_start3A_198] : memref<2x10000x64xf32, #tpu.memory_space<hbm>> -> memref<1x10000x64xf32, #tpu.memory_space<hbm>>
        %dma_start3A_200 = tpu.memref_squeeze %dma_start3A_199 : memref<1x10000x64xf32, #tpu.memory_space<hbm>> -> memref<10000x64xf32, #tpu.memory_space<hbm>>
        %dma_start3A_201 = arith.constant 0 : i32
        %dma_start3A_202 = arith.constant 0 : i32
        %dma_start3A_203 = tpu.memref_slice %dma_start3A_200[%dma_start3A_201, %dma_start3A_202] : memref<10000x64xf32, #tpu.memory_space<hbm>> -> memref<10000x64xf32, #tpu.memory_space<hbm>>
        tpu.enqueue_indirect_dma source(%dma_start3A_203 : memref<10000x64xf32, #tpu.memory_space<hbm>>) target(%arg8 : memref<125x64xf32, #tpu.memory_space<vmem>>) offsets(%dma_start3A_196 : memref<125xi32, #tpu.memory_space<vmem>>) semaphore(%arg13 : memref<!tpu.dma_semaphore, #tpu.memory_space<semaphore_mem>>)
      } else {
      }
      %add3A_111 = arith.constant 1 : i32
      %add3A_112 = arith.addi %mul3A_64, %add3A_111 : i32
      "tpu.region"() ({
        %run_scoped3A = tpu.sem_alloc : memref<!tpu.dma_semaphore, #tpu.memory_space<semaphore_mem>>
        %dma_start3A_188 = arith.constant 0 : i32
        %dma_start3A_189 = tpu.memref_slice %arg7[%add3A_112, %dma_start3A_188] : memref<160x125xi32, #tpu.memory_space<vmem>> -> memref<1x125xi32, #tpu.memory_space<vmem>>
        %dma_start3A_190 = tpu.memref_squeeze %dma_start3A_189 : memref<1x125xi32, #tpu.memory_space<vmem>> -> memref<125xi32, #tpu.memory_space<vmem>>
        %dma_start3A_191 = arith.constant 0 : i32
        %dma_start3A_192 = arith.constant 0 : i32
        %dma_start3A_193 = tpu.memref_slice %arg18[%dma_start3A_191, %dma_start3A_192] : memref<10000x64xf32, #tpu.memory_space<vmem_shared>> -> memref<10000x64xf32, #tpu.memory_space<vmem_shared>>
        tpu.enqueue_indirect_dma source(%arg9 : memref<125x64xf32, #tpu.memory_space<vmem>>) target(%dma_start3A_193 : memref<10000x64xf32, #tpu.memory_space<vmem_shared>>) offsets(%dma_start3A_190 : memref<125xi32, #tpu.memory_space<vmem>>) semaphore(%run_scoped3A : memref<!tpu.dma_semaphore, #tpu.memory_space<semaphore_mem>>) {add = true}
        %dma_wait3A_194 = arith.constant 0 : i32
        %dma_wait3A_195 = tpu.memref_slice %arg7[%add3A_112, %dma_wait3A_194] : memref<160x125xi32, #tpu.memory_space<vmem>> -> memref<1x125xi32, #tpu.memory_space<vmem>>
        %dma_wait3A_196 = tpu.memref_squeeze %dma_wait3A_195 : memref<1x125xi32, #tpu.memory_space<vmem>> -> memref<125xi32, #tpu.memory_space<vmem>>
        %dma_wait3A_197 = arith.constant 0 : i32
        %dma_wait3A_198 = arith.constant 0 : i32
        %dma_wait3A_199 = tpu.memref_slice %arg18[%dma_wait3A_197, %dma_wait3A_198] : memref<10000x64xf32, #tpu.memory_space<vmem_shared>> -> memref<10000x64xf32, #tpu.memory_space<vmem_shared>>
        tpu.wait_indirect_dma semaphore(%run_scoped3A : memref<!tpu.dma_semaphore, #tpu.memory_space<semaphore_mem>>) src(%arg9 : memref<125x64xf32, #tpu.memory_space<vmem>>) dst(%dma_wait3A_199 : memref<10000x64xf32, #tpu.memory_space<vmem_shared>>)
        tpu.yield
      }) : () -> ()
      %add3A_113 = arith.constant 2 : i32
      %add3A_114 = arith.addi %mul3A_64, %add3A_113 : i32
      %dma_wait3A_115 = arith.constant 0 : i32
      %dma_wait3A_116 = tpu.memref_slice %arg6[%add3A_114, %dma_wait3A_115] : memref<160x125xi32, #tpu.memory_space<vmem>> -> memref<1x125xi32, #tpu.memory_space<vmem>>
      %dma_wait3A_117 = tpu.memref_squeeze %dma_wait3A_116 : memref<1x125xi32, #tpu.memory_space<vmem>> -> memref<125xi32, #tpu.memory_space<vmem>>
      %dma_wait3A_118 = arith.constant 0 : i32
      %dma_wait3A_119 = arith.constant 0 : i32
      %dma_wait3A_120 = tpu.memref_slice %arg2[%arg0, %dma_wait3A_118, %dma_wait3A_119] : memref<2x10000x64xf32, #tpu.memory_space<hbm>> -> memref<1x10000x64xf32, #tpu.memory_space<hbm>>
      %dma_wait3A_121 = tpu.memref_squeeze %dma_wait3A_120 : memref<1x10000x64xf32, #tpu.memory_space<hbm>> -> memref<10000x64xf32, #tpu.memory_space<hbm>>
      %dma_wait3A_122 = arith.constant 0 : i32
      %dma_wait3A_123 = arith.constant 0 : i32
      %dma_wait3A_124 = tpu.memref_slice %dma_wait3A_121[%dma_wait3A_122, %dma_wait3A_123] : memref<10000x64xf32, #tpu.memory_space<hbm>> -> memref<10000x64xf32, #tpu.memory_space<hbm>>
      tpu.wait_indirect_dma semaphore(%arg15 : memref<!tpu.dma_semaphore, #tpu.memory_space<semaphore_mem>>) src(%dma_wait3A_124 : memref<10000x64xf32, #tpu.memory_space<hbm>>) dst(%arg10 : memref<125x64xf32, #tpu.memory_space<vmem>>)
      %add3A_125 = arith.constant 2 : i32
      %add3A_126 = arith.addi %mul3A_64, %add3A_125 : i32
      %add3A_127 = arith.constant 5 : i32
      %add3A_128 = arith.addi %add3A_126, %add3A_127 : i32
      %sub3A_129 = arith.constant 1 : i32
      %sub3A_130 = arith.subi %add3A_128, %sub3A_129 : i32
      %lt3A_131 = arith.constant 160 : i32
      %lt3A_132 = arith.cmpi slt, %sub3A_130, %lt3A_131 : i32
      %convert_element_type3A_133 = arith.extui %lt3A_132 : i1 to i32
      %cond3A_134 = arith.constant 0 : i32
      %cond3A_135 = arith.cmpi ne, %convert_element_type3A_133, %cond3A_134 : i32
      scf.if %cond3A_135 {
        %add3A_188 = arith.constant 2 : i32
        %add3A_189 = arith.addi %mul3A_64, %add3A_188 : i32
        %add3A_190 = arith.constant 5 : i32
        %add3A_191 = arith.addi %add3A_189, %add3A_190 : i32
        %sub3A_192 = arith.constant 1 : i32
        %sub3A_193 = arith.subi %add3A_191, %sub3A_192 : i32
        %dma_start3A_194 = arith.constant 0 : i32
        %dma_start3A_195 = tpu.memref_slice %arg6[%sub3A_193, %dma_start3A_194] : memref<160x125xi32, #tpu.memory_space<vmem>> -> memref<1x125xi32, #tpu.memory_space<vmem>>
        %dma_start3A_196 = tpu.memref_squeeze %dma_start3A_195 : memref<1x125xi32, #tpu.memory_space<vmem>> -> memref<125xi32, #tpu.memory_space<vmem>>
        %dma_start3A_197 = arith.constant 0 : i32
        %dma_start3A_198 = arith.constant 0 : i32
        %dma_start3A_199 = tpu.memref_slice %arg2[%arg0, %dma_start3A_197, %dma_start3A_198] : memref<2x10000x64xf32, #tpu.memory_space<hbm>> -> memref<1x10000x64xf32, #tpu.memory_space<hbm>>
        %dma_start3A_200 = tpu.memref_squeeze %dma_start3A_199 : memref<1x10000x64xf32, #tpu.memory_space<hbm>> -> memref<10000x64xf32, #tpu.memory_space<hbm>>
        %dma_start3A_201 = arith.constant 0 : i32
        %dma_start3A_202 = arith.constant 0 : i32
        %dma_start3A_203 = tpu.memref_slice %dma_start3A_200[%dma_start3A_201, %dma_start3A_202] : memref<10000x64xf32, #tpu.memory_space<hbm>> -> memref<10000x64xf32, #tpu.memory_space<hbm>>
        tpu.enqueue_indirect_dma source(%dma_start3A_203 : memref<10000x64xf32, #tpu.memory_space<hbm>>) target(%arg9 : memref<125x64xf32, #tpu.memory_space<vmem>>) offsets(%dma_start3A_196 : memref<125xi32, #tpu.memory_space<vmem>>) semaphore(%arg14 : memref<!tpu.dma_semaphore, #tpu.memory_space<semaphore_mem>>)
      } else {
      }
      %add3A_136 = arith.constant 2 : i32
      %add3A_137 = arith.addi %mul3A_64, %add3A_136 : i32
      "tpu.region"() ({
        %run_scoped3A = tpu.sem_alloc : memref<!tpu.dma_semaphore, #tpu.memory_space<semaphore_mem>>
        %dma_start3A_188 = arith.constant 0 : i32
        %dma_start3A_189 = tpu.memref_slice %arg7[%add3A_137, %dma_start3A_188] : memref<160x125xi32, #tpu.memory_space<vmem>> -> memref<1x125xi32, #tpu.memory_space<vmem>>
        %dma_start3A_190 = tpu.memref_squeeze %dma_start3A_189 : memref<1x125xi32, #tpu.memory_space<vmem>> -> memref<125xi32, #tpu.memory_space<vmem>>
        %dma_start3A_191 = arith.constant 0 : i32
        %dma_start3A_192 = arith.constant 0 : i32
        %dma_start3A_193 = tpu.memref_slice %arg18[%dma_start3A_191, %dma_start3A_192] : memref<10000x64xf32, #tpu.memory_space<vmem_shared>> -> memref<10000x64xf32, #tpu.memory_space<vmem_shared>>
        tpu.enqueue_indirect_dma source(%arg10 : memref<125x64xf32, #tpu.memory_space<vmem>>) target(%dma_start3A_193 : memref<10000x64xf32, #tpu.memory_space<vmem_shared>>) offsets(%dma_start3A_190 : memref<125xi32, #tpu.memory_space<vmem>>) semaphore(%run_scoped3A : memref<!tpu.dma_semaphore, #tpu.memory_space<semaphore_mem>>) {add = true}
        %dma_wait3A_194 = arith.constant 0 : i32
        %dma_wait3A_195 = tpu.memref_slice %arg7[%add3A_137, %dma_wait3A_194] : memref<160x125xi32, #tpu.memory_space<vmem>> -> memref<1x125xi32, #tpu.memory_space<vmem>>
        %dma_wait3A_196 = tpu.memref_squeeze %dma_wait3A_195 : memref<1x125xi32, #tpu.memory_space<vmem>> -> memref<125xi32, #tpu.memory_space<vmem>>
        %dma_wait3A_197 = arith.constant 0 : i32
        %dma_wait3A_198 = arith.constant 0 : i32
        %dma_wait3A_199 = tpu.memref_slice %arg18[%dma_wait3A_197, %dma_wait3A_198] : memref<10000x64xf32, #tpu.memory_space<vmem_shared>> -> memref<10000x64xf32, #tpu.memory_space<vmem_shared>>
        tpu.wait_indirect_dma semaphore(%run_scoped3A : memref<!tpu.dma_semaphore, #tpu.memory_space<semaphore_mem>>) src(%arg10 : memref<125x64xf32, #tpu.memory_space<vmem>>) dst(%dma_wait3A_199 : memref<10000x64xf32, #tpu.memory_space<vmem_shared>>)
        tpu.yield
      }) : () -> ()
      %add3A_138 = arith.constant 3 : i32
      %add3A_139 = arith.addi %mul3A_64, %add3A_138 : i32
      %dma_wait3A_140 = arith.constant 0 : i32
      %dma_wait3A_141 = tpu.memref_slice %arg6[%add3A_139, %dma_wait3A_140] : memref<160x125xi32, #tpu.memory_space<vmem>> -> memref<1x125xi32, #tpu.memory_space<vmem>>
      %dma_wait3A_142 = tpu.memref_squeeze %dma_wait3A_141 : memref<1x125xi32, #tpu.memory_space<vmem>> -> memref<125xi32, #tpu.memory_space<vmem>>
      %dma_wait3A_143 = arith.constant 0 : i32
      %dma_wait3A_144 = arith.constant 0 : i32
      %dma_wait3A_145 = tpu.memref_slice %arg2[%arg0, %dma_wait3A_143, %dma_wait3A_144] : memref<2x10000x64xf32, #tpu.memory_space<hbm>> -> memref<1x10000x64xf32, #tpu.memory_space<hbm>>
      %dma_wait3A_146 = tpu.memref_squeeze %dma_wait3A_145 : memref<1x10000x64xf32, #tpu.memory_space<hbm>> -> memref<10000x64xf32, #tpu.memory_space<hbm>>
      %dma_wait3A_147 = arith.constant 0 : i32
      %dma_wait3A_148 = arith.constant 0 : i32
      %dma_wait3A_149 = tpu.memref_slice %dma_wait3A_146[%dma_wait3A_147, %dma_wait3A_148] : memref<10000x64xf32, #tpu.memory_space<hbm>> -> memref<10000x64xf32, #tpu.memory_space<hbm>>
      tpu.wait_indirect_dma semaphore(%arg16 : memref<!tpu.dma_semaphore, #tpu.memory_space<semaphore_mem>>) src(%dma_wait3A_149 : memref<10000x64xf32, #tpu.memory_space<hbm>>) dst(%arg11 : memref<125x64xf32, #tpu.memory_space<vmem>>)
      %add3A_150 = arith.constant 3 : i32
      %add3A_151 = arith.addi %mul3A_64, %add3A_150 : i32
      %add3A_152 = arith.constant 5 : i32
      %add3A_153 = arith.addi %add3A_151, %add3A_152 : i32
      %sub3A_154 = arith.constant 1 : i32
      %sub3A_155 = arith.subi %add3A_153, %sub3A_154 : i32
      %lt3A_156 = arith.constant 160 : i32
      %lt3A_157 = arith.cmpi slt, %sub3A_155, %lt3A_156 : i32
      %convert_element_type3A_158 = arith.extui %lt3A_157 : i1 to i32
      %cond3A_159 = arith.constant 0 : i32
      %cond3A_160 = arith.cmpi ne, %convert_element_type3A_158, %cond3A_159 : i32
      scf.if %cond3A_160 {
        %add3A_188 = arith.constant 3 : i32
        %add3A_189 = arith.addi %mul3A_64, %add3A_188 : i32
        %add3A_190 = arith.constant 5 : i32
        %add3A_191 = arith.addi %add3A_189, %add3A_190 : i32
        %sub3A_192 = arith.constant 1 : i32
        %sub3A_193 = arith.subi %add3A_191, %sub3A_192 : i32
        %dma_start3A_194 = arith.constant 0 : i32
        %dma_start3A_195 = tpu.memref_slice %arg6[%sub3A_193, %dma_start3A_194] : memref<160x125xi32, #tpu.memory_space<vmem>> -> memref<1x125xi32, #tpu.memory_space<vmem>>
        %dma_start3A_196 = tpu.memref_squeeze %dma_start3A_195 : memref<1x125xi32, #tpu.memory_space<vmem>> -> memref<125xi32, #tpu.memory_space<vmem>>
        %dma_start3A_197 = arith.constant 0 : i32
        %dma_start3A_198 = arith.constant 0 : i32
        %dma_start3A_199 = tpu.memref_slice %arg2[%arg0, %dma_start3A_197, %dma_start3A_198] : memref<2x10000x64xf32, #tpu.memory_space<hbm>> -> memref<1x10000x64xf32, #tpu.memory_space<hbm>>
        %dma_start3A_200 = tpu.memref_squeeze %dma_start3A_199 : memref<1x10000x64xf32, #tpu.memory_space<hbm>> -> memref<10000x64xf32, #tpu.memory_space<hbm>>
        %dma_start3A_201 = arith.constant 0 : i32
        %dma_start3A_202 = arith.constant 0 : i32
        %dma_start3A_203 = tpu.memref_slice %dma_start3A_200[%dma_start3A_201, %dma_start3A_202] : memref<10000x64xf32, #tpu.memory_space<hbm>> -> memref<10000x64xf32, #tpu.memory_space<hbm>>
        tpu.enqueue_indirect_dma source(%dma_start3A_203 : memref<10000x64xf32, #tpu.memory_space<hbm>>) target(%arg10 : memref<125x64xf32, #tpu.memory_space<vmem>>) offsets(%dma_start3A_196 : memref<125xi32, #tpu.memory_space<vmem>>) semaphore(%arg15 : memref<!tpu.dma_semaphore, #tpu.memory_space<semaphore_mem>>)
      } else {
      }
      %add3A_161 = arith.constant 3 : i32
      %add3A_162 = arith.addi %mul3A_64, %add3A_161 : i32
      "tpu.region"() ({
        %run_scoped3A = tpu.sem_alloc : memref<!tpu.dma_semaphore, #tpu.memory_space<semaphore_mem>>
        %dma_start3A_188 = arith.constant 0 : i32
        %dma_start3A_189 = tpu.memref_slice %arg7[%add3A_162, %dma_start3A_188] : memref<160x125xi32, #tpu.memory_space<vmem>> -> memref<1x125xi32, #tpu.memory_space<vmem>>
        %dma_start3A_190 = tpu.memref_squeeze %dma_start3A_189 : memref<1x125xi32, #tpu.memory_space<vmem>> -> memref<125xi32, #tpu.memory_space<vmem>>
        %dma_start3A_191 = arith.constant 0 : i32
        %dma_start3A_192 = arith.constant 0 : i32
        %dma_start3A_193 = tpu.memref_slice %arg18[%dma_start3A_191, %dma_start3A_192] : memref<10000x64xf32, #tpu.memory_space<vmem_shared>> -> memref<10000x64xf32, #tpu.memory_space<vmem_shared>>
        tpu.enqueue_indirect_dma source(%arg11 : memref<125x64xf32, #tpu.memory_space<vmem>>) target(%dma_start3A_193 : memref<10000x64xf32, #tpu.memory_space<vmem_shared>>) offsets(%dma_start3A_190 : memref<125xi32, #tpu.memory_space<vmem>>) semaphore(%run_scoped3A : memref<!tpu.dma_semaphore, #tpu.memory_space<semaphore_mem>>) {add = true}
        %dma_wait3A_194 = arith.constant 0 : i32
        %dma_wait3A_195 = tpu.memref_slice %arg7[%add3A_162, %dma_wait3A_194] : memref<160x125xi32, #tpu.memory_space<vmem>> -> memref<1x125xi32, #tpu.memory_space<vmem>>
        %dma_wait3A_196 = tpu.memref_squeeze %dma_wait3A_195 : memref<1x125xi32, #tpu.memory_space<vmem>> -> memref<125xi32, #tpu.memory_space<vmem>>
        %dma_wait3A_197 = arith.constant 0 : i32
        %dma_wait3A_198 = arith.constant 0 : i32
        %dma_wait3A_199 = tpu.memref_slice %arg18[%dma_wait3A_197, %dma_wait3A_198] : memref<10000x64xf32, #tpu.memory_space<vmem_shared>> -> memref<10000x64xf32, #tpu.memory_space<vmem_shared>>
        tpu.wait_indirect_dma semaphore(%run_scoped3A : memref<!tpu.dma_semaphore, #tpu.memory_space<semaphore_mem>>) src(%arg11 : memref<125x64xf32, #tpu.memory_space<vmem>>) dst(%dma_wait3A_199 : memref<10000x64xf32, #tpu.memory_space<vmem_shared>>)
        tpu.yield
      }) : () -> ()
      %add3A_163 = arith.constant 4 : i32
      %add3A_164 = arith.addi %mul3A_64, %add3A_163 : i32
      %dma_wait3A_165 = arith.constant 0 : i32
      %dma_wait3A_166 = tpu.memref_slice %arg6[%add3A_164, %dma_wait3A_165] : memref<160x125xi32, #tpu.memory_space<vmem>> -> memref<1x125xi32, #tpu.memory_space<vmem>>
      %dma_wait3A_167 = tpu.memref_squeeze %dma_wait3A_166 : memref<1x125xi32, #tpu.memory_space<vmem>> -> memref<125xi32, #tpu.memory_space<vmem>>
      %dma_wait3A_168 = arith.constant 0 : i32
      %dma_wait3A_169 = arith.constant 0 : i32
      %dma_wait3A_170 = tpu.memref_slice %arg2[%arg0, %dma_wait3A_168, %dma_wait3A_169] : memref<2x10000x64xf32, #tpu.memory_space<hbm>> -> memref<1x10000x64xf32, #tpu.memory_space<hbm>>
      %dma_wait3A_171 = tpu.memref_squeeze %dma_wait3A_170 : memref<1x10000x64xf32, #tpu.memory_space<hbm>> -> memref<10000x64xf32, #tpu.memory_space<hbm>>
      %dma_wait3A_172 = arith.constant 0 : i32
      %dma_wait3A_173 = arith.constant 0 : i32
      %dma_wait3A_174 = tpu.memref_slice %dma_wait3A_171[%dma_wait3A_172, %dma_wait3A_173] : memref<10000x64xf32, #tpu.memory_space<hbm>> -> memref<10000x64xf32, #tpu.memory_space<hbm>>
      tpu.wait_indirect_dma semaphore(%arg17 : memref<!tpu.dma_semaphore, #tpu.memory_space<semaphore_mem>>) src(%dma_wait3A_174 : memref<10000x64xf32, #tpu.memory_space<hbm>>) dst(%arg12 : memref<125x64xf32, #tpu.memory_space<vmem>>)
      %add3A_175 = arith.constant 4 : i32
      %add3A_176 = arith.addi %mul3A_64, %add3A_175 : i32
      %add3A_177 = arith.constant 5 : i32
      %add3A_178 = arith.addi %add3A_176, %add3A_177 : i32
      %sub3A_179 = arith.constant 1 : i32
      %sub3A_180 = arith.subi %add3A_178, %sub3A_179 : i32
      %lt3A_181 = arith.constant 160 : i32
      %lt3A_182 = arith.cmpi slt, %sub3A_180, %lt3A_181 : i32
      %convert_element_type3A_183 = arith.extui %lt3A_182 : i1 to i32
      %cond3A_184 = arith.constant 0 : i32
      %cond3A_185 = arith.cmpi ne, %convert_element_type3A_183, %cond3A_184 : i32
      scf.if %cond3A_185 {
        %add3A_188 = arith.constant 4 : i32
        %add3A_189 = arith.addi %mul3A_64, %add3A_188 : i32
        %add3A_190 = arith.constant 5 : i32
        %add3A_191 = arith.addi %add3A_189, %add3A_190 : i32
        %sub3A_192 = arith.constant 1 : i32
        %sub3A_193 = arith.subi %add3A_191, %sub3A_192 : i32
        %dma_start3A_194 = arith.constant 0 : i32
        %dma_start3A_195 = tpu.memref_slice %arg6[%sub3A_193, %dma_start3A_194] : memref<160x125xi32, #tpu.memory_space<vmem>> -> memref<1x125xi32, #tpu.memory_space<vmem>>
        %dma_start3A_196 = tpu.memref_squeeze %dma_start3A_195 : memref<1x125xi32, #tpu.memory_space<vmem>> -> memref<125xi32, #tpu.memory_space<vmem>>
        %dma_start3A_197 = arith.constant 0 : i32
        %dma_start3A_198 = arith.constant 0 : i32
        %dma_start3A_199 = tpu.memref_slice %arg2[%arg0, %dma_start3A_197, %dma_start3A_198] : memref<2x10000x64xf32, #tpu.memory_space<hbm>> -> memref<1x10000x64xf32, #tpu.memory_space<hbm>>
        %dma_start3A_200 = tpu.memref_squeeze %dma_start3A_199 : memref<1x10000x64xf32, #tpu.memory_space<hbm>> -> memref<10000x64xf32, #tpu.memory_space<hbm>>
        %dma_start3A_201 = arith.constant 0 : i32
        %dma_start3A_202 = arith.constant 0 : i32
        %dma_start3A_203 = tpu.memref_slice %dma_start3A_200[%dma_start3A_201, %dma_start3A_202] : memref<10000x64xf32, #tpu.memory_space<hbm>> -> memref<10000x64xf32, #tpu.memory_space<hbm>>
        tpu.enqueue_indirect_dma source(%dma_start3A_203 : memref<10000x64xf32, #tpu.memory_space<hbm>>) target(%arg11 : memref<125x64xf32, #tpu.memory_space<vmem>>) offsets(%dma_start3A_196 : memref<125xi32, #tpu.memory_space<vmem>>) semaphore(%arg16 : memref<!tpu.dma_semaphore, #tpu.memory_space<semaphore_mem>>)
      } else {
      }
      %add3A_186 = arith.constant 4 : i32
      %add3A_187 = arith.addi %mul3A_64, %add3A_186 : i32
      "tpu.region"() ({
        %run_scoped3A = tpu.sem_alloc : memref<!tpu.dma_semaphore, #tpu.memory_space<semaphore_mem>>
        %dma_start3A_188 = arith.constant 0 : i32
        %dma_start3A_189 = tpu.memref_slice %arg7[%add3A_187, %dma_start3A_188] : memref<160x125xi32, #tpu.memory_space<vmem>> -> memref<1x125xi32, #tpu.memory_space<vmem>>
        %dma_start3A_190 = tpu.memref_squeeze %dma_start3A_189 : memref<1x125xi32, #tpu.memory_space<vmem>> -> memref<125xi32, #tpu.memory_space<vmem>>
        %dma_start3A_191 = arith.constant 0 : i32
        %dma_start3A_192 = arith.constant 0 : i32
        %dma_start3A_193 = tpu.memref_slice %arg18[%dma_start3A_191, %dma_start3A_192] : memref<10000x64xf32, #tpu.memory_space<vmem_shared>> -> memref<10000x64xf32, #tpu.memory_space<vmem_shared>>
        tpu.enqueue_indirect_dma source(%arg12 : memref<125x64xf32, #tpu.memory_space<vmem>>) target(%dma_start3A_193 : memref<10000x64xf32, #tpu.memory_space<vmem_shared>>) offsets(%dma_start3A_190 : memref<125xi32, #tpu.memory_space<vmem>>) semaphore(%run_scoped3A : memref<!tpu.dma_semaphore, #tpu.memory_space<semaphore_mem>>) {add = true}
        %dma_wait3A_194 = arith.constant 0 : i32
        %dma_wait3A_195 = tpu.memref_slice %arg7[%add3A_187, %dma_wait3A_194] : memref<160x125xi32, #tpu.memory_space<vmem>> -> memref<1x125xi32, #tpu.memory_space<vmem>>
        %dma_wait3A_196 = tpu.memref_squeeze %dma_wait3A_195 : memref<1x125xi32, #tpu.memory_space<vmem>> -> memref<125xi32, #tpu.memory_space<vmem>>
        %dma_wait3A_197 = arith.constant 0 : i32
        %dma_wait3A_198 = arith.constant 0 : i32
        %dma_wait3A_199 = tpu.memref_slice %arg18[%dma_wait3A_197, %dma_wait3A_198] : memref<10000x64xf32, #tpu.memory_space<vmem_shared>> -> memref<10000x64xf32, #tpu.memory_space<vmem_shared>>
        tpu.wait_indirect_dma semaphore(%run_scoped3A : memref<!tpu.dma_semaphore, #tpu.memory_space<semaphore_mem>>) src(%arg12 : memref<125x64xf32, #tpu.memory_space<vmem>>) dst(%dma_wait3A_199 : memref<10000x64xf32, #tpu.memory_space<vmem_shared>>)
        tpu.yield
      }) : () -> ()
    }
    %scan3A_56 = arith.constant 32 : i32
    %barrier3A_57 = arith.constant 0 : index
    tpu.barrier barrier_id(%barrier3A_57)
    %mul3A = arith.constant 625 : i32
    %mul3A_58 = arith.muli %arg1, %mul3A : i32
    "tpu.region"() ({
      %run_scoped3A = tpu.sem_alloc : memref<!tpu.dma_semaphore, #tpu.memory_space<semaphore_mem>>
      %dma_start3A_59 = arith.constant 0 : i32
      %dma_start3A_60 = arith.constant 0 : i32
      %dma_start3A_61 = arith.constant 0 : i32
      %dma_start3A_62 = tpu.memref_slice %arg5[%arg0, %dma_start3A_59, %dma_start3A_60, %dma_start3A_61] : memref<2x16x625x64xf32, #tpu.memory_space<hbm>> -> memref<1x16x625x64xf32, #tpu.memory_space<hbm>>
      %dma_start3A_63 = tpu.memref_squeeze %dma_start3A_62 : memref<1x16x625x64xf32, #tpu.memory_space<hbm>> -> memref<16x625x64xf32, #tpu.memory_space<hbm>>
      %dma_start3A_64 = arith.constant 0 : i32
      %dma_start3A_65 = arith.constant 0 : i32
      %dma_start3A_66 = tpu.memref_slice %dma_start3A_63[%arg1, %dma_start3A_64, %dma_start3A_65] : memref<16x625x64xf32, #tpu.memory_space<hbm>> -> memref<1x625x64xf32, #tpu.memory_space<hbm>>
      %dma_start3A_67 = tpu.memref_squeeze %dma_start3A_66 : memref<1x625x64xf32, #tpu.memory_space<hbm>> -> memref<625x64xf32, #tpu.memory_space<hbm>>
      %dma_start3A_68 = arith.constant 0 : i32
      %dma_start3A_69 = tpu.memref_slice %arg18[%mul3A_58, %dma_start3A_68] : memref<10000x64xf32, #tpu.memory_space<vmem_shared>> -> memref<625x64xf32, #tpu.memory_space<vmem_shared>>
      tpu.enqueue_dma source(%dma_start3A_69 : memref<625x64xf32, #tpu.memory_space<vmem_shared>>) target(%dma_start3A_67 : memref<625x64xf32, #tpu.memory_space<hbm>>) target_semaphore(%run_scoped3A : memref<!tpu.dma_semaphore, #tpu.memory_space<semaphore_mem>>)
      %dma_wait3A = arith.constant 0 : i32
      %dma_wait3A_70 = arith.constant 0 : i32
      %dma_wait3A_71 = arith.constant 0 : i32
      %dma_wait3A_72 = tpu.memref_slice %arg5[%arg0, %dma_wait3A, %dma_wait3A_70, %dma_wait3A_71] : memref<2x16x625x64xf32, #tpu.memory_space<hbm>> -> memref<1x16x625x64xf32, #tpu.memory_space<hbm>>
      %dma_wait3A_73 = tpu.memref_squeeze %dma_wait3A_72 : memref<1x16x625x64xf32, #tpu.memory_space<hbm>> -> memref<16x625x64xf32, #tpu.memory_space<hbm>>
      %dma_wait3A_74 = arith.constant 0 : i32
      %dma_wait3A_75 = arith.constant 0 : i32
      %dma_wait3A_76 = tpu.memref_slice %dma_wait3A_73[%arg1, %dma_wait3A_74, %dma_wait3A_75] : memref<16x625x64xf32, #tpu.memory_space<hbm>> -> memref<1x625x64xf32, #tpu.memory_space<hbm>>
      %dma_wait3A_77 = tpu.memref_squeeze %dma_wait3A_76 : memref<1x625x64xf32, #tpu.memory_space<hbm>> -> memref<625x64xf32, #tpu.memory_space<hbm>>
      %dma_wait3A_78 = arith.constant 0 : i32
      %dma_wait3A_79 = tpu.memref_slice %arg18[%mul3A_58, %dma_wait3A_78] : memref<10000x64xf32, #tpu.memory_space<vmem_shared>> -> memref<625x64xf32, #tpu.memory_space<vmem_shared>>
      tpu.wait_dma2 semaphore(%run_scoped3A : memref<!tpu.dma_semaphore, #tpu.memory_space<semaphore_mem>>) src(%dma_wait3A_79 : memref<625x64xf32, #tpu.memory_space<vmem_shared>>) dst(%dma_wait3A_77 : memref<625x64xf32, #tpu.memory_space<hbm>>)
      tpu.yield
    }) : () -> ()
    return
  }
}

#map = affine_map<(d0, d1) -> (0, 0, 0)>
#map1 = affine_map<(d0, d1) -> (0, 0, 0, 0)>
module attributes {stable_mosaic.version = 14 : i64} {
  func.func @_deg_kernel(%arg0: i32, %arg1: i32, %arg2: memref<32x80x125xi32, #tpu.memory_space<hbm>>, %arg3: memref<2x16x625x16xf32, #tpu.memory_space<hbm>>, %arg4: memref<80x125xi32, #tpu.memory_space<vmem>>, %arg5: memref<125x16xf32, #tpu.memory_space<vmem>>, %arg6: memref<625x16xf32, #tpu.memory_space<vmem>>, %arg7: memref<10000x16xf32, #tpu.memory_space<vmem_shared>>, %arg8: memref<!tpu.dma_semaphore, #tpu.memory_space<semaphore_mem>>) attributes {dimension_semantics = [#tpu.dimension_semantics<core_parallel>, #tpu.dimension_semantics<subcore_parallel>], iteration_bounds = array<i64: 2, 16>, scalar_prefetch = 0 : i64, scratch_operands = 5 : i64, tpu.core_type = #tpu.core_type<sc_vector_subcore>, window_params = [{transform_indices = #map}, {transform_indices = #map1}]} {
    %mul3A = arith.constant 16 : i32
    %mul3A_0 = arith.muli %arg0, %mul3A : i32
    %add3A = arith.addi %mul3A_0, %arg1 : i32
    %scan3A = arith.constant 0 : i32
    %scan3A_1 = arith.constant 625 : i32
    %scan3A_2 = arith.addi %scan3A, %scan3A_1 : i32
    %scan3A_3 = arith.constant 1 : i32
    scf.for %scan3A_25 = %scan3A to %scan3A_2 step %scan3A_3  : i32 {
      %mul3A_26 = arith.constant 1 : i32
      %mul3A_27 = arith.muli %scan3A_25, %mul3A_26 : i32
      %add3A_28 = arith.constant 0 : i32
      %add3A_29 = arith.addi %add3A_28, %mul3A_27 : i32
      %broadcast_in_dim3A = arith.constant 0.000000e+00 : f32
      %broadcast_in_dim3A_30 = vector.broadcast %broadcast_in_dim3A : f32 to vector<16xf32>
      %swap3A = arith.index_cast %add3A_29 : i32 to index
      %swap3A_31 = arith.constant 0 : index
      %swap3A_32 = tpu.vector_load %arg6[%swap3A, %swap3A_31] {strides = array<i32>} : memref<625x16xf32, #tpu.memory_space<vmem>>, vector<1x16xf32>,
      %swap3A_33 = vector.shape_cast %swap3A_32 : vector<1x16xf32> to vector<16xf32>
      %swap3A_34 = vector.shape_cast %broadcast_in_dim3A_30 : vector<16xf32> to vector<1x16xf32>
      tpu.vector_store %arg6[%swap3A, %swap3A_31], %swap3A_34 {strides = array<i32>} : memref<625x16xf32, #tpu.memory_space<vmem>>, vector<1x16xf32>,
    }
    %scan3A_4 = arith.constant 625 : i32
    %mul3A_5 = arith.constant 625 : i32
    %mul3A_6 = arith.muli %arg1, %mul3A_5 : i32
    "tpu.region"() ({
      %run_scoped3A = tpu.sem_alloc : memref<!tpu.dma_semaphore, #tpu.memory_space<semaphore_mem>>
      %dma_start3A = arith.constant 0 : i32
      %dma_start3A_25 = tpu.memref_slice %arg7[%mul3A_6, %dma_start3A] : memref<10000x16xf32, #tpu.memory_space<vmem_shared>> -> memref<625x16xf32, #tpu.memory_space<vmem_shared>>
      %dma_start3A_26 = arith.constant 0 : i32
      %dma_start3A_27 = tpu.memref_slice %arg7[%mul3A_6, %dma_start3A_26] : memref<10000x16xf32, #tpu.memory_space<vmem_shared>> -> memref<625x16xf32, #tpu.memory_space<vmem_shared>>
      tpu.enqueue_dma source(%arg6 : memref<625x16xf32, #tpu.memory_space<vmem>>) target(%dma_start3A_27 : memref<625x16xf32, #tpu.memory_space<vmem_shared>>) target_semaphore(%run_scoped3A : memref<!tpu.dma_semaphore, #tpu.memory_space<semaphore_mem>>)
      %dma_wait3A = arith.constant 0 : i32
      %dma_wait3A_28 = tpu.memref_slice %arg7[%mul3A_6, %dma_wait3A] : memref<10000x16xf32, #tpu.memory_space<vmem_shared>> -> memref<625x16xf32, #tpu.memory_space<vmem_shared>>
      %dma_wait3A_29 = arith.constant 0 : i32
      %dma_wait3A_30 = tpu.memref_slice %arg7[%mul3A_6, %dma_wait3A_29] : memref<10000x16xf32, #tpu.memory_space<vmem_shared>> -> memref<625x16xf32, #tpu.memory_space<vmem_shared>>
      tpu.wait_dma2 semaphore(%run_scoped3A : memref<!tpu.dma_semaphore, #tpu.memory_space<semaphore_mem>>) src(%arg6 : memref<625x16xf32, #tpu.memory_space<vmem>>) dst(%dma_wait3A_30 : memref<625x16xf32, #tpu.memory_space<vmem_shared>>)
      tpu.yield
    }) : () -> ()
    %scan3A_7 = arith.constant 0 : i32
    %scan3A_8 = arith.constant 125 : i32
    %scan3A_9 = arith.addi %scan3A_7, %scan3A_8 : i32
    %scan3A_10 = arith.constant 1 : i32
    scf.for %scan3A_25 = %scan3A_7 to %scan3A_9 step %scan3A_10  : i32 {
      %mul3A_26 = arith.constant 1 : i32
      %mul3A_27 = arith.muli %scan3A_25, %mul3A_26 : i32
      %add3A_28 = arith.constant 0 : i32
      %add3A_29 = arith.addi %add3A_28, %mul3A_27 : i32
      %broadcast_in_dim3A = arith.constant 1.000000e+00 : f32
      %broadcast_in_dim3A_30 = vector.broadcast %broadcast_in_dim3A : f32 to vector<16xf32>
      %swap3A = arith.index_cast %add3A_29 : i32 to index
      %swap3A_31 = arith.constant 0 : index
      %swap3A_32 = tpu.vector_load %arg5[%swap3A, %swap3A_31] {strides = array<i32>} : memref<125x16xf32, #tpu.memory_space<vmem>>, vector<1x16xf32>,
      %swap3A_33 = vector.shape_cast %swap3A_32 : vector<1x16xf32> to vector<16xf32>
      %swap3A_34 = vector.shape_cast %broadcast_in_dim3A_30 : vector<16xf32> to vector<1x16xf32>
      tpu.vector_store %arg5[%swap3A, %swap3A_31], %swap3A_34 {strides = array<i32>} : memref<125x16xf32, #tpu.memory_space<vmem>>, vector<1x16xf32>,
    }
    %scan3A_11 = arith.constant 125 : i32
    "tpu.region"() ({
      %run_scoped3A = tpu.sem_alloc : memref<!tpu.dma_semaphore, #tpu.memory_space<semaphore_mem>>
      %dma_start3A = arith.constant 0 : i32
      %dma_start3A_25 = arith.constant 0 : i32
      %dma_start3A_26 = tpu.memref_slice %arg2[%add3A, %dma_start3A, %dma_start3A_25] : memref<32x80x125xi32, #tpu.memory_space<hbm>> -> memref<1x80x125xi32, #tpu.memory_space<hbm>>
      %dma_start3A_27 = tpu.memref_squeeze %dma_start3A_26 : memref<1x80x125xi32, #tpu.memory_space<hbm>> -> memref<80x125xi32, #tpu.memory_space<hbm>>
      %dma_start3A_28 = arith.constant 0 : i32
      %dma_start3A_29 = arith.constant 0 : i32
      %dma_start3A_30 = tpu.memref_slice %arg2[%add3A, %dma_start3A_28, %dma_start3A_29] : memref<32x80x125xi32, #tpu.memory_space<hbm>> -> memref<1x80x125xi32, #tpu.memory_space<hbm>>
      %dma_start3A_31 = tpu.memref_squeeze %dma_start3A_30 : memref<1x80x125xi32, #tpu.memory_space<hbm>> -> memref<80x125xi32, #tpu.memory_space<hbm>>
      tpu.enqueue_dma source(%dma_start3A_31 : memref<80x125xi32, #tpu.memory_space<hbm>>) target(%arg4 : memref<80x125xi32, #tpu.memory_space<vmem>>) target_semaphore(%run_scoped3A : memref<!tpu.dma_semaphore, #tpu.memory_space<semaphore_mem>>)
      %dma_wait3A = arith.constant 0 : i32
      %dma_wait3A_32 = arith.constant 0 : i32
      %dma_wait3A_33 = tpu.memref_slice %arg2[%add3A, %dma_wait3A, %dma_wait3A_32] : memref<32x80x125xi32, #tpu.memory_space<hbm>> -> memref<1x80x125xi32, #tpu.memory_space<hbm>>
      %dma_wait3A_34 = tpu.memref_squeeze %dma_wait3A_33 : memref<1x80x125xi32, #tpu.memory_space<hbm>> -> memref<80x125xi32, #tpu.memory_space<hbm>>
      %dma_wait3A_35 = arith.constant 0 : i32
      %dma_wait3A_36 = arith.constant 0 : i32
      %dma_wait3A_37 = tpu.memref_slice %arg2[%add3A, %dma_wait3A_35, %dma_wait3A_36] : memref<32x80x125xi32, #tpu.memory_space<hbm>> -> memref<1x80x125xi32, #tpu.memory_space<hbm>>
      %dma_wait3A_38 = tpu.memref_squeeze %dma_wait3A_37 : memref<1x80x125xi32, #tpu.memory_space<hbm>> -> memref<80x125xi32, #tpu.memory_space<hbm>>
      tpu.wait_dma2 semaphore(%run_scoped3A : memref<!tpu.dma_semaphore, #tpu.memory_space<semaphore_mem>>) src(%dma_wait3A_38 : memref<80x125xi32, #tpu.memory_space<hbm>>) dst(%arg4 : memref<80x125xi32, #tpu.memory_space<vmem>>)
      tpu.yield
    }) : () -> ()
    %barrier3A = arith.constant 0 : index
    tpu.barrier barrier_id(%barrier3A)
    %scan3A_12 = arith.constant 0 : i32
    %scan3A_13 = arith.constant 80 : i32
    %scan3A_14 = arith.addi %scan3A_12, %scan3A_13 : i32
    %scan3A_15 = arith.constant 1 : i32
    scf.for %scan3A_25 = %scan3A_12 to %scan3A_14 step %scan3A_15  : i32 {
      %mul3A_26 = arith.constant 1 : i32
      %mul3A_27 = arith.muli %scan3A_25, %mul3A_26 : i32
      %add3A_28 = arith.constant 0 : i32
      %add3A_29 = arith.addi %add3A_28, %mul3A_27 : i32
      %dma_start3A = arith.constant 0 : i32
      %dma_start3A_30 = tpu.memref_slice %arg4[%add3A_29, %dma_start3A] : memref<80x125xi32, #tpu.memory_space<vmem>> -> memref<1x125xi32, #tpu.memory_space<vmem>>
      %dma_start3A_31 = tpu.memref_squeeze %dma_start3A_30 : memref<1x125xi32, #tpu.memory_space<vmem>> -> memref<125xi32, #tpu.memory_space<vmem>>
      %dma_start3A_32 = arith.constant 0 : i32
      %dma_start3A_33 = arith.constant 0 : i32
      %dma_start3A_34 = tpu.memref_slice %arg7[%dma_start3A_32, %dma_start3A_33] : memref<10000x16xf32, #tpu.memory_space<vmem_shared>> -> memref<10000x16xf32, #tpu.memory_space<vmem_shared>>
      tpu.enqueue_indirect_dma source(%arg5 : memref<125x16xf32, #tpu.memory_space<vmem>>) target(%dma_start3A_34 : memref<10000x16xf32, #tpu.memory_space<vmem_shared>>) offsets(%dma_start3A_31 : memref<125xi32, #tpu.memory_space<vmem>>) semaphore(%arg8 : memref<!tpu.dma_semaphore, #tpu.memory_space<semaphore_mem>>) {add = true}
    }
    %scan3A_16 = arith.constant 80 : i32
    %scan3A_17 = arith.constant 0 : i32
    %scan3A_18 = arith.constant 80 : i32
    %scan3A_19 = arith.addi %scan3A_17, %scan3A_18 : i32
    %scan3A_20 = arith.constant 1 : i32
    scf.for %scan3A_25 = %scan3A_17 to %scan3A_19 step %scan3A_20  : i32 {
      %mul3A_26 = arith.constant 1 : i32
      %mul3A_27 = arith.muli %scan3A_25, %mul3A_26 : i32
      %add3A_28 = arith.constant 0 : i32
      %add3A_29 = arith.addi %add3A_28, %mul3A_27 : i32
      %dma_wait3A = arith.constant 0 : i32
      %dma_wait3A_30 = tpu.memref_slice %arg4[%add3A_29, %dma_wait3A] : memref<80x125xi32, #tpu.memory_space<vmem>> -> memref<1x125xi32, #tpu.memory_space<vmem>>
      %dma_wait3A_31 = tpu.memref_squeeze %dma_wait3A_30 : memref<1x125xi32, #tpu.memory_space<vmem>> -> memref<125xi32, #tpu.memory_space<vmem>>
      %dma_wait3A_32 = arith.constant 0 : i32
      %dma_wait3A_33 = arith.constant 0 : i32
      %dma_wait3A_34 = tpu.memref_slice %arg7[%dma_wait3A_32, %dma_wait3A_33] : memref<10000x16xf32, #tpu.memory_space<vmem_shared>> -> memref<10000x16xf32, #tpu.memory_space<vmem_shared>>
      tpu.wait_indirect_dma semaphore(%arg8 : memref<!tpu.dma_semaphore, #tpu.memory_space<semaphore_mem>>) src(%arg5 : memref<125x16xf32, #tpu.memory_space<vmem>>) dst(%dma_wait3A_34 : memref<10000x16xf32, #tpu.memory_space<vmem_shared>>)
    }
    %scan3A_21 = arith.constant 80 : i32
    %barrier3A_22 = arith.constant 0 : index
    tpu.barrier barrier_id(%barrier3A_22)
    %mul3A_23 = arith.constant 625 : i32
    %mul3A_24 = arith.muli %arg1, %mul3A_23 : i32
    "tpu.region"() ({
      %run_scoped3A = tpu.sem_alloc : memref<!tpu.dma_semaphore, #tpu.memory_space<semaphore_mem>>
      %dma_start3A = arith.constant 0 : i32
      %dma_start3A_25 = arith.constant 0 : i32
      %dma_start3A_26 = arith.constant 0 : i32
      %dma_start3A_27 = tpu.memref_slice %arg3[%arg0, %dma_start3A, %dma_start3A_25, %dma_start3A_26] : memref<2x16x625x16xf32, #tpu.memory_space<hbm>> -> memref<1x16x625x16xf32, #tpu.memory_space<hbm>>
      %dma_start3A_28 = tpu.memref_squeeze %dma_start3A_27 : memref<1x16x625x16xf32, #tpu.memory_space<hbm>> -> memref<16x625x16xf32, #tpu.memory_space<hbm>>
      %dma_start3A_29 = arith.constant 0 : i32
      %dma_start3A_30 = arith.constant 0 : i32
      %dma_start3A_31 = tpu.memref_slice %dma_start3A_28[%arg1, %dma_start3A_29, %dma_start3A_30] : memref<16x625x16xf32, #tpu.memory_space<hbm>> -> memref<1x625x16xf32, #tpu.memory_space<hbm>>
      %dma_start3A_32 = tpu.memref_squeeze %dma_start3A_31 : memref<1x625x16xf32, #tpu.memory_space<hbm>> -> memref<625x16xf32, #tpu.memory_space<hbm>>
      %dma_start3A_33 = arith.constant 0 : i32
      %dma_start3A_34 = tpu.memref_slice %arg7[%mul3A_24, %dma_start3A_33] : memref<10000x16xf32, #tpu.memory_space<vmem_shared>> -> memref<625x16xf32, #tpu.memory_space<vmem_shared>>
      tpu.enqueue_dma source(%dma_start3A_34 : memref<625x16xf32, #tpu.memory_space<vmem_shared>>) target(%dma_start3A_32 : memref<625x16xf32, #tpu.memory_space<hbm>>) target_semaphore(%run_scoped3A : memref<!tpu.dma_semaphore, #tpu.memory_space<semaphore_mem>>)
      %dma_wait3A = arith.constant 0 : i32
      %dma_wait3A_35 = arith.constant 0 : i32
      %dma_wait3A_36 = arith.constant 0 : i32
      %dma_wait3A_37 = tpu.memref_slice %arg3[%arg0, %dma_wait3A, %dma_wait3A_35, %dma_wait3A_36] : memref<2x16x625x16xf32, #tpu.memory_space<hbm>> -> memref<1x16x625x16xf32, #tpu.memory_space<hbm>>
      %dma_wait3A_38 = tpu.memref_squeeze %dma_wait3A_37 : memref<1x16x625x16xf32, #tpu.memory_space<hbm>> -> memref<16x625x16xf32, #tpu.memory_space<hbm>>
      %dma_wait3A_39 = arith.constant 0 : i32
      %dma_wait3A_40 = arith.constant 0 : i32
      %dma_wait3A_41 = tpu.memref_slice %dma_wait3A_38[%arg1, %dma_wait3A_39, %dma_wait3A_40] : memref<16x625x16xf32, #tpu.memory_space<hbm>> -> memref<1x625x16xf32, #tpu.memory_space<hbm>>
      %dma_wait3A_42 = tpu.memref_squeeze %dma_wait3A_41 : memref<1x625x16xf32, #tpu.memory_space<hbm>> -> memref<625x16xf32, #tpu.memory_space<hbm>>
      %dma_wait3A_43 = arith.constant 0 : i32
      %dma_wait3A_44 = tpu.memref_slice %arg7[%mul3A_24, %dma_wait3A_43] : memref<10000x16xf32, #tpu.memory_space<vmem_shared>> -> memref<625x16xf32, #tpu.memory_space<vmem_shared>>
      tpu.wait_dma2 semaphore(%run_scoped3A : memref<!tpu.dma_semaphore, #tpu.memory_space<semaphore_mem>>) src(%dma_wait3A_44 : memref<625x16xf32, #tpu.memory_space<vmem_shared>>) dst(%dma_wait3A_42 : memref<625x16xf32, #tpu.memory_space<hbm>>)
      tpu.yield
    }) : () -> ()
    return
  }
}

#map = affine_map<(d0, d1) -> (0, 0, 0)>
#map1 = affine_map<(d0, d1) -> (0, 0, 0, 0)>
module attributes {stable_mosaic.version = 14 : i64} {
  func.func @_seg_kernel(%arg0: i32, %arg1: i32, %arg2: memref<2x10000x64xf32, #tpu.memory_space<hbm>>, %arg3: memref<16x160x125xi32, #tpu.memory_space<hbm>>, %arg4: memref<16x160x125xi32, #tpu.memory_space<hbm>>, %arg5: memref<2x16x625x64xf32, #tpu.memory_space<hbm>>, %arg6: memref<160x125xi32, #tpu.memory_space<vmem>>, %arg7: memref<160x125xi32, #tpu.memory_space<vmem>>, %arg8: memref<125x64xf32, #tpu.memory_space<vmem>>, %arg9: memref<125x64xf32, #tpu.memory_space<vmem>>, %arg10: memref<125x64xf32, #tpu.memory_space<vmem>>, %arg11: memref<125x64xf32, #tpu.memory_space<vmem>>, %arg12: memref<125x64xf32, #tpu.memory_space<vmem>>, %arg13: memref<!tpu.dma_semaphore, #tpu.memory_space<semaphore_mem>>, %arg14: memref<!tpu.dma_semaphore, #tpu.memory_space<semaphore_mem>>, %arg15: memref<!tpu.dma_semaphore, #tpu.memory_space<semaphore_mem>>, %arg16: memref<!tpu.dma_semaphore, #tpu.memory_space<semaphore_mem>>, %arg17: memref<!tpu.dma_semaphore, #tpu.memory_space<semaphore_mem>>, %arg18: memref<10000x64xf32, #tpu.memory_space<vmem_shared>>) attributes {dimension_semantics = [#tpu.dimension_semantics<core_parallel>, #tpu.dimension_semantics<subcore_parallel>], iteration_bounds = array<i64: 2, 16>, scalar_prefetch = 0 : i64, scratch_operands = 13 : i64, tpu.core_type = #tpu.core_type<sc_vector_subcore>, window_params = [{transform_indices = #map}, {transform_indices = #map}, {transform_indices = #map}, {transform_indices = #map1}]} {
    %scan3A = arith.constant 0 : i32
    %scan3A_0 = arith.constant 125 : i32
    %scan3A_1 = arith.addi %scan3A, %scan3A_0 : i32
    %scan3A_2 = arith.constant 1 : i32
    scf.for %scan3A_59 = %scan3A to %scan3A_1 step %scan3A_2  : i32 {
      %mul3A_60 = arith.constant 1 : i32
      %mul3A_61 = arith.muli %scan3A_59, %mul3A_60 : i32
      %add3A = arith.constant 0 : i32
      %add3A_62 = arith.addi %add3A, %mul3A_61 : i32
      %scan3A_63 = arith.constant 0 : i32
      %scan3A_64 = arith.constant 4 : i32
      %scan3A_65 = arith.addi %scan3A_63, %scan3A_64 : i32
      %scan3A_66 = arith.constant 1 : i32
      scf.for %scan3A_68 = %scan3A_63 to %scan3A_65 step %scan3A_66  : i32 {
        %mul3A_69 = arith.constant 16 : i32
        %mul3A_70 = arith.muli %scan3A_68, %mul3A_69 : i32
        %add3A_71 = arith.constant 0 : i32
        %add3A_72 = arith.addi %add3A_71, %mul3A_70 : i32
        %broadcast_in_dim3A = arith.constant 0.000000e+00 : f32
        %broadcast_in_dim3A_73 = vector.broadcast %broadcast_in_dim3A : f32 to vector<16xf32>
        %swap3A = arith.index_cast %add3A_62 : i32 to index
        %swap3A_74 = arith.index_cast %add3A_72 : i32 to index
        %swap3A_75 = tpu.vector_load %arg8[%swap3A, %swap3A_74] {strides = array<i32>} : memref<125x64xf32, #tpu.memory_space<vmem>>, vector<1x16xf32>,
        %swap3A_76 = vector.shape_cast %swap3A_75 : vector<1x16xf32> to vector<16xf32>
        %swap3A_77 = vector.shape_cast %broadcast_in_dim3A_73 : vector<16xf32> to vector<1x16xf32>
        tpu.vector_store %arg8[%swap3A, %swap3A_74], %swap3A_77 {strides = array<i32>} : memref<125x64xf32, #tpu.memory_space<vmem>>, vector<1x16xf32>,
      }
      %scan3A_67 = arith.constant 4 : i32
    }
    %scan3A_3 = arith.constant 125 : i32
    %scan3A_4 = arith.constant 0 : i32
    %scan3A_5 = arith.constant 5 : i32
    %scan3A_6 = arith.addi %scan3A_4, %scan3A_5 : i32
    %scan3A_7 = arith.constant 1 : i32
    scf.for %scan3A_59 = %scan3A_4 to %scan3A_6 step %scan3A_7  : i32 {
      %mul3A_60 = arith.constant 125 : i32
      %mul3A_61 = arith.muli %scan3A_59, %mul3A_60 : i32
      %add3A = arith.constant 0 : i32
      %add3A_62 = arith.addi %add3A, %mul3A_61 : i32
      %mul3A_63 = arith.constant 625 : i32
      %mul3A_64 = arith.muli %arg1, %mul3A_63 : i32
      %add3A_65 = arith.addi %mul3A_64, %add3A_62 : i32
      "tpu.region"() ({
        %run_scoped3A = tpu.sem_alloc : memref<!tpu.dma_semaphore, #tpu.memory_space<semaphore_mem>>
        %dma_start3A_66 = arith.constant 0 : i32
        %dma_start3A_67 = tpu.memref_slice %arg18[%add3A_65, %dma_start3A_66] : memref<10000x64xf32, #tpu.memory_space<vmem_shared>> -> memref<125x64xf32, #tpu.memory_space<vmem_shared>>
        %dma_start3A_68 = arith.constant 0 : i32
        %dma_start3A_69 = tpu.memref_slice %arg18[%add3A_65, %dma_start3A_68] : memref<10000x64xf32, #tpu.memory_space<vmem_shared>> -> memref<125x64xf32, #tpu.memory_space<vmem_shared>>
        tpu.enqueue_dma source(%arg8 : memref<125x64xf32, #tpu.memory_space<vmem>>) target(%dma_start3A_69 : memref<125x64xf32, #tpu.memory_space<vmem_shared>>) target_semaphore(%run_scoped3A : memref<!tpu.dma_semaphore, #tpu.memory_space<semaphore_mem>>)
        %dma_wait3A = arith.constant 0 : i32
        %dma_wait3A_70 = tpu.memref_slice %arg18[%add3A_65, %dma_wait3A] : memref<10000x64xf32, #tpu.memory_space<vmem_shared>> -> memref<125x64xf32, #tpu.memory_space<vmem_shared>>
        %dma_wait3A_71 = arith.constant 0 : i32
        %dma_wait3A_72 = tpu.memref_slice %arg18[%add3A_65, %dma_wait3A_71] : memref<10000x64xf32, #tpu.memory_space<vmem_shared>> -> memref<125x64xf32, #tpu.memory_space<vmem_shared>>
        tpu.wait_dma2 semaphore(%run_scoped3A : memref<!tpu.dma_semaphore, #tpu.memory_space<semaphore_mem>>) src(%arg8 : memref<125x64xf32, #tpu.memory_space<vmem>>) dst(%dma_wait3A_72 : memref<125x64xf32, #tpu.memory_space<vmem_shared>>)
        tpu.yield
      }) : () -> ()
    }
    %scan3A_8 = arith.constant 5 : i32
    "tpu.region"() ({
      %run_scoped3A = tpu.sem_alloc : memref<!tpu.dma_semaphore, #tpu.memory_space<semaphore_mem>>
      %dma_start3A_59 = arith.constant 0 : i32
      %dma_start3A_60 = arith.constant 0 : i32
      %dma_start3A_61 = tpu.memref_slice %arg3[%arg1, %dma_start3A_59, %dma_start3A_60] : memref<16x160x125xi32, #tpu.memory_space<hbm>> -> memref<1x160x125xi32, #tpu.memory_space<hbm>>
      %dma_start3A_62 = tpu.memref_squeeze %dma_start3A_61 : memref<1x160x125xi32, #tpu.memory_space<hbm>> -> memref<160x125xi32, #tpu.memory_space<hbm>>
      %dma_start3A_63 = arith.constant 0 : i32
      %dma_start3A_64 = arith.constant 0 : i32
      %dma_start3A_65 = tpu.memref_slice %arg3[%arg1, %dma_start3A_63, %dma_start3A_64] : memref<16x160x125xi32, #tpu.memory_space<hbm>> -> memref<1x160x125xi32, #tpu.memory_space<hbm>>
      %dma_start3A_66 = tpu.memref_squeeze %dma_start3A_65 : memref<1x160x125xi32, #tpu.memory_space<hbm>> -> memref<160x125xi32, #tpu.memory_space<hbm>>
      tpu.enqueue_dma source(%dma_start3A_66 : memref<160x125xi32, #tpu.memory_space<hbm>>) target(%arg6 : memref<160x125xi32, #tpu.memory_space<vmem>>) target_semaphore(%run_scoped3A : memref<!tpu.dma_semaphore, #tpu.memory_space<semaphore_mem>>)
      %dma_wait3A = arith.constant 0 : i32
      %dma_wait3A_67 = arith.constant 0 : i32
      %dma_wait3A_68 = tpu.memref_slice %arg3[%arg1, %dma_wait3A, %dma_wait3A_67] : memref<16x160x125xi32, #tpu.memory_space<hbm>> -> memref<1x160x125xi32, #tpu.memory_space<hbm>>
      %dma_wait3A_69 = tpu.memref_squeeze %dma_wait3A_68 : memref<1x160x125xi32, #tpu.memory_space<hbm>> -> memref<160x125xi32, #tpu.memory_space<hbm>>
      %dma_wait3A_70 = arith.constant 0 : i32
      %dma_wait3A_71 = arith.constant 0 : i32
      %dma_wait3A_72 = tpu.memref_slice %arg3[%arg1, %dma_wait3A_70, %dma_wait3A_71] : memref<16x160x125xi32, #tpu.memory_space<hbm>> -> memref<1x160x125xi32, #tpu.memory_space<hbm>>
      %dma_wait3A_73 = tpu.memref_squeeze %dma_wait3A_72 : memref<1x160x125xi32, #tpu.memory_space<hbm>> -> memref<160x125xi32, #tpu.memory_space<hbm>>
      tpu.wait_dma2 semaphore(%run_scoped3A : memref<!tpu.dma_semaphore, #tpu.memory_space<semaphore_mem>>) src(%dma_wait3A_73 : memref<160x125xi32, #tpu.memory_space<hbm>>) dst(%arg6 : memref<160x125xi32, #tpu.memory_space<vmem>>)
      tpu.yield
    }) : () -> ()
    "tpu.region"() ({
      %run_scoped3A = tpu.sem_alloc : memref<!tpu.dma_semaphore, #tpu.memory_space<semaphore_mem>>
      %dma_start3A_59 = arith.constant 0 : i32
      %dma_start3A_60 = arith.constant 0 : i32
      %dma_start3A_61 = tpu.memref_slice %arg4[%arg1, %dma_start3A_59, %dma_start3A_60] : memref<16x160x125xi32, #tpu.memory_space<hbm>> -> memref<1x160x125xi32, #tpu.memory_space<hbm>>
      %dma_start3A_62 = tpu.memref_squeeze %dma_start3A_61 : memref<1x160x125xi32, #tpu.memory_space<hbm>> -> memref<160x125xi32, #tpu.memory_space<hbm>>
      %dma_start3A_63 = arith.constant 0 : i32
      %dma_start3A_64 = arith.constant 0 : i32
      %dma_start3A_65 = tpu.memref_slice %arg4[%arg1, %dma_start3A_63, %dma_start3A_64] : memref<16x160x125xi32, #tpu.memory_space<hbm>> -> memref<1x160x125xi32, #tpu.memory_space<hbm>>
      %dma_start3A_66 = tpu.memref_squeeze %dma_start3A_65 : memref<1x160x125xi32, #tpu.memory_space<hbm>> -> memref<160x125xi32, #tpu.memory_space<hbm>>
      tpu.enqueue_dma source(%dma_start3A_66 : memref<160x125xi32, #tpu.memory_space<hbm>>) target(%arg7 : memref<160x125xi32, #tpu.memory_space<vmem>>) target_semaphore(%run_scoped3A : memref<!tpu.dma_semaphore, #tpu.memory_space<semaphore_mem>>)
      %dma_wait3A = arith.constant 0 : i32
      %dma_wait3A_67 = arith.constant 0 : i32
      %dma_wait3A_68 = tpu.memref_slice %arg4[%arg1, %dma_wait3A, %dma_wait3A_67] : memref<16x160x125xi32, #tpu.memory_space<hbm>> -> memref<1x160x125xi32, #tpu.memory_space<hbm>>
      %dma_wait3A_69 = tpu.memref_squeeze %dma_wait3A_68 : memref<1x160x125xi32, #tpu.memory_space<hbm>> -> memref<160x125xi32, #tpu.memory_space<hbm>>
      %dma_wait3A_70 = arith.constant 0 : i32
      %dma_wait3A_71 = arith.constant 0 : i32
      %dma_wait3A_72 = tpu.memref_slice %arg4[%arg1, %dma_wait3A_70, %dma_wait3A_71] : memref<16x160x125xi32, #tpu.memory_space<hbm>> -> memref<1x160x125xi32, #tpu.memory_space<hbm>>
      %dma_wait3A_73 = tpu.memref_squeeze %dma_wait3A_72 : memref<1x160x125xi32, #tpu.memory_space<hbm>> -> memref<160x125xi32, #tpu.memory_space<hbm>>
      tpu.wait_dma2 semaphore(%run_scoped3A : memref<!tpu.dma_semaphore, #tpu.memory_space<semaphore_mem>>) src(%dma_wait3A_73 : memref<160x125xi32, #tpu.memory_space<hbm>>) dst(%arg7 : memref<160x125xi32, #tpu.memory_space<vmem>>)
      tpu.yield
    }) : () -> ()
    %barrier3A = arith.constant 0 : index
    tpu.barrier barrier_id(%barrier3A)
    %dma_start3A = arith.constant 0 : i32
    %dma_start3A_9 = arith.constant 0 : i32
    %dma_start3A_10 = tpu.memref_slice %arg6[%dma_start3A, %dma_start3A_9] : memref<160x125xi32, #tpu.memory_space<vmem>> -> memref<1x125xi32, #tpu.memory_space<vmem>>
    %dma_start3A_11 = tpu.memref_squeeze %dma_start3A_10 : memref<1x125xi32, #tpu.memory_space<vmem>> -> memref<125xi32, #tpu.memory_space<vmem>>
    %dma_start3A_12 = arith.constant 0 : i32
    %dma_start3A_13 = arith.constant 0 : i32
    %dma_start3A_14 = tpu.memref_slice %arg2[%arg0, %dma_start3A_12, %dma_start3A_13] : memref<2x10000x64xf32, #tpu.memory_space<hbm>> -> memref<1x10000x64xf32, #tpu.memory_space<hbm>>
    %dma_start3A_15 = tpu.memref_squeeze %dma_start3A_14 : memref<1x10000x64xf32, #tpu.memory_space<hbm>> -> memref<10000x64xf32, #tpu.memory_space<hbm>>
    %dma_start3A_16 = arith.constant 0 : i32
    %dma_start3A_17 = arith.constant 0 : i32
    %dma_start3A_18 = tpu.memref_slice %dma_start3A_15[%dma_start3A_16, %dma_start3A_17] : memref<10000x64xf32, #tpu.memory_space<hbm>> -> memref<10000x64xf32, #tpu.memory_space<hbm>>
    tpu.enqueue_indirect_dma source(%dma_start3A_18 : memref<10000x64xf32, #tpu.memory_space<hbm>>) target(%arg8 : memref<125x64xf32, #tpu.memory_space<vmem>>) offsets(%dma_start3A_11 : memref<125xi32, #tpu.memory_space<vmem>>) semaphore(%arg13 : memref<!tpu.dma_semaphore, #tpu.memory_space<semaphore_mem>>)
    %dma_start3A_19 = arith.constant 1 : i32
    %dma_start3A_20 = arith.constant 0 : i32
    %dma_start3A_21 = tpu.memref_slice %arg6[%dma_start3A_19, %dma_start3A_20] : memref<160x125xi32, #tpu.memory_space<vmem>> -> memref<1x125xi32, #tpu.memory_space<vmem>>
    %dma_start3A_22 = tpu.memref_squeeze %dma_start3A_21 : memref<1x125xi32, #tpu.memory_space<vmem>> -> memref<125xi32, #tpu.memory_space<vmem>>
    %dma_start3A_23 = arith.constant 0 : i32
    %dma_start3A_24 = arith.constant 0 : i32
    %dma_start3A_25 = tpu.memref_slice %arg2[%arg0, %dma_start3A_23, %dma_start3A_24] : memref<2x10000x64xf32, #tpu.memory_space<hbm>> -> memref<1x10000x64xf32, #tpu.memory_space<hbm>>
    %dma_start3A_26 = tpu.memref_squeeze %dma_start3A_25 : memref<1x10000x64xf32, #tpu.memory_space<hbm>> -> memref<10000x64xf32, #tpu.memory_space<hbm>>
    %dma_start3A_27 = arith.constant 0 : i32
    %dma_start3A_28 = arith.constant 0 : i32
    %dma_start3A_29 = tpu.memref_slice %dma_start3A_26[%dma_start3A_27, %dma_start3A_28] : memref<10000x64xf32, #tpu.memory_space<hbm>> -> memref<10000x64xf32, #tpu.memory_space<hbm>>
    tpu.enqueue_indirect_dma source(%dma_start3A_29 : memref<10000x64xf32, #tpu.memory_space<hbm>>) target(%arg9 : memref<125x64xf32, #tpu.memory_space<vmem>>) offsets(%dma_start3A_22 : memref<125xi32, #tpu.memory_space<vmem>>) semaphore(%arg14 : memref<!tpu.dma_semaphore, #tpu.memory_space<semaphore_mem>>)
    %dma_start3A_30 = arith.constant 2 : i32
    %dma_start3A_31 = arith.constant 0 : i32
    %dma_start3A_32 = tpu.memref_slice %arg6[%dma_start3A_30, %dma_start3A_31] : memref<160x125xi32, #tpu.memory_space<vmem>> -> memref<1x125xi32, #tpu.memory_space<vmem>>
    %dma_start3A_33 = tpu.memref_squeeze %dma_start3A_32 : memref<1x125xi32, #tpu.memory_space<vmem>> -> memref<125xi32, #tpu.memory_space<vmem>>
    %dma_start3A_34 = arith.constant 0 : i32
    %dma_start3A_35 = arith.constant 0 : i32
    %dma_start3A_36 = tpu.memref_slice %arg2[%arg0, %dma_start3A_34, %dma_start3A_35] : memref<2x10000x64xf32, #tpu.memory_space<hbm>> -> memref<1x10000x64xf32, #tpu.memory_space<hbm>>
    %dma_start3A_37 = tpu.memref_squeeze %dma_start3A_36 : memref<1x10000x64xf32, #tpu.memory_space<hbm>> -> memref<10000x64xf32, #tpu.memory_space<hbm>>
    %dma_start3A_38 = arith.constant 0 : i32
    %dma_start3A_39 = arith.constant 0 : i32
    %dma_start3A_40 = tpu.memref_slice %dma_start3A_37[%dma_start3A_38, %dma_start3A_39] : memref<10000x64xf32, #tpu.memory_space<hbm>> -> memref<10000x64xf32, #tpu.memory_space<hbm>>
    tpu.enqueue_indirect_dma source(%dma_start3A_40 : memref<10000x64xf32, #tpu.memory_space<hbm>>) target(%arg10 : memref<125x64xf32, #tpu.memory_space<vmem>>) offsets(%dma_start3A_33 : memref<125xi32, #tpu.memory_space<vmem>>) semaphore(%arg15 : memref<!tpu.dma_semaphore, #tpu.memory_space<semaphore_mem>>)
    %dma_start3A_41 = arith.constant 3 : i32
    %dma_start3A_42 = arith.constant 0 : i32
    %dma_start3A_43 = tpu.memref_slice %arg6[%dma_start3A_41, %dma_start3A_42] : memref<160x125xi32, #tpu.memory_space<vmem>> -> memref<1x125xi32, #tpu.memory_space<vmem>>
    %dma_start3A_44 = tpu.memref_squeeze %dma_start3A_43 : memref<1x125xi32, #tpu.memory_space<vmem>> -> memref<125xi32, #tpu.memory_space<vmem>>
    %dma_start3A_45 = arith.constant 0 : i32
    %dma_start3A_46 = arith.constant 0 : i32
    %dma_start3A_47 = tpu.memref_slice %arg2[%arg0, %dma_start3A_45, %dma_start3A_46] : memref<2x10000x64xf32, #tpu.memory_space<hbm>> -> memref<1x10000x64xf32, #tpu.memory_space<hbm>>
    %dma_start3A_48 = tpu.memref_squeeze %dma_start3A_47 : memref<1x10000x64xf32, #tpu.memory_space<hbm>> -> memref<10000x64xf32, #tpu.memory_space<hbm>>
    %dma_start3A_49 = arith.constant 0 : i32
    %dma_start3A_50 = arith.constant 0 : i32
    %dma_start3A_51 = tpu.memref_slice %dma_start3A_48[%dma_start3A_49, %dma_start3A_50] : memref<10000x64xf32, #tpu.memory_space<hbm>> -> memref<10000x64xf32, #tpu.memory_space<hbm>>
    tpu.enqueue_indirect_dma source(%dma_start3A_51 : memref<10000x64xf32, #tpu.memory_space<hbm>>) target(%arg11 : memref<125x64xf32, #tpu.memory_space<vmem>>) offsets(%dma_start3A_44 : memref<125xi32, #tpu.memory_space<vmem>>) semaphore(%arg16 : memref<!tpu.dma_semaphore, #tpu.memory_space<semaphore_mem>>)
    %scan3A_52 = arith.constant 0 : i32
    %scan3A_53 = arith.constant 32 : i32
    %scan3A_54 = arith.addi %scan3A_52, %scan3A_53 : i32
    %scan3A_55 = arith.constant 1 : i32
    scf.for %scan3A_59 = %scan3A_52 to %scan3A_54 step %scan3A_55  : i32 {
      %mul3A_60 = arith.constant 1 : i32
      %mul3A_61 = arith.muli %scan3A_59, %mul3A_60 : i32
      %add3A = arith.constant 0 : i32
      %add3A_62 = arith.addi %add3A, %mul3A_61 : i32
      %mul3A_63 = arith.constant 5 : i32
      %mul3A_64 = arith.muli %mul3A_63, %add3A_62 : i32
      %add3A_65 = arith.constant 0 : i32
      %add3A_66 = arith.addi %mul3A_64, %add3A_65 : i32
      %dma_wait3A = arith.constant 0 : i32
      %dma_wait3A_67 = tpu.memref_slice %arg6[%add3A_66, %dma_wait3A] : memref<160x125xi32, #tpu.memory_space<vmem>> -> memref<1x125xi32, #tpu.memory_space<vmem>>
      %dma_wait3A_68 = tpu.memref_squeeze %dma_wait3A_67 : memref<1x125xi32, #tpu.memory_space<vmem>> -> memref<125xi32, #tpu.memory_space<vmem>>
      %dma_wait3A_69 = arith.constant 0 : i32
      %dma_wait3A_70 = arith.constant 0 : i32
      %dma_wait3A_71 = tpu.memref_slice %arg2[%arg0, %dma_wait3A_69, %dma_wait3A_70] : memref<2x10000x64xf32, #tpu.memory_space<hbm>> -> memref<1x10000x64xf32, #tpu.memory_space<hbm>>
      %dma_wait3A_72 = tpu.memref_squeeze %dma_wait3A_71 : memref<1x10000x64xf32, #tpu.memory_space<hbm>> -> memref<10000x64xf32, #tpu.memory_space<hbm>>
      %dma_wait3A_73 = arith.constant 0 : i32
      %dma_wait3A_74 = arith.constant 0 : i32
      %dma_wait3A_75 = tpu.memref_slice %dma_wait3A_72[%dma_wait3A_73, %dma_wait3A_74] : memref<10000x64xf32, #tpu.memory_space<hbm>> -> memref<10000x64xf32, #tpu.memory_space<hbm>>
      tpu.wait_indirect_dma semaphore(%arg13 : memref<!tpu.dma_semaphore, #tpu.memory_space<semaphore_mem>>) src(%dma_wait3A_75 : memref<10000x64xf32, #tpu.memory_space<hbm>>) dst(%arg8 : memref<125x64xf32, #tpu.memory_space<vmem>>)
      %add3A_76 = arith.constant 5 : i32
      %add3A_77 = arith.addi %mul3A_64, %add3A_76 : i32
      %sub3A = arith.constant 1 : i32
      %sub3A_78 = arith.subi %add3A_77, %sub3A : i32
      %dma_start3A_79 = arith.constant 0 : i32
      %dma_start3A_80 = tpu.memref_slice %arg6[%sub3A_78, %dma_start3A_79] : memref<160x125xi32, #tpu.memory_space<vmem>> -> memref<1x125xi32, #tpu.memory_space<vmem>>
      %dma_start3A_81 = tpu.memref_squeeze %dma_start3A_80 : memref<1x125xi32, #tpu.memory_space<vmem>> -> memref<125xi32, #tpu.memory_space<vmem>>
      %dma_start3A_82 = arith.constant 0 : i32
      %dma_start3A_83 = arith.constant 0 : i32
      %dma_start3A_84 = tpu.memref_slice %arg2[%arg0, %dma_start3A_82, %dma_start3A_83] : memref<2x10000x64xf32, #tpu.memory_space<hbm>> -> memref<1x10000x64xf32, #tpu.memory_space<hbm>>
      %dma_start3A_85 = tpu.memref_squeeze %dma_start3A_84 : memref<1x10000x64xf32, #tpu.memory_space<hbm>> -> memref<10000x64xf32, #tpu.memory_space<hbm>>
      %dma_start3A_86 = arith.constant 0 : i32
      %dma_start3A_87 = arith.constant 0 : i32
      %dma_start3A_88 = tpu.memref_slice %dma_start3A_85[%dma_start3A_86, %dma_start3A_87] : memref<10000x64xf32, #tpu.memory_space<hbm>> -> memref<10000x64xf32, #tpu.memory_space<hbm>>
      tpu.enqueue_indirect_dma source(%dma_start3A_88 : memref<10000x64xf32, #tpu.memory_space<hbm>>) target(%arg12 : memref<125x64xf32, #tpu.memory_space<vmem>>) offsets(%dma_start3A_81 : memref<125xi32, #tpu.memory_space<vmem>>) semaphore(%arg17 : memref<!tpu.dma_semaphore, #tpu.memory_space<semaphore_mem>>)
      %add3A_89 = arith.constant 0 : i32
      %add3A_90 = arith.addi %mul3A_64, %add3A_89 : i32
      "tpu.region"() ({
        %run_scoped3A = tpu.sem_alloc : memref<!tpu.dma_semaphore, #tpu.memory_space<semaphore_mem>>
        %dma_start3A_188 = arith.constant 0 : i32
        %dma_start3A_189 = tpu.memref_slice %arg7[%add3A_90, %dma_start3A_188] : memref<160x125xi32, #tpu.memory_space<vmem>> -> memref<1x125xi32, #tpu.memory_space<vmem>>
        %dma_start3A_190 = tpu.memref_squeeze %dma_start3A_189 : memref<1x125xi32, #tpu.memory_space<vmem>> -> memref<125xi32, #tpu.memory_space<vmem>>
        %dma_start3A_191 = arith.constant 0 : i32
        %dma_start3A_192 = arith.constant 0 : i32
        %dma_start3A_193 = tpu.memref_slice %arg18[%dma_start3A_191, %dma_start3A_192] : memref<10000x64xf32, #tpu.memory_space<vmem_shared>> -> memref<10000x64xf32, #tpu.memory_space<vmem_shared>>
        tpu.enqueue_indirect_dma source(%arg8 : memref<125x64xf32, #tpu.memory_space<vmem>>) target(%dma_start3A_193 : memref<10000x64xf32, #tpu.memory_space<vmem_shared>>) offsets(%dma_start3A_190 : memref<125xi32, #tpu.memory_space<vmem>>) semaphore(%run_scoped3A : memref<!tpu.dma_semaphore, #tpu.memory_space<semaphore_mem>>) {add = true}
        %dma_wait3A_194 = arith.constant 0 : i32
        %dma_wait3A_195 = tpu.memref_slice %arg7[%add3A_90, %dma_wait3A_194] : memref<160x125xi32, #tpu.memory_space<vmem>> -> memref<1x125xi32, #tpu.memory_space<vmem>>
        %dma_wait3A_196 = tpu.memref_squeeze %dma_wait3A_195 : memref<1x125xi32, #tpu.memory_space<vmem>> -> memref<125xi32, #tpu.memory_space<vmem>>
        %dma_wait3A_197 = arith.constant 0 : i32
        %dma_wait3A_198 = arith.constant 0 : i32
        %dma_wait3A_199 = tpu.memref_slice %arg18[%dma_wait3A_197, %dma_wait3A_198] : memref<10000x64xf32, #tpu.memory_space<vmem_shared>> -> memref<10000x64xf32, #tpu.memory_space<vmem_shared>>
        tpu.wait_indirect_dma semaphore(%run_scoped3A : memref<!tpu.dma_semaphore, #tpu.memory_space<semaphore_mem>>) src(%arg8 : memref<125x64xf32, #tpu.memory_space<vmem>>) dst(%dma_wait3A_199 : memref<10000x64xf32, #tpu.memory_space<vmem_shared>>)
        tpu.yield
      }) : () -> ()
      %add3A_91 = arith.constant 1 : i32
      %add3A_92 = arith.addi %mul3A_64, %add3A_91 : i32
      %dma_wait3A_93 = arith.constant 0 : i32
      %dma_wait3A_94 = tpu.memref_slice %arg6[%add3A_92, %dma_wait3A_93] : memref<160x125xi32, #tpu.memory_space<vmem>> -> memref<1x125xi32, #tpu.memory_space<vmem>>
      %dma_wait3A_95 = tpu.memref_squeeze %dma_wait3A_94 : memref<1x125xi32, #tpu.memory_space<vmem>> -> memref<125xi32, #tpu.memory_space<vmem>>
      %dma_wait3A_96 = arith.constant 0 : i32
      %dma_wait3A_97 = arith.constant 0 : i32
      %dma_wait3A_98 = tpu.memref_slice %arg2[%arg0, %dma_wait3A_96, %dma_wait3A_97] : memref<2x10000x64xf32, #tpu.memory_space<hbm>> -> memref<1x10000x64xf32, #tpu.memory_space<hbm>>
      %dma_wait3A_99 = tpu.memref_squeeze %dma_wait3A_98 : memref<1x10000x64xf32, #tpu.memory_space<hbm>> -> memref<10000x64xf32, #tpu.memory_space<hbm>>
      %dma_wait3A_100 = arith.constant 0 : i32
      %dma_wait3A_101 = arith.constant 0 : i32
      %dma_wait3A_102 = tpu.memref_slice %dma_wait3A_99[%dma_wait3A_100, %dma_wait3A_101] : memref<10000x64xf32, #tpu.memory_space<hbm>> -> memref<10000x64xf32, #tpu.memory_space<hbm>>
      tpu.wait_indirect_dma semaphore(%arg14 : memref<!tpu.dma_semaphore, #tpu.memory_space<semaphore_mem>>) src(%dma_wait3A_102 : memref<10000x64xf32, #tpu.memory_space<hbm>>) dst(%arg9 : memref<125x64xf32, #tpu.memory_space<vmem>>)
      %add3A_103 = arith.constant 1 : i32
      %add3A_104 = arith.addi %mul3A_64, %add3A_103 : i32
      %add3A_105 = arith.constant 5 : i32
      %add3A_106 = arith.addi %add3A_104, %add3A_105 : i32
      %sub3A_107 = arith.constant 1 : i32
      %sub3A_108 = arith.subi %add3A_106, %sub3A_107 : i32
      %lt3A = arith.constant 160 : i32
      %lt3A_109 = arith.cmpi slt, %sub3A_108, %lt3A : i32
      %convert_element_type3A = arith.extui %lt3A_109 : i1 to i32
      %cond3A = arith.constant 0 : i32
      %cond3A_110 = arith.cmpi ne, %convert_element_type3A, %cond3A : i32
      scf.if %cond3A_110 {
        %add3A_188 = arith.constant 1 : i32
        %add3A_189 = arith.addi %mul3A_64, %add3A_188 : i32
        %add3A_190 = arith.constant 5 : i32
        %add3A_191 = arith.addi %add3A_189, %add3A_190 : i32
        %sub3A_192 = arith.constant 1 : i32
        %sub3A_193 = arith.subi %add3A_191, %sub3A_192 : i32
        %dma_start3A_194 = arith.constant 0 : i32
        %dma_start3A_195 = tpu.memref_slice %arg6[%sub3A_193, %dma_start3A_194] : memref<160x125xi32, #tpu.memory_space<vmem>> -> memref<1x125xi32, #tpu.memory_space<vmem>>
        %dma_start3A_196 = tpu.memref_squeeze %dma_start3A_195 : memref<1x125xi32, #tpu.memory_space<vmem>> -> memref<125xi32, #tpu.memory_space<vmem>>
        %dma_start3A_197 = arith.constant 0 : i32
        %dma_start3A_198 = arith.constant 0 : i32
        %dma_start3A_199 = tpu.memref_slice %arg2[%arg0, %dma_start3A_197, %dma_start3A_198] : memref<2x10000x64xf32, #tpu.memory_space<hbm>> -> memref<1x10000x64xf32, #tpu.memory_space<hbm>>
        %dma_start3A_200 = tpu.memref_squeeze %dma_start3A_199 : memref<1x10000x64xf32, #tpu.memory_space<hbm>> -> memref<10000x64xf32, #tpu.memory_space<hbm>>
        %dma_start3A_201 = arith.constant 0 : i32
        %dma_start3A_202 = arith.constant 0 : i32
        %dma_start3A_203 = tpu.memref_slice %dma_start3A_200[%dma_start3A_201, %dma_start3A_202] : memref<10000x64xf32, #tpu.memory_space<hbm>> -> memref<10000x64xf32, #tpu.memory_space<hbm>>
        tpu.enqueue_indirect_dma source(%dma_start3A_203 : memref<10000x64xf32, #tpu.memory_space<hbm>>) target(%arg8 : memref<125x64xf32, #tpu.memory_space<vmem>>) offsets(%dma_start3A_196 : memref<125xi32, #tpu.memory_space<vmem>>) semaphore(%arg13 : memref<!tpu.dma_semaphore, #tpu.memory_space<semaphore_mem>>)
      } else {
      }
      %add3A_111 = arith.constant 1 : i32
      %add3A_112 = arith.addi %mul3A_64, %add3A_111 : i32
      "tpu.region"() ({
        %run_scoped3A = tpu.sem_alloc : memref<!tpu.dma_semaphore, #tpu.memory_space<semaphore_mem>>
        %dma_start3A_188 = arith.constant 0 : i32
        %dma_start3A_189 = tpu.memref_slice %arg7[%add3A_112, %dma_start3A_188] : memref<160x125xi32, #tpu.memory_space<vmem>> -> memref<1x125xi32, #tpu.memory_space<vmem>>
        %dma_start3A_190 = tpu.memref_squeeze %dma_start3A_189 : memref<1x125xi32, #tpu.memory_space<vmem>> -> memref<125xi32, #tpu.memory_space<vmem>>
        %dma_start3A_191 = arith.constant 0 : i32
        %dma_start3A_192 = arith.constant 0 : i32
        %dma_start3A_193 = tpu.memref_slice %arg18[%dma_start3A_191, %dma_start3A_192] : memref<10000x64xf32, #tpu.memory_space<vmem_shared>> -> memref<10000x64xf32, #tpu.memory_space<vmem_shared>>
        tpu.enqueue_indirect_dma source(%arg9 : memref<125x64xf32, #tpu.memory_space<vmem>>) target(%dma_start3A_193 : memref<10000x64xf32, #tpu.memory_space<vmem_shared>>) offsets(%dma_start3A_190 : memref<125xi32, #tpu.memory_space<vmem>>) semaphore(%run_scoped3A : memref<!tpu.dma_semaphore, #tpu.memory_space<semaphore_mem>>) {add = true}
        %dma_wait3A_194 = arith.constant 0 : i32
        %dma_wait3A_195 = tpu.memref_slice %arg7[%add3A_112, %dma_wait3A_194] : memref<160x125xi32, #tpu.memory_space<vmem>> -> memref<1x125xi32, #tpu.memory_space<vmem>>
        %dma_wait3A_196 = tpu.memref_squeeze %dma_wait3A_195 : memref<1x125xi32, #tpu.memory_space<vmem>> -> memref<125xi32, #tpu.memory_space<vmem>>
        %dma_wait3A_197 = arith.constant 0 : i32
        %dma_wait3A_198 = arith.constant 0 : i32
        %dma_wait3A_199 = tpu.memref_slice %arg18[%dma_wait3A_197, %dma_wait3A_198] : memref<10000x64xf32, #tpu.memory_space<vmem_shared>> -> memref<10000x64xf32, #tpu.memory_space<vmem_shared>>
        tpu.wait_indirect_dma semaphore(%run_scoped3A : memref<!tpu.dma_semaphore, #tpu.memory_space<semaphore_mem>>) src(%arg9 : memref<125x64xf32, #tpu.memory_space<vmem>>) dst(%dma_wait3A_199 : memref<10000x64xf32, #tpu.memory_space<vmem_shared>>)
        tpu.yield
      }) : () -> ()
      %add3A_113 = arith.constant 2 : i32
      %add3A_114 = arith.addi %mul3A_64, %add3A_113 : i32
      %dma_wait3A_115 = arith.constant 0 : i32
      %dma_wait3A_116 = tpu.memref_slice %arg6[%add3A_114, %dma_wait3A_115] : memref<160x125xi32, #tpu.memory_space<vmem>> -> memref<1x125xi32, #tpu.memory_space<vmem>>
      %dma_wait3A_117 = tpu.memref_squeeze %dma_wait3A_116 : memref<1x125xi32, #tpu.memory_space<vmem>> -> memref<125xi32, #tpu.memory_space<vmem>>
      %dma_wait3A_118 = arith.constant 0 : i32
      %dma_wait3A_119 = arith.constant 0 : i32
      %dma_wait3A_120 = tpu.memref_slice %arg2[%arg0, %dma_wait3A_118, %dma_wait3A_119] : memref<2x10000x64xf32, #tpu.memory_space<hbm>> -> memref<1x10000x64xf32, #tpu.memory_space<hbm>>
      %dma_wait3A_121 = tpu.memref_squeeze %dma_wait3A_120 : memref<1x10000x64xf32, #tpu.memory_space<hbm>> -> memref<10000x64xf32, #tpu.memory_space<hbm>>
      %dma_wait3A_122 = arith.constant 0 : i32
      %dma_wait3A_123 = arith.constant 0 : i32
      %dma_wait3A_124 = tpu.memref_slice %dma_wait3A_121[%dma_wait3A_122, %dma_wait3A_123] : memref<10000x64xf32, #tpu.memory_space<hbm>> -> memref<10000x64xf32, #tpu.memory_space<hbm>>
      tpu.wait_indirect_dma semaphore(%arg15 : memref<!tpu.dma_semaphore, #tpu.memory_space<semaphore_mem>>) src(%dma_wait3A_124 : memref<10000x64xf32, #tpu.memory_space<hbm>>) dst(%arg10 : memref<125x64xf32, #tpu.memory_space<vmem>>)
      %add3A_125 = arith.constant 2 : i32
      %add3A_126 = arith.addi %mul3A_64, %add3A_125 : i32
      %add3A_127 = arith.constant 5 : i32
      %add3A_128 = arith.addi %add3A_126, %add3A_127 : i32
      %sub3A_129 = arith.constant 1 : i32
      %sub3A_130 = arith.subi %add3A_128, %sub3A_129 : i32
      %lt3A_131 = arith.constant 160 : i32
      %lt3A_132 = arith.cmpi slt, %sub3A_130, %lt3A_131 : i32
      %convert_element_type3A_133 = arith.extui %lt3A_132 : i1 to i32
      %cond3A_134 = arith.constant 0 : i32
      %cond3A_135 = arith.cmpi ne, %convert_element_type3A_133, %cond3A_134 : i32
      scf.if %cond3A_135 {
        %add3A_188 = arith.constant 2 : i32
        %add3A_189 = arith.addi %mul3A_64, %add3A_188 : i32
        %add3A_190 = arith.constant 5 : i32
        %add3A_191 = arith.addi %add3A_189, %add3A_190 : i32
        %sub3A_192 = arith.constant 1 : i32
        %sub3A_193 = arith.subi %add3A_191, %sub3A_192 : i32
        %dma_start3A_194 = arith.constant 0 : i32
        %dma_start3A_195 = tpu.memref_slice %arg6[%sub3A_193, %dma_start3A_194] : memref<160x125xi32, #tpu.memory_space<vmem>> -> memref<1x125xi32, #tpu.memory_space<vmem>>
        %dma_start3A_196 = tpu.memref_squeeze %dma_start3A_195 : memref<1x125xi32, #tpu.memory_space<vmem>> -> memref<125xi32, #tpu.memory_space<vmem>>
        %dma_start3A_197 = arith.constant 0 : i32
        %dma_start3A_198 = arith.constant 0 : i32
        %dma_start3A_199 = tpu.memref_slice %arg2[%arg0, %dma_start3A_197, %dma_start3A_198] : memref<2x10000x64xf32, #tpu.memory_space<hbm>> -> memref<1x10000x64xf32, #tpu.memory_space<hbm>>
        %dma_start3A_200 = tpu.memref_squeeze %dma_start3A_199 : memref<1x10000x64xf32, #tpu.memory_space<hbm>> -> memref<10000x64xf32, #tpu.memory_space<hbm>>
        %dma_start3A_201 = arith.constant 0 : i32
        %dma_start3A_202 = arith.constant 0 : i32
        %dma_start3A_203 = tpu.memref_slice %dma_start3A_200[%dma_start3A_201, %dma_start3A_202] : memref<10000x64xf32, #tpu.memory_space<hbm>> -> memref<10000x64xf32, #tpu.memory_space<hbm>>
        tpu.enqueue_indirect_dma source(%dma_start3A_203 : memref<10000x64xf32, #tpu.memory_space<hbm>>) target(%arg9 : memref<125x64xf32, #tpu.memory_space<vmem>>) offsets(%dma_start3A_196 : memref<125xi32, #tpu.memory_space<vmem>>) semaphore(%arg14 : memref<!tpu.dma_semaphore, #tpu.memory_space<semaphore_mem>>)
      } else {
      }
      %add3A_136 = arith.constant 2 : i32
      %add3A_137 = arith.addi %mul3A_64, %add3A_136 : i32
      "tpu.region"() ({
        %run_scoped3A = tpu.sem_alloc : memref<!tpu.dma_semaphore, #tpu.memory_space<semaphore_mem>>
        %dma_start3A_188 = arith.constant 0 : i32
        %dma_start3A_189 = tpu.memref_slice %arg7[%add3A_137, %dma_start3A_188] : memref<160x125xi32, #tpu.memory_space<vmem>> -> memref<1x125xi32, #tpu.memory_space<vmem>>
        %dma_start3A_190 = tpu.memref_squeeze %dma_start3A_189 : memref<1x125xi32, #tpu.memory_space<vmem>> -> memref<125xi32, #tpu.memory_space<vmem>>
        %dma_start3A_191 = arith.constant 0 : i32
        %dma_start3A_192 = arith.constant 0 : i32
        %dma_start3A_193 = tpu.memref_slice %arg18[%dma_start3A_191, %dma_start3A_192] : memref<10000x64xf32, #tpu.memory_space<vmem_shared>> -> memref<10000x64xf32, #tpu.memory_space<vmem_shared>>
        tpu.enqueue_indirect_dma source(%arg10 : memref<125x64xf32, #tpu.memory_space<vmem>>) target(%dma_start3A_193 : memref<10000x64xf32, #tpu.memory_space<vmem_shared>>) offsets(%dma_start3A_190 : memref<125xi32, #tpu.memory_space<vmem>>) semaphore(%run_scoped3A : memref<!tpu.dma_semaphore, #tpu.memory_space<semaphore_mem>>) {add = true}
        %dma_wait3A_194 = arith.constant 0 : i32
        %dma_wait3A_195 = tpu.memref_slice %arg7[%add3A_137, %dma_wait3A_194] : memref<160x125xi32, #tpu.memory_space<vmem>> -> memref<1x125xi32, #tpu.memory_space<vmem>>
        %dma_wait3A_196 = tpu.memref_squeeze %dma_wait3A_195 : memref<1x125xi32, #tpu.memory_space<vmem>> -> memref<125xi32, #tpu.memory_space<vmem>>
        %dma_wait3A_197 = arith.constant 0 : i32
        %dma_wait3A_198 = arith.constant 0 : i32
        %dma_wait3A_199 = tpu.memref_slice %arg18[%dma_wait3A_197, %dma_wait3A_198] : memref<10000x64xf32, #tpu.memory_space<vmem_shared>> -> memref<10000x64xf32, #tpu.memory_space<vmem_shared>>
        tpu.wait_indirect_dma semaphore(%run_scoped3A : memref<!tpu.dma_semaphore, #tpu.memory_space<semaphore_mem>>) src(%arg10 : memref<125x64xf32, #tpu.memory_space<vmem>>) dst(%dma_wait3A_199 : memref<10000x64xf32, #tpu.memory_space<vmem_shared>>)
        tpu.yield
      }) : () -> ()
      %add3A_138 = arith.constant 3 : i32
      %add3A_139 = arith.addi %mul3A_64, %add3A_138 : i32
      %dma_wait3A_140 = arith.constant 0 : i32
      %dma_wait3A_141 = tpu.memref_slice %arg6[%add3A_139, %dma_wait3A_140] : memref<160x125xi32, #tpu.memory_space<vmem>> -> memref<1x125xi32, #tpu.memory_space<vmem>>
      %dma_wait3A_142 = tpu.memref_squeeze %dma_wait3A_141 : memref<1x125xi32, #tpu.memory_space<vmem>> -> memref<125xi32, #tpu.memory_space<vmem>>
      %dma_wait3A_143 = arith.constant 0 : i32
      %dma_wait3A_144 = arith.constant 0 : i32
      %dma_wait3A_145 = tpu.memref_slice %arg2[%arg0, %dma_wait3A_143, %dma_wait3A_144] : memref<2x10000x64xf32, #tpu.memory_space<hbm>> -> memref<1x10000x64xf32, #tpu.memory_space<hbm>>
      %dma_wait3A_146 = tpu.memref_squeeze %dma_wait3A_145 : memref<1x10000x64xf32, #tpu.memory_space<hbm>> -> memref<10000x64xf32, #tpu.memory_space<hbm>>
      %dma_wait3A_147 = arith.constant 0 : i32
      %dma_wait3A_148 = arith.constant 0 : i32
      %dma_wait3A_149 = tpu.memref_slice %dma_wait3A_146[%dma_wait3A_147, %dma_wait3A_148] : memref<10000x64xf32, #tpu.memory_space<hbm>> -> memref<10000x64xf32, #tpu.memory_space<hbm>>
      tpu.wait_indirect_dma semaphore(%arg16 : memref<!tpu.dma_semaphore, #tpu.memory_space<semaphore_mem>>) src(%dma_wait3A_149 : memref<10000x64xf32, #tpu.memory_space<hbm>>) dst(%arg11 : memref<125x64xf32, #tpu.memory_space<vmem>>)
      %add3A_150 = arith.constant 3 : i32
      %add3A_151 = arith.addi %mul3A_64, %add3A_150 : i32
      %add3A_152 = arith.constant 5 : i32
      %add3A_153 = arith.addi %add3A_151, %add3A_152 : i32
      %sub3A_154 = arith.constant 1 : i32
      %sub3A_155 = arith.subi %add3A_153, %sub3A_154 : i32
      %lt3A_156 = arith.constant 160 : i32
      %lt3A_157 = arith.cmpi slt, %sub3A_155, %lt3A_156 : i32
      %convert_element_type3A_158 = arith.extui %lt3A_157 : i1 to i32
      %cond3A_159 = arith.constant 0 : i32
      %cond3A_160 = arith.cmpi ne, %convert_element_type3A_158, %cond3A_159 : i32
      scf.if %cond3A_160 {
        %add3A_188 = arith.constant 3 : i32
        %add3A_189 = arith.addi %mul3A_64, %add3A_188 : i32
        %add3A_190 = arith.constant 5 : i32
        %add3A_191 = arith.addi %add3A_189, %add3A_190 : i32
        %sub3A_192 = arith.constant 1 : i32
        %sub3A_193 = arith.subi %add3A_191, %sub3A_192 : i32
        %dma_start3A_194 = arith.constant 0 : i32
        %dma_start3A_195 = tpu.memref_slice %arg6[%sub3A_193, %dma_start3A_194] : memref<160x125xi32, #tpu.memory_space<vmem>> -> memref<1x125xi32, #tpu.memory_space<vmem>>
        %dma_start3A_196 = tpu.memref_squeeze %dma_start3A_195 : memref<1x125xi32, #tpu.memory_space<vmem>> -> memref<125xi32, #tpu.memory_space<vmem>>
        %dma_start3A_197 = arith.constant 0 : i32
        %dma_start3A_198 = arith.constant 0 : i32
        %dma_start3A_199 = tpu.memref_slice %arg2[%arg0, %dma_start3A_197, %dma_start3A_198] : memref<2x10000x64xf32, #tpu.memory_space<hbm>> -> memref<1x10000x64xf32, #tpu.memory_space<hbm>>
        %dma_start3A_200 = tpu.memref_squeeze %dma_start3A_199 : memref<1x10000x64xf32, #tpu.memory_space<hbm>> -> memref<10000x64xf32, #tpu.memory_space<hbm>>
        %dma_start3A_201 = arith.constant 0 : i32
        %dma_start3A_202 = arith.constant 0 : i32
        %dma_start3A_203 = tpu.memref_slice %dma_start3A_200[%dma_start3A_201, %dma_start3A_202] : memref<10000x64xf32, #tpu.memory_space<hbm>> -> memref<10000x64xf32, #tpu.memory_space<hbm>>
        tpu.enqueue_indirect_dma source(%dma_start3A_203 : memref<10000x64xf32, #tpu.memory_space<hbm>>) target(%arg10 : memref<125x64xf32, #tpu.memory_space<vmem>>) offsets(%dma_start3A_196 : memref<125xi32, #tpu.memory_space<vmem>>) semaphore(%arg15 : memref<!tpu.dma_semaphore, #tpu.memory_space<semaphore_mem>>)
      } else {
      }
      %add3A_161 = arith.constant 3 : i32
      %add3A_162 = arith.addi %mul3A_64, %add3A_161 : i32
      "tpu.region"() ({
        %run_scoped3A = tpu.sem_alloc : memref<!tpu.dma_semaphore, #tpu.memory_space<semaphore_mem>>
        %dma_start3A_188 = arith.constant 0 : i32
        %dma_start3A_189 = tpu.memref_slice %arg7[%add3A_162, %dma_start3A_188] : memref<160x125xi32, #tpu.memory_space<vmem>> -> memref<1x125xi32, #tpu.memory_space<vmem>>
        %dma_start3A_190 = tpu.memref_squeeze %dma_start3A_189 : memref<1x125xi32, #tpu.memory_space<vmem>> -> memref<125xi32, #tpu.memory_space<vmem>>
        %dma_start3A_191 = arith.constant 0 : i32
        %dma_start3A_192 = arith.constant 0 : i32
        %dma_start3A_193 = tpu.memref_slice %arg18[%dma_start3A_191, %dma_start3A_192] : memref<10000x64xf32, #tpu.memory_space<vmem_shared>> -> memref<10000x64xf32, #tpu.memory_space<vmem_shared>>
        tpu.enqueue_indirect_dma source(%arg11 : memref<125x64xf32, #tpu.memory_space<vmem>>) target(%dma_start3A_193 : memref<10000x64xf32, #tpu.memory_space<vmem_shared>>) offsets(%dma_start3A_190 : memref<125xi32, #tpu.memory_space<vmem>>) semaphore(%run_scoped3A : memref<!tpu.dma_semaphore, #tpu.memory_space<semaphore_mem>>) {add = true}
        %dma_wait3A_194 = arith.constant 0 : i32
        %dma_wait3A_195 = tpu.memref_slice %arg7[%add3A_162, %dma_wait3A_194] : memref<160x125xi32, #tpu.memory_space<vmem>> -> memref<1x125xi32, #tpu.memory_space<vmem>>
        %dma_wait3A_196 = tpu.memref_squeeze %dma_wait3A_195 : memref<1x125xi32, #tpu.memory_space<vmem>> -> memref<125xi32, #tpu.memory_space<vmem>>
        %dma_wait3A_197 = arith.constant 0 : i32
        %dma_wait3A_198 = arith.constant 0 : i32
        %dma_wait3A_199 = tpu.memref_slice %arg18[%dma_wait3A_197, %dma_wait3A_198] : memref<10000x64xf32, #tpu.memory_space<vmem_shared>> -> memref<10000x64xf32, #tpu.memory_space<vmem_shared>>
        tpu.wait_indirect_dma semaphore(%run_scoped3A : memref<!tpu.dma_semaphore, #tpu.memory_space<semaphore_mem>>) src(%arg11 : memref<125x64xf32, #tpu.memory_space<vmem>>) dst(%dma_wait3A_199 : memref<10000x64xf32, #tpu.memory_space<vmem_shared>>)
        tpu.yield
      }) : () -> ()
      %add3A_163 = arith.constant 4 : i32
      %add3A_164 = arith.addi %mul3A_64, %add3A_163 : i32
      %dma_wait3A_165 = arith.constant 0 : i32
      %dma_wait3A_166 = tpu.memref_slice %arg6[%add3A_164, %dma_wait3A_165] : memref<160x125xi32, #tpu.memory_space<vmem>> -> memref<1x125xi32, #tpu.memory_space<vmem>>
      %dma_wait3A_167 = tpu.memref_squeeze %dma_wait3A_166 : memref<1x125xi32, #tpu.memory_space<vmem>> -> memref<125xi32, #tpu.memory_space<vmem>>
      %dma_wait3A_168 = arith.constant 0 : i32
      %dma_wait3A_169 = arith.constant 0 : i32
      %dma_wait3A_170 = tpu.memref_slice %arg2[%arg0, %dma_wait3A_168, %dma_wait3A_169] : memref<2x10000x64xf32, #tpu.memory_space<hbm>> -> memref<1x10000x64xf32, #tpu.memory_space<hbm>>
      %dma_wait3A_171 = tpu.memref_squeeze %dma_wait3A_170 : memref<1x10000x64xf32, #tpu.memory_space<hbm>> -> memref<10000x64xf32, #tpu.memory_space<hbm>>
      %dma_wait3A_172 = arith.constant 0 : i32
      %dma_wait3A_173 = arith.constant 0 : i32
      %dma_wait3A_174 = tpu.memref_slice %dma_wait3A_171[%dma_wait3A_172, %dma_wait3A_173] : memref<10000x64xf32, #tpu.memory_space<hbm>> -> memref<10000x64xf32, #tpu.memory_space<hbm>>
      tpu.wait_indirect_dma semaphore(%arg17 : memref<!tpu.dma_semaphore, #tpu.memory_space<semaphore_mem>>) src(%dma_wait3A_174 : memref<10000x64xf32, #tpu.memory_space<hbm>>) dst(%arg12 : memref<125x64xf32, #tpu.memory_space<vmem>>)
      %add3A_175 = arith.constant 4 : i32
      %add3A_176 = arith.addi %mul3A_64, %add3A_175 : i32
      %add3A_177 = arith.constant 5 : i32
      %add3A_178 = arith.addi %add3A_176, %add3A_177 : i32
      %sub3A_179 = arith.constant 1 : i32
      %sub3A_180 = arith.subi %add3A_178, %sub3A_179 : i32
      %lt3A_181 = arith.constant 160 : i32
      %lt3A_182 = arith.cmpi slt, %sub3A_180, %lt3A_181 : i32
      %convert_element_type3A_183 = arith.extui %lt3A_182 : i1 to i32
      %cond3A_184 = arith.constant 0 : i32
      %cond3A_185 = arith.cmpi ne, %convert_element_type3A_183, %cond3A_184 : i32
      scf.if %cond3A_185 {
        %add3A_188 = arith.constant 4 : i32
        %add3A_189 = arith.addi %mul3A_64, %add3A_188 : i32
        %add3A_190 = arith.constant 5 : i32
        %add3A_191 = arith.addi %add3A_189, %add3A_190 : i32
        %sub3A_192 = arith.constant 1 : i32
        %sub3A_193 = arith.subi %add3A_191, %sub3A_192 : i32
        %dma_start3A_194 = arith.constant 0 : i32
        %dma_start3A_195 = tpu.memref_slice %arg6[%sub3A_193, %dma_start3A_194] : memref<160x125xi32, #tpu.memory_space<vmem>> -> memref<1x125xi32, #tpu.memory_space<vmem>>
        %dma_start3A_196 = tpu.memref_squeeze %dma_start3A_195 : memref<1x125xi32, #tpu.memory_space<vmem>> -> memref<125xi32, #tpu.memory_space<vmem>>
        %dma_start3A_197 = arith.constant 0 : i32
        %dma_start3A_198 = arith.constant 0 : i32
        %dma_start3A_199 = tpu.memref_slice %arg2[%arg0, %dma_start3A_197, %dma_start3A_198] : memref<2x10000x64xf32, #tpu.memory_space<hbm>> -> memref<1x10000x64xf32, #tpu.memory_space<hbm>>
        %dma_start3A_200 = tpu.memref_squeeze %dma_start3A_199 : memref<1x10000x64xf32, #tpu.memory_space<hbm>> -> memref<10000x64xf32, #tpu.memory_space<hbm>>
        %dma_start3A_201 = arith.constant 0 : i32
        %dma_start3A_202 = arith.constant 0 : i32
        %dma_start3A_203 = tpu.memref_slice %dma_start3A_200[%dma_start3A_201, %dma_start3A_202] : memref<10000x64xf32, #tpu.memory_space<hbm>> -> memref<10000x64xf32, #tpu.memory_space<hbm>>
        tpu.enqueue_indirect_dma source(%dma_start3A_203 : memref<10000x64xf32, #tpu.memory_space<hbm>>) target(%arg11 : memref<125x64xf32, #tpu.memory_space<vmem>>) offsets(%dma_start3A_196 : memref<125xi32, #tpu.memory_space<vmem>>) semaphore(%arg16 : memref<!tpu.dma_semaphore, #tpu.memory_space<semaphore_mem>>)
      } else {
      }
      %add3A_186 = arith.constant 4 : i32
      %add3A_187 = arith.addi %mul3A_64, %add3A_186 : i32
      "tpu.region"() ({
        %run_scoped3A = tpu.sem_alloc : memref<!tpu.dma_semaphore, #tpu.memory_space<semaphore_mem>>
        %dma_start3A_188 = arith.constant 0 : i32
        %dma_start3A_189 = tpu.memref_slice %arg7[%add3A_187, %dma_start3A_188] : memref<160x125xi32, #tpu.memory_space<vmem>> -> memref<1x125xi32, #tpu.memory_space<vmem>>
        %dma_start3A_190 = tpu.memref_squeeze %dma_start3A_189 : memref<1x125xi32, #tpu.memory_space<vmem>> -> memref<125xi32, #tpu.memory_space<vmem>>
        %dma_start3A_191 = arith.constant 0 : i32
        %dma_start3A_192 = arith.constant 0 : i32
        %dma_start3A_193 = tpu.memref_slice %arg18[%dma_start3A_191, %dma_start3A_192] : memref<10000x64xf32, #tpu.memory_space<vmem_shared>> -> memref<10000x64xf32, #tpu.memory_space<vmem_shared>>
        tpu.enqueue_indirect_dma source(%arg12 : memref<125x64xf32, #tpu.memory_space<vmem>>) target(%dma_start3A_193 : memref<10000x64xf32, #tpu.memory_space<vmem_shared>>) offsets(%dma_start3A_190 : memref<125xi32, #tpu.memory_space<vmem>>) semaphore(%run_scoped3A : memref<!tpu.dma_semaphore, #tpu.memory_space<semaphore_mem>>) {add = true}
        %dma_wait3A_194 = arith.constant 0 : i32
        %dma_wait3A_195 = tpu.memref_slice %arg7[%add3A_187, %dma_wait3A_194] : memref<160x125xi32, #tpu.memory_space<vmem>> -> memref<1x125xi32, #tpu.memory_space<vmem>>
        %dma_wait3A_196 = tpu.memref_squeeze %dma_wait3A_195 : memref<1x125xi32, #tpu.memory_space<vmem>> -> memref<125xi32, #tpu.memory_space<vmem>>
        %dma_wait3A_197 = arith.constant 0 : i32
        %dma_wait3A_198 = arith.constant 0 : i32
        %dma_wait3A_199 = tpu.memref_slice %arg18[%dma_wait3A_197, %dma_wait3A_198] : memref<10000x64xf32, #tpu.memory_space<vmem_shared>> -> memref<10000x64xf32, #tpu.memory_space<vmem_shared>>
        tpu.wait_indirect_dma semaphore(%run_scoped3A : memref<!tpu.dma_semaphore, #tpu.memory_space<semaphore_mem>>) src(%arg12 : memref<125x64xf32, #tpu.memory_space<vmem>>) dst(%dma_wait3A_199 : memref<10000x64xf32, #tpu.memory_space<vmem_shared>>)
        tpu.yield
      }) : () -> ()
    }
    %scan3A_56 = arith.constant 32 : i32
    %barrier3A_57 = arith.constant 0 : index
    tpu.barrier barrier_id(%barrier3A_57)
    %mul3A = arith.constant 625 : i32
    %mul3A_58 = arith.muli %arg1, %mul3A : i32
    "tpu.region"() ({
      %run_scoped3A = tpu.sem_alloc : memref<!tpu.dma_semaphore, #tpu.memory_space<semaphore_mem>>
      %dma_start3A_59 = arith.constant 0 : i32
      %dma_start3A_60 = arith.constant 0 : i32
      %dma_start3A_61 = arith.constant 0 : i32
      %dma_start3A_62 = tpu.memref_slice %arg5[%arg0, %dma_start3A_59, %dma_start3A_60, %dma_start3A_61] : memref<2x16x625x64xf32, #tpu.memory_space<hbm>> -> memref<1x16x625x64xf32, #tpu.memory_space<hbm>>
      %dma_start3A_63 = tpu.memref_squeeze %dma_start3A_62 : memref<1x16x625x64xf32, #tpu.memory_space<hbm>> -> memref<16x625x64xf32, #tpu.memory_space<hbm>>
      %dma_start3A_64 = arith.constant 0 : i32
      %dma_start3A_65 = arith.constant 0 : i32
      %dma_start3A_66 = tpu.memref_slice %dma_start3A_63[%arg1, %dma_start3A_64, %dma_start3A_65] : memref<16x625x64xf32, #tpu.memory_space<hbm>> -> memref<1x625x64xf32, #tpu.memory_space<hbm>>
      %dma_start3A_67 = tpu.memref_squeeze %dma_start3A_66 : memref<1x625x64xf32, #tpu.memory_space<hbm>> -> memref<625x64xf32, #tpu.memory_space<hbm>>
      %dma_start3A_68 = arith.constant 0 : i32
      %dma_start3A_69 = tpu.memref_slice %arg18[%mul3A_58, %dma_start3A_68] : memref<10000x64xf32, #tpu.memory_space<vmem_shared>> -> memref<625x64xf32, #tpu.memory_space<vmem_shared>>
      tpu.enqueue_dma source(%dma_start3A_69 : memref<625x64xf32, #tpu.memory_space<vmem_shared>>) target(%dma_start3A_67 : memref<625x64xf32, #tpu.memory_space<hbm>>) target_semaphore(%run_scoped3A : memref<!tpu.dma_semaphore, #tpu.memory_space<semaphore_mem>>)
      %dma_wait3A = arith.constant 0 : i32
      %dma_wait3A_70 = arith.constant 0 : i32
      %dma_wait3A_71 = arith.constant 0 : i32
      %dma_wait3A_72 = tpu.memref_slice %arg5[%arg0, %dma_wait3A, %dma_wait3A_70, %dma_wait3A_71] : memref<2x16x625x64xf32, #tpu.memory_space<hbm>> -> memref<1x16x625x64xf32, #tpu.memory_space<hbm>>
      %dma_wait3A_73 = tpu.memref_squeeze %dma_wait3A_72 : memref<1x16x625x64xf32, #tpu.memory_space<hbm>> -> memref<16x625x64xf32, #tpu.memory_space<hbm>>
      %dma_wait3A_74 = arith.constant 0 : i32
      %dma_wait3A_75 = arith.constant 0 : i32
      %dma_wait3A_76 = tpu.memref_slice %dma_wait3A_73[%arg1, %dma_wait3A_74, %dma_wait3A_75] : memref<16x625x64xf32, #tpu.memory_space<hbm>> -> memref<1x625x64xf32, #tpu.memory_space<hbm>>
      %dma_wait3A_77 = tpu.memref_squeeze %dma_wait3A_76 : memref<1x625x64xf32, #tpu.memory_space<hbm>> -> memref<625x64xf32, #tpu.memory_space<hbm>>
      %dma_wait3A_78 = arith.constant 0 : i32
      %dma_wait3A_79 = tpu.memref_slice %arg18[%mul3A_58, %dma_wait3A_78] : memref<10000x64xf32, #tpu.memory_space<vmem_shared>> -> memref<625x64xf32, #tpu.memory_space<vmem_shared>>
      tpu.wait_dma2 semaphore(%run_scoped3A : memref<!tpu.dma_semaphore, #tpu.memory_space<semaphore_mem>>) src(%dma_wait3A_79 : memref<625x64xf32, #tpu.memory_space<vmem_shared>>) dst(%dma_wait3A_77 : memref<625x64xf32, #tpu.memory_space<hbm>>)
      tpu.yield
    }) : () -> ()
    return
  }
}

module attributes {stable_mosaic.version = 14 : i64} {
  func.func @_prep_body(%arg0: i32, %arg1: memref<2000x128xf32, #tpu.memory_space<vmem>>, %arg2: memref<128x128xf32, #tpu.memory_space<vmem>>, %arg3: memref<2000x1xf32, #tpu.memory_space<vmem>>, %arg4: memref<2000x1xf32, #tpu.memory_space<vmem>>, %arg5: memref<2x2000x64xf32, #tpu.memory_space<vmem>>, %arg6: memref<2000x1xf32, #tpu.memory_space<vmem>>) attributes {dimension_semantics = [#tpu.dimension_semantics<arbitrary>], iteration_bounds = array<i64: 5>, scalar_prefetch = 0 : i64, scratch_operands = 0 : i64, tpu.core_type = #tpu.core_type<tc>, window_params = [{transform_indices = @transform_0, window_bounds = array<i64: 2000, 128>}, {pipeline_mode = #tpu.pipeline_mode<synchronous>, transform_indices = @transform_1, window_bounds = array<i64: 128, 128>}, {transform_indices = @transform_2, window_bounds = array<i64: 2000, 1>}, {transform_indices = @transform_3, window_bounds = array<i64: 2000, 1>}, {transform_indices = @transform_4, window_bounds = array<i64: 2, 2000, 64>}, {transform_indices = @transform_5, window_bounds = array<i64: 2000, 1>}]} {
    %get3A = arith.constant 0 : index
    %get3A_0 = arith.constant 0 : index
    %get3A_1 = vector.load %arg3[%get3A, %get3A_0] : memref<2000x1xf32, #tpu.memory_space<vmem>>, vector<2000x1xf32>
    %add3A = arith.constant 1.000000e+00 : f32
    %add3A_2 = vector.broadcast %add3A : f32 to vector<2000x1xf32>
    %add3A_3 = arith.addf %add3A_2, %get3A_1 : vector<2000x1xf32>
    %get3A_4 = arith.constant 0 : index
    %get3A_5 = arith.constant 0 : index
    %get3A_6 = vector.load %arg4[%get3A_4, %get3A_5] : memref<2000x1xf32, #tpu.memory_space<vmem>>, vector<2000x1xf32>
    %add3A_7 = arith.addf %add3A_3, %get3A_6 : vector<2000x1xf32>
    %rsqrt3A = math.rsqrt %add3A_7 : vector<2000x1xf32>
    %swap3A = arith.constant 0 : index
    %swap3A_8 = arith.constant 0 : index
    %swap3A_9 = vector.load %arg6[%swap3A, %swap3A_8] : memref<2000x1xf32, #tpu.memory_space<vmem>>, vector<2000x1xf32>
    tpu.vector_store %arg6[%swap3A, %swap3A_8], %rsqrt3A {strides = array<i32>} : memref<2000x1xf32, #tpu.memory_space<vmem>>, vector<2000x1xf32>,
    %get3A_10 = arith.constant 0 : index
    %get3A_11 = arith.constant 0 : index
    %get3A_12 = vector.load %arg1[%get3A_10, %get3A_11] : memref<2000x128xf32, #tpu.memory_space<vmem>>, vector<2000x128xf32>
    %get3A_13 = arith.constant 0 : index
    %get3A_14 = arith.constant 0 : index
    %get3A_15 = vector.load %arg2[%get3A_13, %get3A_14] : memref<128x128xf32, #tpu.memory_space<vmem>>, vector<128x128xf32>
    %dot_general3A = arith.constant dense<0.000000e+00> : vector<2000x128xf32>
    %dot_general3A_16 = tpu.matmul %get3A_12, %get3A_15, %dot_general3A {dimension_numbers = #tpu.dot_dimension_numbers<[1], [0], [0], [1], [0, 0, 1, 1], [], []>, transpose_lhs_hint = false} : vector<2000x128xf32>, vector<128x128xf32>, vector<2000x128xf32> -> vector<2000x128xf32>
    %slice3A = vector.extract_strided_slice %dot_general3A_16 {offsets = [0, 0], sizes = [2000, 64], strides = [1, 1]} : vector<2000x128xf32> to vector<2000x64xf32>
    %mul3A = vector.broadcast %rsqrt3A : vector<2000x1xf32> to vector<2000x64xf32>
    %mul3A_17 = arith.mulf %mul3A, %slice3A : vector<2000x64xf32>
    %swap3A_18 = arith.constant 0 : index
    %swap3A_19 = arith.constant 0 : index
    %swap3A_20 = arith.constant 0 : index
    %swap3A_21 = vector.load %arg5[%swap3A_18, %swap3A_19, %swap3A_20] : memref<2x2000x64xf32, #tpu.memory_space<vmem>>, vector<1x2000x64xf32>
    %swap3A_22 = vector.shape_cast %swap3A_21 : vector<1x2000x64xf32> to vector<2000x64xf32>
    %swap3A_23 = vector.shape_cast %mul3A_17 : vector<2000x64xf32> to vector<1x2000x64xf32>
    tpu.vector_store %arg5[%swap3A_18, %swap3A_19, %swap3A_20], %swap3A_23 {strides = array<i32>} : memref<2x2000x64xf32, #tpu.memory_space<vmem>>, vector<1x2000x64xf32>,
    %slice3A_24 = vector.extract_strided_slice %dot_general3A_16 {offsets = [0, 64], sizes = [2000, 64], strides = [1, 1]} : vector<2000x128xf32> to vector<2000x64xf32>
    %mul3A_25 = vector.broadcast %rsqrt3A : vector<2000x1xf32> to vector<2000x64xf32>
    %mul3A_26 = arith.mulf %mul3A_25, %slice3A_24 : vector<2000x64xf32>
    %swap3A_27 = arith.constant 1 : index
    %swap3A_28 = arith.constant 0 : index
    %swap3A_29 = arith.constant 0 : index
    %swap3A_30 = vector.load %arg5[%swap3A_27, %swap3A_28, %swap3A_29] : memref<2x2000x64xf32, #tpu.memory_space<vmem>>, vector<1x2000x64xf32>
    %swap3A_31 = vector.shape_cast %swap3A_30 : vector<1x2000x64xf32> to vector<2000x64xf32>
    %swap3A_32 = vector.shape_cast %mul3A_26 : vector<2000x64xf32> to vector<1x2000x64xf32>
    tpu.vector_store %arg5[%swap3A_27, %swap3A_28, %swap3A_29], %swap3A_32 {strides = array<i32>} : memref<2x2000x64xf32, #tpu.memory_space<vmem>>, vector<1x2000x64xf32>,
    return
  }
  func.func @transform_0(%arg0: i32) -> (i32, i32) {
    %c0_i32 = arith.constant 0 : i32
    %c0_i32_0 = arith.constant 0 : i32
    return %arg0, %c0_i32 : i32, i32
  }
  func.func @transform_1(%arg0: i32) -> (i32, i32) {
    %c0_i32 = arith.constant 0 : i32
    %c0_i32_0 = arith.constant 0 : i32
    %c0_i32_1 = arith.constant 0 : i32
    return %c0_i32, %c0_i32_0 : i32, i32
  }
  func.func @transform_2(%arg0: i32) -> (i32, i32) {
    %c0_i32 = arith.constant 0 : i32
    %c0_i32_0 = arith.constant 0 : i32
    return %arg0, %c0_i32 : i32, i32
  }
  func.func @transform_3(%arg0: i32) -> (i32, i32) {
    %c0_i32 = arith.constant 0 : i32
    %c0_i32_0 = arith.constant 0 : i32
    return %arg0, %c0_i32 : i32, i32
  }
  func.func @transform_4(%arg0: i32) -> (i32, i32, i32) {
    %c0_i32 = arith.constant 0 : i32
    %c0_i32_0 = arith.constant 0 : i32
    %c0_i32_1 = arith.constant 0 : i32
    return %c0_i32, %arg0, %c0_i32_0 : i32, i32, i32
  }
  func.func @transform_5(%arg0: i32) -> (i32, i32) {
    %c0_i32 = arith.constant 0 : i32
    %c0_i32_0 = arith.constant 0 : i32
    return %arg0, %c0_i32 : i32, i32
  }
}

module attributes {stable_mosaic.version = 14 : i64} {
  func.func @_mid_body(%arg0: i32, %arg1: memref<2x2000x64xf32, #tpu.memory_space<vmem>>, %arg2: memref<2x2000x64xf32, #tpu.memory_space<vmem>>, %arg3: memref<2000x1xf32, #tpu.memory_space<vmem>>, %arg4: memref<1x128xf32, #tpu.memory_space<vmem>>, %arg5: memref<128x128xf32, #tpu.memory_space<vmem>>, %arg6: memref<2x2000x64xf32, #tpu.memory_space<vmem>>) attributes {dimension_semantics = [#tpu.dimension_semantics<arbitrary>], iteration_bounds = array<i64: 5>, scalar_prefetch = 0 : i64, scratch_operands = 0 : i64, tpu.core_type = #tpu.core_type<tc>, window_params = [{transform_indices = @transform_0, window_bounds = array<i64: 2, 2000, 64>}, {transform_indices = @transform_1, window_bounds = array<i64: 2, 2000, 64>}, {transform_indices = @transform_2, window_bounds = array<i64: 2000, 1>}, {pipeline_mode = #tpu.pipeline_mode<synchronous>, transform_indices = @transform_3, window_bounds = array<i64: 1, 128>}, {pipeline_mode = #tpu.pipeline_mode<synchronous>, transform_indices = @transform_4, window_bounds = array<i64: 128, 128>}, {transform_indices = @transform_5, window_bounds = array<i64: 2, 2000, 64>}]} {
    %get3A = arith.constant 0 : index
    %get3A_0 = arith.constant 0 : index
    %get3A_1 = vector.load %arg3[%get3A, %get3A_0] : memref<2000x1xf32, #tpu.memory_space<vmem>>, vector<2000x1xf32>
    %get3A_2 = arith.constant 0 : index
    %get3A_3 = arith.constant 0 : index
    %get3A_4 = arith.constant 0 : index
    %get3A_5 = vector.load %arg1[%get3A_2, %get3A_3, %get3A_4] : memref<2x2000x64xf32, #tpu.memory_space<vmem>>, vector<1x2000x64xf32>
    %get3A_6 = vector.shape_cast %get3A_5 : vector<1x2000x64xf32> to vector<2000x64xf32>
    %get3A_7 = arith.constant 0 : index
    %get3A_8 = arith.constant 0 : index
    %get3A_9 = arith.constant 0 : index
    %get3A_10 = vector.load %arg2[%get3A_7, %get3A_8, %get3A_9] : memref<2x2000x64xf32, #tpu.memory_space<vmem>>, vector<1x2000x64xf32>
    %get3A_11 = vector.shape_cast %get3A_10 : vector<1x2000x64xf32> to vector<2000x64xf32>
    %add3A = arith.addf %get3A_6, %get3A_11 : vector<2000x64xf32>
    %mul3A = vector.broadcast %get3A_1 : vector<2000x1xf32> to vector<2000x64xf32>
    %mul3A_12 = arith.mulf %mul3A, %add3A : vector<2000x64xf32>
    %get3A_13 = arith.constant 0 : index
    %get3A_14 = arith.constant 0 : index
    %get3A_15 = vector.load %arg4[%get3A_13, %get3A_14] : memref<1x128xf32, #tpu.memory_space<vmem>>, vector<1x64xf32>
    %add3A_16 = vector.broadcast %get3A_15 : vector<1x64xf32> to vector<2000x64xf32>
    %add3A_17 = arith.addf %mul3A_12, %add3A_16 : vector<2000x64xf32>
    %max3A = arith.constant 0.000000e+00 : f32
    %max3A_18 = vector.broadcast %max3A : f32 to vector<2000x64xf32>
    %max3A_19 = arith.maximumf %add3A_17, %max3A_18 : vector<2000x64xf32>
    %get3A_20 = arith.constant 1 : index
    %get3A_21 = arith.constant 0 : index
    %get3A_22 = arith.constant 0 : index
    %get3A_23 = vector.load %arg1[%get3A_20, %get3A_21, %get3A_22] : memref<2x2000x64xf32, #tpu.memory_space<vmem>>, vector<1x2000x64xf32>
    %get3A_24 = vector.shape_cast %get3A_23 : vector<1x2000x64xf32> to vector<2000x64xf32>
    %get3A_25 = arith.constant 1 : index
    %get3A_26 = arith.constant 0 : index
    %get3A_27 = arith.constant 0 : index
    %get3A_28 = vector.load %arg2[%get3A_25, %get3A_26, %get3A_27] : memref<2x2000x64xf32, #tpu.memory_space<vmem>>, vector<1x2000x64xf32>
    %get3A_29 = vector.shape_cast %get3A_28 : vector<1x2000x64xf32> to vector<2000x64xf32>
    %add3A_30 = arith.addf %get3A_24, %get3A_29 : vector<2000x64xf32>
    %mul3A_31 = vector.broadcast %get3A_1 : vector<2000x1xf32> to vector<2000x64xf32>
    %mul3A_32 = arith.mulf %mul3A_31, %add3A_30 : vector<2000x64xf32>
    %get3A_33 = arith.constant 0 : index
    %get3A_34 = arith.constant 64 : index
    %get3A_35 = vector.load %arg4[%get3A_33, %get3A_34] : memref<1x128xf32, #tpu.memory_space<vmem>>, vector<1x64xf32>
    %add3A_36 = vector.broadcast %get3A_35 : vector<1x64xf32> to vector<2000x64xf32>
    %add3A_37 = arith.addf %mul3A_32, %add3A_36 : vector<2000x64xf32>
    %max3A_38 = arith.constant 0.000000e+00 : f32
    %max3A_39 = vector.broadcast %max3A_38 : f32 to vector<2000x64xf32>
    %max3A_40 = arith.maximumf %add3A_37, %max3A_39 : vector<2000x64xf32>
    %get3A_41 = arith.constant 0 : index
    %get3A_42 = arith.constant 0 : index
    %get3A_43 = vector.load %arg5[%get3A_41, %get3A_42] : memref<128x128xf32, #tpu.memory_space<vmem>>, vector<64x128xf32>
    %dot_general3A = arith.constant dense<0.000000e+00> : vector<2000x128xf32>
    %dot_general3A_44 = tpu.matmul %max3A_19, %get3A_43, %dot_general3A {dimension_numbers = #tpu.dot_dimension_numbers<[1], [0], [0], [1], [0, 0, 1, 1], [], []>, transpose_lhs_hint = false} : vector<2000x64xf32>, vector<64x128xf32>, vector<2000x128xf32> -> vector<2000x128xf32>
    %get3A_45 = arith.constant 64 : index
    %get3A_46 = arith.constant 0 : index
    %get3A_47 = vector.load %arg5[%get3A_45, %get3A_46] : memref<128x128xf32, #tpu.memory_space<vmem>>, vector<64x128xf32>
    %dot_general3A_48 = arith.constant dense<0.000000e+00> : vector<2000x128xf32>
    %dot_general3A_49 = tpu.matmul %max3A_40, %get3A_47, %dot_general3A_48 {dimension_numbers = #tpu.dot_dimension_numbers<[1], [0], [0], [1], [0, 0, 1, 1], [], []>, transpose_lhs_hint = false} : vector<2000x64xf32>, vector<64x128xf32>, vector<2000x128xf32> -> vector<2000x128xf32>
    %add3A_50 = arith.addf %dot_general3A_44, %dot_general3A_49 : vector<2000x128xf32>
    %slice3A = vector.extract_strided_slice %add3A_50 {offsets = [0, 0], sizes = [2000, 64], strides = [1, 1]} : vector<2000x128xf32> to vector<2000x64xf32>
    %mul3A_51 = vector.broadcast %get3A_1 : vector<2000x1xf32> to vector<2000x64xf32>
    %mul3A_52 = arith.mulf %mul3A_51, %slice3A : vector<2000x64xf32>
    %swap3A = arith.constant 0 : index
    %swap3A_53 = arith.constant 0 : index
    %swap3A_54 = arith.constant 0 : index
    %swap3A_55 = vector.load %arg6[%swap3A, %swap3A_53, %swap3A_54] : memref<2x2000x64xf32, #tpu.memory_space<vmem>>, vector<1x2000x64xf32>
    %swap3A_56 = vector.shape_cast %swap3A_55 : vector<1x2000x64xf32> to vector<2000x64xf32>
    %swap3A_57 = vector.shape_cast %mul3A_52 : vector<2000x64xf32> to vector<1x2000x64xf32>
    tpu.vector_store %arg6[%swap3A, %swap3A_53, %swap3A_54], %swap3A_57 {strides = array<i32>} : memref<2x2000x64xf32, #tpu.memory_space<vmem>>, vector<1x2000x64xf32>,
    %slice3A_58 = vector.extract_strided_slice %add3A_50 {offsets = [0, 64], sizes = [2000, 64], strides = [1, 1]} : vector<2000x128xf32> to vector<2000x64xf32>
    %mul3A_59 = vector.broadcast %get3A_1 : vector<2000x1xf32> to vector<2000x64xf32>
    %mul3A_60 = arith.mulf %mul3A_59, %slice3A_58 : vector<2000x64xf32>
    %swap3A_61 = arith.constant 1 : index
    %swap3A_62 = arith.constant 0 : index
    %swap3A_63 = arith.constant 0 : index
    %swap3A_64 = vector.load %arg6[%swap3A_61, %swap3A_62, %swap3A_63] : memref<2x2000x64xf32, #tpu.memory_space<vmem>>, vector<1x2000x64xf32>
    %swap3A_65 = vector.shape_cast %swap3A_64 : vector<1x2000x64xf32> to vector<2000x64xf32>
    %swap3A_66 = vector.shape_cast %mul3A_60 : vector<2000x64xf32> to vector<1x2000x64xf32>
    tpu.vector_store %arg6[%swap3A_61, %swap3A_62, %swap3A_63], %swap3A_66 {strides = array<i32>} : memref<2x2000x64xf32, #tpu.memory_space<vmem>>, vector<1x2000x64xf32>,
    return
  }
  func.func @transform_0(%arg0: i32) -> (i32, i32, i32) {
    %c0_i32 = arith.constant 0 : i32
    %c0_i32_0 = arith.constant 0 : i32
    %c0_i32_1 = arith.constant 0 : i32
    return %c0_i32, %arg0, %c0_i32_0 : i32, i32, i32
  }
  func.func @transform_1(%arg0: i32) -> (i32, i32, i32) {
    %c0_i32 = arith.constant 0 : i32
    %c0_i32_0 = arith.constant 0 : i32
    %c0_i32_1 = arith.constant 0 : i32
    return %c0_i32, %arg0, %c0_i32_0 : i32, i32, i32
  }
  func.func @transform_2(%arg0: i32) -> (i32, i32) {
    %c0_i32 = arith.constant 0 : i32
    %c0_i32_0 = arith.constant 0 : i32
    return %arg0, %c0_i32 : i32, i32
  }
  func.func @transform_3(%arg0: i32) -> (i32, i32) {
    %c0_i32 = arith.constant 0 : i32
    %c0_i32_0 = arith.constant 0 : i32
    %c0_i32_1 = arith.constant 0 : i32
    return %c0_i32, %c0_i32_0 : i32, i32
  }
  func.func @transform_4(%arg0: i32) -> (i32, i32) {
    %c0_i32 = arith.constant 0 : i32
    %c0_i32_0 = arith.constant 0 : i32
    %c0_i32_1 = arith.constant 0 : i32
    return %c0_i32, %c0_i32_0 : i32, i32
  }
  func.func @transform_5(%arg0: i32) -> (i32, i32, i32) {
    %c0_i32 = arith.constant 0 : i32
    %c0_i32_0 = arith.constant 0 : i32
    %c0_i32_1 = arith.constant 0 : i32
    return %c0_i32, %arg0, %c0_i32_0 : i32, i32, i32
  }
}

module attributes {stable_mosaic.version = 14 : i64} {
  func.func @_fin_body(%arg0: i32, %arg1: memref<2x2000x64xf32, #tpu.memory_space<vmem>>, %arg2: memref<2x2000x64xf32, #tpu.memory_space<vmem>>, %arg3: memref<2000x1xf32, #tpu.memory_space<vmem>>, %arg4: memref<1x128xf32, #tpu.memory_space<vmem>>, %arg5: memref<2000x128xf32, #tpu.memory_space<vmem>>) attributes {dimension_semantics = [#tpu.dimension_semantics<arbitrary>], iteration_bounds = array<i64: 5>, scalar_prefetch = 0 : i64, scratch_operands = 0 : i64, tpu.core_type = #tpu.core_type<tc>, window_params = [{transform_indices = @transform_0, window_bounds = array<i64: 2, 2000, 64>}, {transform_indices = @transform_1, window_bounds = array<i64: 2, 2000, 64>}, {transform_indices = @transform_2, window_bounds = array<i64: 2000, 1>}, {pipeline_mode = #tpu.pipeline_mode<synchronous>, transform_indices = @transform_3, window_bounds = array<i64: 1, 128>}, {transform_indices = @transform_4, window_bounds = array<i64: 2000, 128>}]} {
    %get3A = arith.constant 0 : index
    %get3A_0 = arith.constant 0 : index
    %get3A_1 = vector.load %arg3[%get3A, %get3A_0] : memref<2000x1xf32, #tpu.memory_space<vmem>>, vector<2000x1xf32>
    %get3A_2 = arith.constant 0 : index
    %get3A_3 = arith.constant 0 : index
    %get3A_4 = arith.constant 0 : index
    %get3A_5 = vector.load %arg1[%get3A_2, %get3A_3, %get3A_4] : memref<2x2000x64xf32, #tpu.memory_space<vmem>>, vector<1x2000x64xf32>
    %get3A_6 = vector.shape_cast %get3A_5 : vector<1x2000x64xf32> to vector<2000x64xf32>
    %get3A_7 = arith.constant 0 : index
    %get3A_8 = arith.constant 0 : index
    %get3A_9 = arith.constant 0 : index
    %get3A_10 = vector.load %arg2[%get3A_7, %get3A_8, %get3A_9] : memref<2x2000x64xf32, #tpu.memory_space<vmem>>, vector<1x2000x64xf32>
    %get3A_11 = vector.shape_cast %get3A_10 : vector<1x2000x64xf32> to vector<2000x64xf32>
    %add3A = arith.addf %get3A_6, %get3A_11 : vector<2000x64xf32>
    %mul3A = vector.broadcast %get3A_1 : vector<2000x1xf32> to vector<2000x64xf32>
    %mul3A_12 = arith.mulf %mul3A, %add3A : vector<2000x64xf32>
    %get3A_13 = arith.constant 0 : index
    %get3A_14 = arith.constant 0 : index
    %get3A_15 = vector.load %arg4[%get3A_13, %get3A_14] : memref<1x128xf32, #tpu.memory_space<vmem>>, vector<1x64xf32>
    %add3A_16 = vector.broadcast %get3A_15 : vector<1x64xf32> to vector<2000x64xf32>
    %add3A_17 = arith.addf %mul3A_12, %add3A_16 : vector<2000x64xf32>
    %swap3A = arith.constant 0 : index
    %swap3A_18 = arith.constant 0 : index
    %swap3A_19 = vector.load %arg5[%swap3A, %swap3A_18] : memref<2000x128xf32, #tpu.memory_space<vmem>>, vector<2000x64xf32>
    tpu.vector_store %arg5[%swap3A, %swap3A_18], %add3A_17 {strides = array<i32>} : memref<2000x128xf32, #tpu.memory_space<vmem>>, vector<2000x64xf32>,
    %get3A_20 = arith.constant 1 : index
    %get3A_21 = arith.constant 0 : index
    %get3A_22 = arith.constant 0 : index
    %get3A_23 = vector.load %arg1[%get3A_20, %get3A_21, %get3A_22] : memref<2x2000x64xf32, #tpu.memory_space<vmem>>, vector<1x2000x64xf32>
    %get3A_24 = vector.shape_cast %get3A_23 : vector<1x2000x64xf32> to vector<2000x64xf32>
    %get3A_25 = arith.constant 1 : index
    %get3A_26 = arith.constant 0 : index
    %get3A_27 = arith.constant 0 : index
    %get3A_28 = vector.load %arg2[%get3A_25, %get3A_26, %get3A_27] : memref<2x2000x64xf32, #tpu.memory_space<vmem>>, vector<1x2000x64xf32>
    %get3A_29 = vector.shape_cast %get3A_28 : vector<1x2000x64xf32> to vector<2000x64xf32>
    %add3A_30 = arith.addf %get3A_24, %get3A_29 : vector<2000x64xf32>
    %mul3A_31 = vector.broadcast %get3A_1 : vector<2000x1xf32> to vector<2000x64xf32>
    %mul3A_32 = arith.mulf %mul3A_31, %add3A_30 : vector<2000x64xf32>
    %get3A_33 = arith.constant 0 : index
    %get3A_34 = arith.constant 64 : index
    %get3A_35 = vector.load %arg4[%get3A_33, %get3A_34] : memref<1x128xf32, #tpu.memory_space<vmem>>, vector<1x64xf32>
    %add3A_36 = vector.broadcast %get3A_35 : vector<1x64xf32> to vector<2000x64xf32>
    %add3A_37 = arith.addf %mul3A_32, %add3A_36 : vector<2000x64xf32>
    %swap3A_38 = arith.constant 0 : index
    %swap3A_39 = arith.constant 64 : index
    %swap3A_40 = vector.load %arg5[%swap3A_38, %swap3A_39] : memref<2000x128xf32, #tpu.memory_space<vmem>>, vector<2000x64xf32>
    tpu.vector_store %arg5[%swap3A_38, %swap3A_39], %add3A_37 {strides = array<i32>} : memref<2000x128xf32, #tpu.memory_space<vmem>>, vector<2000x64xf32>,
    return
  }
  func.func @transform_0(%arg0: i32) -> (i32, i32, i32) {
    %c0_i32 = arith.constant 0 : i32
    %c0_i32_0 = arith.constant 0 : i32
    %c0_i32_1 = arith.constant 0 : i32
    return %c0_i32, %arg0, %c0_i32_0 : i32, i32, i32
  }
  func.func @transform_1(%arg0: i32) -> (i32, i32, i32) {
    %c0_i32 = arith.constant 0 : i32
    %c0_i32_0 = arith.constant 0 : i32
    %c0_i32_1 = arith.constant 0 : i32
    return %c0_i32, %arg0, %c0_i32_0 : i32, i32, i32
  }
  func.func @transform_2(%arg0: i32) -> (i32, i32) {
    %c0_i32 = arith.constant 0 : i32
    %c0_i32_0 = arith.constant 0 : i32
    return %arg0, %c0_i32 : i32, i32
  }
  func.func @transform_3(%arg0: i32) -> (i32, i32) {
    %c0_i32 = arith.constant 0 : i32
    %c0_i32_0 = arith.constant 0 : i32
    %c0_i32_1 = arith.constant 0 : i32
    return %c0_i32, %c0_i32_0 : i32, i32
  }
  func.func @transform_4(%arg0: i32) -> (i32, i32) {
    %c0_i32 = arith.constant 0 : i32
    %c0_i32_0 = arith.constant 0 : i32
    return %arg0, %c0_i32 : i32, i32
  }
}

</mosaic_0001>

<sc_bundles>
// kernel: kernel.11.cloned.1.call-start
scs
__scs_entry_jumppad:
0x0: {  	(pc) =	sbr.rel $0x88, $3  }
0x1: {  	(tag) =	ssettag $0x0;
	lr =	simm.s32 $0x1  }
0x2: {  	[smem:$0x3F9B] =	sst lr;
	_ =	strace $0xD0000000  }
0x3: {  	_ = 	snop  }
0x4: {  	_ = 	snop  }
0x5: {  	_ = 	snop  }
0x6: {  	_ = 	snop  }
0x7: {  	_ = 	snop  }
__scs_overlays_trampoline_lowered:
0x8: {  	[smem:$0x3FAA] =	sst s0  }
0x9: {  	[smem:$0x3FAB] =	sst s1  }
0xa: {  	[smem:$0x3FAC] =	sst s2  }
0xb: {  	[smem:$0x3FAD] =	sst s3  }
0xc: {  	[smem:$0x3FAE] =	sst s4  }
0xd: {  	[smem:$0x3FAF] =	sst s5  }
0xe: {  	[smem:$0x3FB0] =	sst s6  }
0xf: {  	[smem:$0x3FB1] =	sst s7  }
0x10: {  	[smem:$0x3FB2] =	sst s8  }
0x11: {  	[smem:$0x3FB3] =	sst s9;
	s0 =	simm.s32 @!p0 $0x0  }
0x12: {  	s1 =	sld [smem:$0x3F99];
	s0 =	simm.s32 @p0 $0x1  }
0x13: {  	[smem:$0x3FB4] =	sst s0;
	s0 =	simm.s32 @!p1 $0x0  }
0x14: {  	s2 =	sld [smem:$0x3F98];
	s0 =	simm.s32 @p1 $0x1  }
0x15: {  	[smem:$0x3FB5] =	sst s0;
	s0 =	simm.s32 @!p2 $0x0  }
0x16: {  	s3 =	sld [smem:$0x3FDB];
	s0 =	simm.s32 @p2 $0x1  }
0x17: {  	s4 =	simm.s32 $0x1BF5;
	[smem:$0x3FB7] =	sst s0  }
0x18: {  	s0 =	sld [smem:$0x3F9A];
	_ =	swait.ge [sflag:s4], $0x0  }
0x19: {  	s7 =	sld [smem:$0x3F9B]  }
0x1a: {  	s8 =	sadd.s32 $0xFFFFE003, lr  }
0x1b: {  	s9 =	sadd.s32 $0xFFFFFEF7, lr;
	s5 =	simm.s32 $0xFFFFFFFF;
	p2 =	slt.u32 s8, $0xFFFFF086  }
0x1c: {  	p1 =	slt.u32 s9, $0xF7A;
	s5 =	simm.s32 @!p2 $0x0  }
0x1d: {  	s5 =	simm.s32 @p1 $0x1;
	p0 =	seq.s32 s7, s2  }
0x1e: {  	s7 =	smul.u32 @!p0 $0xF7A, s2;
	p2 =	seq.s32 @!p0 s5, $0x0  }
0x1f: {  	s9 =	smul.u32 $0xF7A, s1;
	s8 =	simm.s32 @!p0 $0x1BF5;
	p2 =	por !p2, p0  }
0x20: {  	[sflag:s8] =	ssyncset.s32 @!p0 $0xFFFFF086;
	s6 =	sadd.s32 @!p0 s3, s7;
	s7 =	simm.s32 @!p0 $0x108  }
0x21: {  	s3 =	sadd.s32 s3, s9;
	s6 =	sadd.s32 @!p0 $0x88, s6;
	s7 =	simm.s32 @p2 $0x1082  }
0x22: {  	[simem:s7], [sflag:s8] =	dma.local @!p0 [hbm:s6], $0xF7A  }
0x23: {  	s9 =	sor.u32 $0xD0000000, s2;
	s6 =	simm.s32 $0x108;
	_ =	swait.ge @!p0 [sflag:s8], $0x0  }
0x24: {  	s3 =	sadd.s32 $0x88, s3;
	s6 =	simm.s32 @!p1 $0x1082;
	[sflag:s4] =	ssyncset.s32 $0xFFFFF086  }
0x25: {  	[simem:s6], [sflag:s4] =	dma.local [hbm:s3], $0xF7A  }
0x26: {  	[smem:$0x3F9B] =	sst s1;
	(tag) =	ssettag s2;
	_ =	strace s9  }
0x27: {  	s1 =	sld [smem:$0x3FAB]  }
0x28: {  	s2 =	sld [smem:$0x3FAC]  }
0x29: {  	s4 =	sld [smem:$0x3FAE]  }
0x2a: {  	p0 =	seq.s32 s5, $0x0;
	s5 =	sld [smem:$0x3FAF]  }
0x2b: {  	s6 =	sld [smem:$0x3FB0]  }
0x2c: {  	s7 =	sld [smem:$0x3FB1]  }
0x2d: {  	s3 =	simm.s32 $0x108;
	s8 =	sld [smem:$0x3FB2]  }
0x2e: {  	s3 =	simm.s32 @!p0 $0x1082;
	s9 =	sld [smem:$0x3FB3]  }
0x2f: {  	lr =	sadd.s32 s0, s3;
	s0 =	sld [smem:$0x3FAA]  }
0x30: {  	s3 =	sld [smem:$0x3FAD]  }
0x31: {  	[smem:$0x3FB6] =	sst s10  }
0x32: {  	s10 =	sld [smem:$0x3FB4];
	_ =	sdelay $0x3  }
0x33: {  	p0 =	seq.s32 s10, $0x1;
	s10 =	sld [smem:$0x3FB6];
	_ =	sdelay $0x3  }
0x34: {  	[smem:$0x3FB6] =	sst s10  }
0x35: {  	s10 =	sld [smem:$0x3FB5];
	_ =	sdelay $0x3  }
0x36: {  	p1 =	seq.s32 s10, $0x1;
	s10 =	sld [smem:$0x3FB6];
	_ =	sdelay $0x3  }
0x37: {  	[smem:$0x3FB6] =	sst s10  }
0x38: {  	s10 =	sld [smem:$0x3FB7]  }
0x39: {  	_ = 	snop;
	(pc) =	sbr.ind lr, $3  }
0x3a: {  	_ = 	snop  }
0x3b: {  	_ = 	snop  }
0x3c: {  	p2 =	seq.s32 s10, $0x1;
	s10 =	sld [smem:$0x3FB6]  }
0x3d: {  	_ =	shalt  }
0x3e: {  	_ =	shalt  }
0x3f: {  	_ =	shalt  }
0x40: {  	_ =	shalt  }
0x41: {  	_ =	shalt  }
0x42: {  	_ =	shalt  }
0x43: {  	_ =	shalt  }
0x44: {  	_ =	shalt  }
0x45: {  	_ =	shalt  }
0x46: {  	_ =	shalt  }
0x47: {  	_ =	shalt  }
0x48: {  	_ =	shalt  }
0x49: {  	_ =	shalt  }
0x4a: {  	_ =	shalt  }
0x4b: {  	_ =	shalt  }
0x4c: {  	_ =	shalt  }
0x4d: {  	_ =	shalt  }
0x4e: {  	_ =	shalt  }
0x4f: {  	_ =	shalt  }
0x50: {  	_ =	shalt  }
0x51: {  	_ =	shalt  }
0x52: {  	_ =	shalt  }
0x53: {  	_ =	shalt  }
0x54: {  	_ =	shalt  }
0x55: {  	_ =	shalt  }
0x56: {  	_ =	shalt  }
0x57: {  	_ =	shalt  }
0x58: {  	_ =	shalt  }
0x59: {  	_ =	shalt  }
0x5a: {  	_ =	shalt  }
0x5b: {  	_ =	shalt  }
0x5c: {  	_ =	shalt  }
0x5d: {  	_ =	shalt  }
0x5e: {  	_ =	shalt  }
0x5f: {  	_ =	shalt  }
0x60: {  	_ =	shalt  }
0x61: {  	_ =	shalt  }
0x62: {  	_ =	shalt  }
0x63: {  	_ =	shalt  }
0x64: {  	_ =	shalt  }
0x65: {  	_ =	shalt  }
0x66: {  	_ =	shalt  }
0x67: {  	_ =	shalt  }
0x68: {  	_ =	shalt  }
0x69: {  	_ =	shalt  }
0x6a: {  	_ =	shalt  }
0x6b: {  	_ =	shalt  }
0x6c: {  	_ =	shalt  }
0x6d: {  	_ =	shalt  }
0x6e: {  	_ =	shalt  }
0x6f: {  	_ =	shalt  }
0x70: {  	_ =	shalt  }
0x71: {  	_ =	shalt  }
0x72: {  	_ =	shalt  }
0x73: {  	_ =	shalt  }
0x74: {  	_ =	shalt  }
0x75: {  	_ =	shalt  }
0x76: {  	_ =	shalt  }
0x77: {  	_ =	shalt  }
0x78: {  	_ =	shalt  }
0x79: {  	_ =	shalt  }
0x7a: {  	_ =	shalt  }
0x7b: {  	_ =	shalt  }
0x7c: {  	_ =	shalt  }
0x7d: {  	_ =	shalt  }
0x7e: {  	_ =	shalt  }
0x7f: {  	_ =	shalt  }
0x80: {  	_ =	shalt  }
0x81: {  	_ =	shalt  }
0x82: {  	_ =	shalt  }
0x83: {  	_ =	shalt  }
0x84: {  	_ =	shalt  }
0x85: {  	_ =	shalt  }
0x86: {  	_ =	shalt  }
0x87: {  	_ =	shalt  }
.Lfunc_end0:
.L_simem_size_0:
called_computation.1_lowered:
.L_overlay_start_0:
0x88: {  	s2 =	sld [smem:$0x3FD9]  }
0x89: {  	s3 =	sld [smem:$0x3FFE];
	_ =	sdelay $0x1  }
0x8a: {  	s1 =	srdreg.scid  }
0x8b: {  	s0 =	sand.u32 $0x1, s1  }
0x8c: {  	s17 =	sshll.u32 s0, $0xA;
	s2 =	sadd.s32 s3, s2  }
0x8d: {  	s2 =	sadd.s32 s2, s17  }
0x8e: {  	[smem:$0x3FC2] =	sst s2  }
0x8f: {  	_ = 	snop  }
0x90: {  	s2 =	sld [smem:$0x3FD0];
	(tm) =	ssettm $0x1  }
0x91: {  	s18 =	sld [smem:$0x3FFB];
	_ =	sdelay $0x3  }
0x92: {  	_ =	strace s18  }
0x93: {  	s3 =	sld [smem:$0x3FFC];
	_ =	sdelay $0x3  }
0x94: {  	_ =	strace s3  }
0x95: {  	s3 =	sld [smem:$0x3FFD];
	_ =	sdelay $0x3  }
0x96: {  	_ =	strace s3  }
0x97: {  	_ =	strace $0x8FFFFFFF  }
0x98: {  	s19 =	sld [smem:$0x3FDB];
	_ =	sdelay $0x1  }
0x99: {  	s4 =	simm.s32 $_scs_section_size  }
0x9a: {  	s5 =	simm.s32 $_size__tile_overlayer_lowered;
	s6 =	simm.s32 $_tile_overlayer_lowered  }
0x9b: {  	s22 =	simm.s32 $0x1BFF;
	s21 =	sshll.u32 s6, $0x1;
	s3 =	sadd.s32 s4, s19  }
0x9c: {  	s7 =	simm.s32 $0x0;
	s20 =	sshll.u32 s5, $0x1;
	s5 =	sadd.s32 s21, s3  }
0x9d: {  	[timem:s7], [sflag:s22] =	dma.local [hbm:s5], s20  }
0x9e: {  	_ =	swait.ge [sflag:s22], s20  }
0x9f: {  	s4 =	ssub.s32 $0x0, s20;
	[sflag:s22] =	ssyncset.done $0x0  }
0xa0: {  	[sflag:s22] =	ssyncadd.s32 s4;
	_ =	sdelay $0x1  }
0xa1: {  	s23 =	simm.s32 $0x1B8B  }
0xa2: {  	_ =	swait.ge [sflag:s23], $0x1  }
0xa3: {  	[sflag:s23] =	ssyncset.done $0x0  }
0xa4: {  	s25 =	simm.s32 $0x1B8E;
	s24 =	sld [smem:$0x3FFE];
	[sflag:s23] =	ssyncadd.s32 $0xFFFFFFFF  }
0xa5: {  	s26 =	simm.s32 $execute0_lowered;
	[smem:$0x3FD2] =	sst s25  }
0xa6: {  	s5 =	sshll.u32 s26, $0x1;
	_ =	strace $0x80000049;
	[dreg:$0x1] =	wrdreg $0xFFFFFFFF  }
0xa7: {  	s28 =	simm.s32 $_size_execute0_lowered;
	s3 =	sadd.s32 s3, s5;
	[dreg:$0x0] =	wrdreg $0x0  }
0xa8: {  	s5 =	sshll.u32 s28, $0x1;
	[dreg:$0x2] =	wrdreg s3  }
0xa9: {  	[dreg:$0x3] =	wrdreg s5  }
0xaa: {  	[dreg:$0x4] =	wrdreg $0xC0  }
0xab: {  	_ =	task [dreg:s7], $0x5FFFF  }
0xac: {  	[dreg:$0x1] =	wrdreg $0xFFFFFFFF  }
0xad: {  	[dreg:$0x0] =	wrdreg $0x60  }
0xae: {  	[dreg:$0x2] =	wrdreg s2  }
0xaf: {  	[dreg:$0x3] =	wrdreg s24  }
0xb0: {  	[dreg:$0x4] =	wrdreg $0x13C400  }
0xb1: {  	[dreg:$0x5] =	wrdreg $0x9  }
0xb2: {  	_ =	task.clear_ibuf [dreg:s7], $0x6FFFF;
	_ =	strace $0x90000049  }
0xb3: {  	s29 =	simm.s32 $0x9;
	_ =	strace $0x8000004B  }
0xb4: {  	_ =	swait.ge [sflag:s29], $0x1  }
0xb5: {  	[sflag:s29] =	ssyncadd.s32 $0xFFFFFFFF  }
0xb6: {  	_ =	strace $0x9000004B  }
0xb7: {  	_ =	sfence  }
0xb8: {  	s30 =	sld [smem:$0x0];
	_ =	sdelay $0x2  }
0xb9: {  	s31 =	sshll.u32 s1, $0xD;
	s1 =	sshrl.u32 s1, $0x2  }
0xba: {  	s3 =	sand.u32 $0x4000, s31;
	s1 =	sadd.s32 s1, s30  }
0xbb: {  	s0 =	sor.u32 s3, s0;
	s1 =	sshll.u32 s1, $0x11  }
0xbc: {  	s0 =	sor.u32 s1, s0  }
0xbd: {  	s0 =	sadd.s32 $0x8F2B, s0  }
0xbe: {  	[sflag:s0] =	ssyncadd.remote.s32 $0x1  }
0xbf: {  	_ =	sfence.sel $0xFFFF  }
0xc0: {  	[dreg:$0x0] =	wrdreg $0xFFFFFFFF;
	(pc) =	sbr.abs _section_cstart, $3  }
0xc1: {  	[dreg:$0x1] =	wrdreg $0xFFFFFFFF  }
0xc2: {  	_ =	task.clear_ibuf [dreg:s7], $0x2FFFF;
	_ =	strace $0x9FFFFFFF  }
0xc3: {  	(tm) =	ssettm $0x7FFFFFFF  }
tec
execute0_lowered:
.L_overlay_start_1:
0x0: {  	(tag) =	ssettag $0x1  }
0x1: {  	s0 =	rddreg [dreg:$0x0]  }
0x2: {  	s1 =	rddreg [dreg:$0x1]  }
0x3: {  	s2 =	rddreg [dreg:$0x2];
	s10 =	stileid.u32  }
0x4: {  	s4 =	srdreg.scid;
	s3 =	simm.s32 $0x0;
	s13 =	simm.s32 $0xA000  }
0x5: {  	s14 =	simm.s32 $0x6;
	s16 =	simm.s32 $0x7D;
	s18 =	simm.s32 $0xBF40  }
0x6: {  	s20 =	simm.s32 $0xDE80;
	s22 =	simm.s32 $0xFDC0;
	s23 =	simm.s32 $0x1  }
0x7: {  	s25 =	simm.s32 $0x11D00;
	s28 =	simm.s32 $0x3;
	s5 =	smul.u32 $0xA00, s10  }
0x8: {  	s29 =	simm.s32 $0x4;
	s30 =	simm.s32 $0x5;
	s8 =	smul.u32 $0x27100, s10  }
0x9: {  	s17 =	simm.s32 $0x9E80;
	s4 =	sand.u32 $0x1, s4;
	s15 =	smul.u32 $0x1388, s10  }
0xa: {  	s19 =	simm.s32 $0x9F00;
	[smem:$0x7FF] =	sst s3;
	s6 =	smul.u32 $0x13880, s4  }
0xb: {  	_ =	strace $0x8000004A;
	s4 =	ssub.s32 $0x2, s4;
	s5 =	sadd.s32 s5, s1  }
0xc: {  	s7 =	sshrl.u32 s4, $0x1;
	s31 =	sshrl.u32 s8, $0x2;
	s1 =	sadd.s32 s6, s1  }
0xd: {  	s9 =	ssub.s32 s4, s7;
	s4 =	sadd.s32 $0xB800, s5;
	s5 =	sadd.s32 $0x15800, s5  }
0xe: {  	s6 =	sadd.s32 s0, s6;
	s7 =	sadd.s32 s31, s2;
	s26 =	sadd.s32 $0x6DA00, s1  }
0xf: {  	s8 =	smax.u32 s9, $0x1;
	s9 =	sadd.s32 $0x1F40, s7;
	s10 =	sadd.s32 $0x3E80, s7  }
0x10: {  	s11 =	sadd.s32 $0x5DC0, s7;
	s12 =	sadd.s32 $0x7D00, s7;
	s1 =	simm.s32 $0x9F80  }
0x11: {  	v0 =	vimm.f32 $0.0e+00;
	s24 =	sadd.s32 s15, s26;
	s26 =	simm.s32 $0x2;
	s15 =	simm.s32 $0x9E00  }
.LBB2_1:
0x12: {  	s31 =	simm.s32 $0x100;
	s21 =	simm.s32 $0x0  }
.LBB2_2:
0x13: {  	p0 =	sne.s32 s31, $0x7C00;
	[tilespmem:s21+$0xA030] =	vst v0;
	s0 =	smov.u32 s31;
	s31 =	sadd.s32 $0x100, s31  }
.Ltmp0:
0x14: {  	[tilespmem:s21+$0xA020] =	vst v0;
	(pc) =	sbr.rel @p0 .LBB2_2-.Ltmp0, $3  }
0x15: {  	[tilespmem:s21+$0xA000] =	vst v0  }
0x16: {  	[tilespmem:s21+$0xA010] =	vst v0;
	_ =	sdelay $0x1  }
0x17: {  	s21 =	sshra.s32 s0, $0x2  }
0x18: {  	[tilespmem:s21+$0xA030] =	vst v0  }
0x19: {  	[tilespmem:s21+$0xA020] =	vst v0  }
0x1a: {  	[tilespmem:s21+$0xA000] =	vst v0  }
0x1b: {  	[tilespmem:s21+$0xA010] =	vst v0  }
0x1c: {  	[spmem:s7] =	stream.linear.scatter [tilespmem:s13], [sflag:$0x6], $0x1F40, $0x38;
	[tilespmem:$0x1D880] =	vst v63  }
0x1d: {  	_ =	swait.ge [sflag:s14], $0x1F40  }
0x1e: {  	[sflag:s14] =	ssyncset.done $0x0  }
0x1f: {  	[sflag:s14] =	ssyncadd.s32 $0xFFFFE0C0  }
0x20: {  	[spmem:s9] =	stream.linear.scatter [tilespmem:s13], [sflag:$0x6], $0x1F40, $0x38;
	[tilespmem:$0x1D880] =	vst v63  }
0x21: {  	_ =	swait.ge [sflag:s14], $0x1F40  }
0x22: {  	[sflag:s14] =	ssyncset.done $0x0  }
0x23: {  	[sflag:s14] =	ssyncadd.s32 $0xFFFFE0C0  }
0x24: {  	[spmem:s10] =	stream.linear.scatter [tilespmem:s13], [sflag:$0x6], $0x1F40, $0x38;
	[tilespmem:$0x1D880] =	vst v63  }
0x25: {  	_ =	swait.ge [sflag:s14], $0x1F40  }
0x26: {  	[sflag:s14] =	ssyncset.done $0x0  }
0x27: {  	[sflag:s14] =	ssyncadd.s32 $0xFFFFE0C0  }
0x28: {  	[spmem:s11] =	stream.linear.scatter [tilespmem:s13], [sflag:$0x6], $0x1F40, $0x38;
	[tilespmem:$0x1D880] =	vst v63  }
0x29: {  	_ =	swait.ge [sflag:s14], $0x1F40  }
0x2a: {  	[sflag:s14] =	ssyncset.done $0x0  }
0x2b: {  	[sflag:s14] =	ssyncadd.s32 $0xFFFFE0C0  }
0x2c: {  	[spmem:s12] =	stream.linear.scatter [tilespmem:s13], [sflag:$0x6], $0x1F40, $0x38;
	[tilespmem:$0x1D880] =	vst v63  }
0x2d: {  	_ =	swait.ge [sflag:s14], $0x1F40  }
0x2e: {  	[sflag:s14] =	ssyncset.done $0x0  }
0x2f: {  	s0 =	simm.s32 $0x0;
	[sflag:s14] =	ssyncadd.s32 $0xFFFFE0C0  }
0x30: {  	[tilespmem:s0], [sflag:$0x6] =	stream.linear.gather [hbm4b:s4+s0], $0x5000, $0x38;
	[tilespmem:$0x1D880] =	vst v63  }
0x31: {  	_ =	swait.ge [sflag:s14], $0x5000  }
0x32: {  	[sflag:s14] =	ssyncset.done $0x0  }
0x33: {  	s31 =	simm.s32 $0x5000;
	[sflag:s14] =	ssyncadd.s32 $0xFFFFB000  }
0x34: {  	[tilespmem:s31], [sflag:$0x6] =	stream.linear.gather [hbm4b:s5+s0], $0x5000, $0x38;
	[tilespmem:$0x1D880] =	vst v63  }
0x35: {  	_ =	swait.ge [sflag:s14], $0x5000  }
0x36: {  	[sflag:s14] =	ssyncset.done $0x0  }
0x37: {  	[sflag:s14] =	ssyncadd.s32 $0xFFFFB000  }
0x38: {  	[bflag:$0x0] =	sbarrier.arrive $0xFFFF  }
0x39: {  	[tilespmem:s13], [sflag:$0x1] =	stream.indirect.gather [hbm4b:s6+s16], $0x40, s0, s16, $0xb8;
	[tilespmem:$0x1D880] =	vst v63  }
0x3a: {  	s31 =	simm.s32 $0x80  }
0x3b: {  	[tilespmem:s18], [sflag:$0x2] =	stream.indirect.gather [hbm4b:s6+s16], $0x40, s31, s16, $0xb8;
	[tilespmem:$0x1D880] =	vst v63  }
0x3c: {  	s21 =	simm.s32 $0x100  }
0x3d: {  	[tilespmem:s20], [sflag:$0x3] =	stream.indirect.gather [hbm4b:s6+s16], $0x40, s21, s16, $0xb8;
	[tilespmem:$0x1D880] =	vst v63  }
0x3e: {  	s31 =	simm.s32 $0x180  }
0x3f: {  	[tilespmem:s22], [sflag:$0x4] =	stream.indirect.gather [hbm4b:s6+s16], $0x40, s31, s16, $0xb8;
	[tilespmem:$0x1D880] =	vst v63  }
0x40: {  	_ =	swait.ge [sflag:s23], $0x1F40  }
0x41: {  	[sflag:s23] =	ssyncset.done $0x0  }
0x42: {  	s21 =	simm.s32 $0x200;
	[sflag:s23] =	ssyncadd.s32 $0xFFFFE0C0  }
0x43: {  	[tilespmem:s25], [sflag:$0x5] =	stream.indirect.gather [hbm4b:s6+s16], $0x40, s21, s16, $0xb8;
	[tilespmem:$0x1D880] =	vst v63  }
0x44: {  	s31 =	simm.s32 $0x5000  }
0x45: {  	[spmem:s2] =	stream.indirect.scatter.add.f32 [tilespmem:s13], [sflag:$0x6], $0x40, s31, s16, $0xb8;
	[tilespmem:$0x1D880] =	vst v63  }
0x46: {  	_ =	swait.ge [sflag:s14], $0x1F40  }
0x47: {  	[sflag:s14] =	ssyncset.done $0x0  }
0x48: {  	[sflag:s14] =	ssyncadd.s32 $0xFFFFE0C0  }
0x49: {  	_ =	swait.ge [sflag:s26], $0x1F40  }
0x4a: {  	[sflag:s26] =	ssyncset.done $0x0  }
0x4b: {  	s21 =	simm.s32 $0x280;
	[sflag:s26] =	ssyncadd.s32 $0xFFFFE0C0  }
0x4c: {  	[tilespmem:s13], [sflag:$0x1] =	stream.indirect.gather [hbm4b:s6+s16], $0x40, s21, s16, $0xb8;
	[tilespmem:$0x1D880] =	vst v63  }
0x4d: {  	s31 =	simm.s32 $0x5080  }
0x4e: {  	[spmem:s2] =	stream.indirect.scatter.add.f32 [tilespmem:s18], [sflag:$0x6], $0x40, s31, s16, $0xb8;
	[tilespmem:$0x1D880] =	vst v63  }
0x4f: {  	_ =	swait.ge [sflag:s14], $0x1F40  }
0x50: {  	[sflag:s14] =	ssyncset.done $0x0  }
0x51: {  	[sflag:s14] =	ssyncadd.s32 $0xFFFFE0C0  }
0x52: {  	_ =	swait.ge [sflag:s28], $0x1F40  }
0x53: {  	[sflag:s28] =	ssyncset.done $0x0  }
0x54: {  	s21 =	simm.s32 $0x300;
	[sflag:s28] =	ssyncadd.s32 $0xFFFFE0C0  }
0x55: {  	[tilespmem:s18], [sflag:$0x2] =	stream.indirect.gather [hbm4b:s6+s16], $0x40, s21, s16, $0xb8;
	[tilespmem:$0x1D880] =	vst v63  }
0x56: {  	s31 =	simm.s32 $0x5100  }
0x57: {  	[spmem:s2] =	stream.indirect.scatter.add.f32 [tilespmem:s20], [sflag:$0x6], $0x40, s31, s16, $0xb8;
	[tilespmem:$0x1D880] =	vst v63  }
0x58: {  	_ =	swait.ge [sflag:s14], $0x1F40  }
0x59: {  	[sflag:s14] =	ssyncset.done $0x0  }
0x5a: {  	[sflag:s14] =	ssyncadd.s32 $0xFFFFE0C0  }
0x5b: {  	_ =	swait.ge [sflag:s29], $0x1F40  }
0x5c: {  	[sflag:s29] =	ssyncset.done $0x0  }
0x5d: {  	s21 =	simm.s32 $0x380;
	[sflag:s29] =	ssyncadd.s32 $0xFFFFE0C0  }
0x5e: {  	[tilespmem:s20], [sflag:$0x3] =	stream.indirect.gather [hbm4b:s6+s16], $0x40, s21, s16, $0xb8;
	[tilespmem:$0x1D880] =	vst v63  }
0x5f: {  	s31 =	simm.s32 $0x5180  }
0x60: {  	[spmem:s2] =	stream.indirect.scatter.add.f32 [tilespmem:s22], [sflag:$0x6], $0x40, s31, s16, $0xb8;
	[tilespmem:$0x1D880] =	vst v63  }
0x61: {  	_ =	swait.ge [sflag:s14], $0x1F40  }
0x62: {  	[sflag:s14] =	ssyncset.done $0x0  }
0x63: {  	[sflag:s14] =	ssyncadd.s32 $0xFFFFE0C0  }
0x64: {  	_ =	swait.ge [sflag:s30], $0x1F40  }
0x65: {  	[sflag:s30] =	ssyncset.done $0x0  }
0x66: {  	s21 =	simm.s32 $0x400;
	[sflag:s30] =	ssyncadd.s32 $0xFFFFE0C0  }
0x67: {  	[tilespmem:s22], [sflag:$0x4] =	stream.indirect.gather [hbm4b:s6+s16], $0x40, s21, s16, $0xb8;
	[tilespmem:$0x1D880] =	vst v63  }
0x68: {  	s31 =	simm.s32 $0x5200  }
0x69: {  	[spmem:s2] =	stream.indirect.scatter.add.f32 [tilespmem:s25], [sflag:$0x6], $0x40, s31, s16, $0xb8;
	[tilespmem:$0x1D880] =	vst v63  }
0x6a: {  	_ =	swait.ge [sflag:s14], $0x1F40  }
0x6b: {  	s21 =	simm.s32 $0xA00;
	[sflag:s14] =	ssyncset.done $0x0  }
.LBB2_4:
0x6c: {  	p0 =	sne.s32 s21, $0x12C00  }
0x6d: {  	[sflag:s14] =	ssyncadd.s32 $0xFFFFE0C0;
	s0 =	smov.u32 s21;
	s21 =	sadd.s32 $0xA00, s21  }
0x6e: {  	_ = 	snop  }
0x6f: {  	_ =	swait.ge [sflag:s23], $0x1F40  }
0x70: {  	s31 =	sshra.s32 s0, $0x2;
	[sflag:s23] =	ssyncset.done $0x0  }
0x71: {  	s0 =	sadd.s32 $0x200, s31;
	[sflag:s23] =	ssyncadd.s32 $0xFFFFE0C0  }
0x72: {  	[tilespmem:s25], [sflag:$0x5] =	stream.indirect.gather [hbm4b:s6+s16], $0x40, s0, s16, $0xb8;
	[tilespmem:$0x1D880] =	vst v63  }
0x73: {  	s0 =	sadd.s32 $0x5000, s31  }
0x74: {  	[spmem:s2] =	stream.indirect.scatter.add.f32 [tilespmem:s13], [sflag:$0x6], $0x40, s0, s16, $0xb8;
	[tilespmem:$0x1D880] =	vst v63  }
0x75: {  	_ =	swait.ge [sflag:s14], $0x1F40  }
0x76: {  	[sflag:s14] =	ssyncset.done $0x0  }
0x77: {  	[sflag:s14] =	ssyncadd.s32 $0xFFFFE0C0  }
0x78: {  	_ =	swait.ge [sflag:s26], $0x1F40  }
0x79: {  	[sflag:s26] =	ssyncset.done $0x0  }
0x7a: {  	s0 =	sadd.s32 $0x280, s31;
	[sflag:s26] =	ssyncadd.s32 $0xFFFFE0C0  }
0x7b: {  	[tilespmem:s13], [sflag:$0x1] =	stream.indirect.gather [hbm4b:s6+s16], $0x40, s0, s16, $0xb8;
	[tilespmem:$0x1D880] =	vst v63  }
0x7c: {  	s0 =	sadd.s32 $0x5080, s31  }
0x7d: {  	[spmem:s2] =	stream.indirect.scatter.add.f32 [tilespmem:s18], [sflag:$0x6], $0x40, s0, s16, $0xb8;
	[tilespmem:$0x1D880] =	vst v63  }
0x7e: {  	_ =	swait.ge [sflag:s14], $0x1F40  }
0x7f: {  	[sflag:s14] =	ssyncset.done $0x0  }
0x80: {  	[sflag:s14] =	ssyncadd.s32 $0xFFFFE0C0  }
0x81: {  	_ =	swait.ge [sflag:s28], $0x1F40  }
0x82: {  	[sflag:s28] =	ssyncset.done $0x0  }
0x83: {  	s0 =	sadd.s32 $0x300, s31;
	[sflag:s28] =	ssyncadd.s32 $0xFFFFE0C0  }
0x84: {  	[tilespmem:s18], [sflag:$0x2] =	stream.indirect.gather [hbm4b:s6+s16], $0x40, s0, s16, $0xb8;
	[tilespmem:$0x1D880] =	vst v63  }
0x85: {  	s0 =	sadd.s32 $0x5100, s31  }
0x86: {  	[spmem:s2] =	stream.indirect.scatter.add.f32 [tilespmem:s20], [sflag:$0x6], $0x40, s0, s16, $0xb8;
	[tilespmem:$0x1D880] =	vst v63  }
0x87: {  	_ =	swait.ge [sflag:s14], $0x1F40  }
0x88: {  	[sflag:s14] =	ssyncset.done $0x0  }
0x89: {  	[sflag:s14] =	ssyncadd.s32 $0xFFFFE0C0  }
0x8a: {  	_ =	swait.ge [sflag:s29], $0x1F40  }
0x8b: {  	[sflag:s29] =	ssyncset.done $0x0  }
0x8c: {  	s0 =	sadd.s32 $0x380, s31;
	[sflag:s29] =	ssyncadd.s32 $0xFFFFE0C0  }
0x8d: {  	[tilespmem:s20], [sflag:$0x3] =	stream.indirect.gather [hbm4b:s6+s16], $0x40, s0, s16, $0xb8;
	[tilespmem:$0x1D880] =	vst v63  }
0x8e: {  	s0 =	sadd.s32 $0x5180, s31  }
0x8f: {  	[spmem:s2] =	stream.indirect.scatter.add.f32 [tilespmem:s22], [sflag:$0x6], $0x40, s0, s16, $0xb8;
	[tilespmem:$0x1D880] =	vst v63  }
0x90: {  	_ =	swait.ge [sflag:s14], $0x1F40  }
0x91: {  	[sflag:s14] =	ssyncset.done $0x0  }
0x92: {  	[sflag:s14] =	ssyncadd.s32 $0xFFFFE0C0  }
0x93: {  	_ =	swait.ge [sflag:s30], $0x1F40  }
0x94: {  	[sflag:s30] =	ssyncset.done $0x0  }
0x95: {  	s0 =	sadd.s32 $0x400, s31;
	[sflag:s30] =	ssyncadd.s32 $0xFFFFE0C0  }
0x96: {  	[tilespmem:s22], [sflag:$0x4] =	stream.indirect.gather [hbm4b:s6+s16], $0x40, s0, s16, $0xb8;
	[tilespmem:$0x1D880] =	vst v63  }
.Ltmp1:
0x97: {  	_ = 	snop;
	(pc) =	sbr.rel @p0 .LBB2_4-.Ltmp1, $4  }
0x98: {  	s0 =	sadd.s32 $0x5200, s31  }
0x99: {  	[spmem:s2] =	stream.indirect.scatter.add.f32 [tilespmem:s25], [sflag:$0x6], $0x40, s0, s16, $0xb8;
	[tilespmem:$0x1D880] =	vst v63  }
0x9a: {  	_ =	swait.ge [sflag:s14], $0x1F40  }
0x9b: {  	[sflag:s14] =	ssyncset.done $0x0  }
0x9c: {  	[sflag:s14] =	ssyncadd.s32 $0xFFFFE0C0  }
0x9d: {  	_ =	swait.ge [sflag:s23], $0x1F40  }
0x9e: {  	[sflag:s23] =	ssyncset.done $0x0  }
0x9f: {  	s0 =	simm.s32 $0x4F80;
	[sflag:s23] =	ssyncadd.s32 $0xFFFFE0C0  }
0xa0: {  	[tilespmem:s25], [sflag:$0x5] =	stream.indirect.gather [hbm4b:s6+s16], $0x40, s0, s16, $0xb8;
	[tilespmem:$0x1D880] =	vst v63  }
0xa1: {  	s21 =	simm.s32 $0x9D80  }
0xa2: {  	[spmem:s2] =	stream.indirect.scatter.add.f32 [tilespmem:s13], [sflag:$0x6], $0x40, s21, s16, $0xb8;
	[tilespmem:$0x1D880] =	vst v63  }
0xa3: {  	_ =	swait.ge [sflag:s14], $0x1F40  }
0xa4: {  	[sflag:s14] =	ssyncset.done $0x0  }
0xa5: {  	[sflag:s14] =	ssyncadd.s32 $0xFFFFE0C0  }
0xa6: {  	_ =	swait.ge [sflag:s26], $0x1F40  }
0xa7: {  	[sflag:s26] =	ssyncset.done $0x0  }
0xa8: {  	[sflag:s26] =	ssyncadd.s32 $0xFFFFE0C0  }
0xa9: {  	[spmem:s2] =	stream.indirect.scatter.add.f32 [tilespmem:s18], [sflag:$0x6], $0x40, s15, s16, $0xb8;
	[tilespmem:$0x1D880] =	vst v63  }
0xaa: {  	_ =	swait.ge [sflag:s14], $0x1F40  }
0xab: {  	[sflag:s14] =	ssyncset.done $0x0  }
0xac: {  	[sflag:s14] =	ssyncadd.s32 $0xFFFFE0C0  }
0xad: {  	_ =	swait.ge [sflag:s28], $0x1F40  }
0xae: {  	[sflag:s28] =	ssyncset.done $0x0  }
0xaf: {  	[sflag:s28] =	ssyncadd.s32 $0xFFFFE0C0  }
0xb0: {  	[spmem:s2] =	stream.indirect.scatter.add.f32 [tilespmem:s20], [sflag:$0x6], $0x40, s17, s16, $0xb8;
	[tilespmem:$0x1D880] =	vst v63  }
0xb1: {  	_ =	swait.ge [sflag:s14], $0x1F40  }
0xb2: {  	[sflag:s14] =	ssyncset.done $0x0  }
0xb3: {  	[sflag:s14] =	ssyncadd.s32 $0xFFFFE0C0  }
0xb4: {  	_ =	swait.ge [sflag:s29], $0x1F40  }
0xb5: {  	[sflag:s29] =	ssyncset.done $0x0  }
0xb6: {  	[sflag:s29] =	ssyncadd.s32 $0xFFFFE0C0  }
0xb7: {  	[spmem:s2] =	stream.indirect.scatter.add.f32 [tilespmem:s22], [sflag:$0x6], $0x40, s19, s16, $0xb8;
	[tilespmem:$0x1D880] =	vst v63  }
0xb8: {  	_ =	swait.ge [sflag:s14], $0x1F40  }
0xb9: {  	[sflag:s14] =	ssyncset.done $0x0  }
0xba: {  	[sflag:s14] =	ssyncadd.s32 $0xFFFFE0C0  }
0xbb: {  	_ =	swait.ge [sflag:s30], $0x1F40  }
0xbc: {  	[sflag:s30] =	ssyncset.done $0x0  }
0xbd: {  	[sflag:s30] =	ssyncadd.s32 $0xFFFFE0C0  }
0xbe: {  	[spmem:s2] =	stream.indirect.scatter.add.f32 [tilespmem:s25], [sflag:$0x6], $0x40, s1, s16, $0xb8;
	[tilespmem:$0x1D880] =	vst v63  }
0xbf: {  	s31 =	stileid.u32;
	_ =	swait.ge [sflag:s14], $0x1F40  }
0xc0: {  	s3 =	sadd.s32 $0x1, s3;
	s0 =	sshll.u32 s31, $0x6;
	[sflag:s14] =	ssyncset.done $0x0  }
0xc1: {  	p0 =	sne.s32 s3, s8;
	s0 =	sor.u32 $0x1C06, s0;
	[sflag:s14] =	ssyncadd.s32 $0xFFFFE0C0  }
.Ltmp2:
0xc2: {  	s21 =	sshrl.u32 s7, $0x3;
	[bflag:$0x0] =	sbarrier.arrive $0xFFFF;
	(pc) =	sbr.rel @p0 .LBB2_1-.Ltmp2, $4  }
0xc3: {  	[hbm:s24], [sflag:s0] =	dma.local [spmem:s21], $0x1388  }
0xc4: {  	_ =	swait.ge [sflag:s14], $0x1388  }
0xc5: {  	[sflag:s14] =	ssyncset.done $0x0  }
0xc6: {  	[sflag:s14] =	ssyncadd.s32 $0xFFFFEC78  }
0xc7: {  	_ =	sfence.sel $0x180000  }
0xc8: {  	[bflag:$0x0] =	sbarrier.arrive $0xFFFF  }
0xc9: {  	_ =	strace $0x9000004A  }
0xca: {  	s0 =	stileid.u32;
	[bflag:$0x2] =	sbarrier.arrive $0xFFFF  }
0xcb: {  	p0 =	sne.s32 s0, $0x0;
	s0 =	rddreg [dreg:$0x3]  }
0xcc: {  	s0 =	sadd.s32 @!p0 $0x100000, s0  }
0xcd: {  	[sflag:s0] =	ssyncadd.tile.s32 @!p0 $0x1;
	_ =	shalt  }
.Lfunc_end2:
_tile_overlayer_lowered:
.L_overlay_start_2:
0xce: {  	(tag) =	ssettag $0x2  }
0xcf: {  	s0 =	rddreg [dreg:$0x0];
	s2 =	stileid.u32  }
0xd0: {  	s1 =	rddreg [dreg:$0x1];
	p0 =	sne.s32 s2, $0x0  }
0xd1: {  	s3 =	rddreg [dreg:$0x2];
	[bflag:$0x3] =	sbarrier.arrive $0xFFFF;
	s2 =	simm.s32 @!p0 $0x1C06  }
0xd2: {  	[timem:s3], [sflag:s2] =	dma.local @!p0 [hbm:s0], s1  }
0xd3: {  	s0 =	simm.s32 @!p0 $0x6  }
0xd4: {  	_ =	swait.ge @!p0 [sflag:s0], s1  }
0xd5: {  	s1 =	ssub.s32 @!p0 $0x0, s1;
	[sflag:s0] =	ssyncset.done @!p0 $0x0  }
0xd6: {  	[sflag:s0] =	ssyncadd.s32 @!p0 s1  }
0xd7: {  	[bflag:$0x3] =	sbarrier.arrive $0xFFFF  }
0xd8: {  	_ =	shalt  }

// kernel: kernel.14.cloned.1.call-start
scs
__scs_entry_jumppad:
0x0: {  	(pc) =	sbr.rel $0x88, $3  }
0x1: {  	(tag) =	ssettag $0x0;
	lr =	simm.s32 $0x1  }
0x2: {  	[smem:$0x3F9B] =	sst lr;
	_ =	strace $0xD0000000  }
0x3: {  	_ = 	snop  }
0x4: {  	_ = 	snop  }
0x5: {  	_ = 	snop  }
0x6: {  	_ = 	snop  }
0x7: {  	_ = 	snop  }
__scs_overlays_trampoline_lowered:
0x8: {  	[smem:$0x3FAA] =	sst s0  }
0x9: {  	[smem:$0x3FAB] =	sst s1  }
0xa: {  	[smem:$0x3FAC] =	sst s2  }
0xb: {  	[smem:$0x3FAD] =	sst s3  }
0xc: {  	[smem:$0x3FAE] =	sst s4  }
0xd: {  	[smem:$0x3FAF] =	sst s5  }
0xe: {  	[smem:$0x3FB0] =	sst s6  }
0xf: {  	[smem:$0x3FB1] =	sst s7  }
0x10: {  	[smem:$0x3FB2] =	sst s8  }
0x11: {  	[smem:$0x3FB3] =	sst s9;
	s0 =	simm.s32 @!p0 $0x0  }
0x12: {  	s1 =	sld [smem:$0x3F99];
	s0 =	simm.s32 @p0 $0x1  }
0x13: {  	[smem:$0x3FB4] =	sst s0;
	s0 =	simm.s32 @!p1 $0x0  }
0x14: {  	s2 =	sld [smem:$0x3F98];
	s0 =	simm.s32 @p1 $0x1  }
0x15: {  	[smem:$0x3FB5] =	sst s0;
	s0 =	simm.s32 @!p2 $0x0  }
0x16: {  	s3 =	sld [smem:$0x3FDB];
	s0 =	simm.s32 @p2 $0x1  }
0x17: {  	s4 =	simm.s32 $0x1BF5;
	[smem:$0x3FB7] =	sst s0  }
0x18: {  	s0 =	sld [smem:$0x3F9A];
	_ =	swait.ge [sflag:s4], $0x0  }
0x19: {  	s7 =	sld [smem:$0x3F9B]  }
0x1a: {  	s8 =	sadd.s32 $0xFFFFE003, lr  }
0x1b: {  	s9 =	sadd.s32 $0xFFFFFEF7, lr;
	s5 =	simm.s32 $0xFFFFFFFF;
	p2 =	slt.u32 s8, $0xFFFFF086  }
0x1c: {  	p1 =	slt.u32 s9, $0xF7A;
	s5 =	simm.s32 @!p2 $0x0  }
0x1d: {  	s5 =	simm.s32 @p1 $0x1;
	p0 =	seq.s32 s7, s2  }
0x1e: {  	s7 =	smul.u32 @!p0 $0xF7A, s2;
	p2 =	seq.s32 @!p0 s5, $0x0  }
0x1f: {  	s9 =	smul.u32 $0xF7A, s1;
	s8 =	simm.s32 @!p0 $0x1BF5;
	p2 =	por !p2, p0  }
0x20: {  	[sflag:s8] =	ssyncset.s32 @!p0 $0xFFFFF086;
	s6 =	sadd.s32 @!p0 s3, s7;
	s7 =	simm.s32 @!p0 $0x108  }
0x21: {  	s3 =	sadd.s32 s3, s9;
	s6 =	sadd.s32 @!p0 $0x88, s6;
	s7 =	simm.s32 @p2 $0x1082  }
0x22: {  	[simem:s7], [sflag:s8] =	dma.local @!p0 [hbm:s6], $0xF7A  }
0x23: {  	s9 =	sor.u32 $0xD0000000, s2;
	s6 =	simm.s32 $0x108;
	_ =	swait.ge @!p0 [sflag:s8], $0x0  }
0x24: {  	s3 =	sadd.s32 $0x88, s3;
	s6 =	simm.s32 @!p1 $0x1082;
	[sflag:s4] =	ssyncset.s32 $0xFFFFF086  }
0x25: {  	[simem:s6], [sflag:s4] =	dma.local [hbm:s3], $0xF7A  }
0x26: {  	[smem:$0x3F9B] =	sst s1;
	(tag) =	ssettag s2;
	_ =	strace s9  }
0x27: {  	s1 =	sld [smem:$0x3FAB]  }
0x28: {  	s2 =	sld [smem:$0x3FAC]  }
0x29: {  	s4 =	sld [smem:$0x3FAE]  }
0x2a: {  	p0 =	seq.s32 s5, $0x0;
	s5 =	sld [smem:$0x3FAF]  }
0x2b: {  	s6 =	sld [smem:$0x3FB0]  }
0x2c: {  	s7 =	sld [smem:$0x3FB1]  }
0x2d: {  	s3 =	simm.s32 $0x108;
	s8 =	sld [smem:$0x3FB2]  }
0x2e: {  	s3 =	simm.s32 @!p0 $0x1082;
	s9 =	sld [smem:$0x3FB3]  }
0x2f: {  	lr =	sadd.s32 s0, s3;
	s0 =	sld [smem:$0x3FAA]  }
0x30: {  	s3 =	sld [smem:$0x3FAD]  }
0x31: {  	[smem:$0x3FB6] =	sst s10  }
0x32: {  	s10 =	sld [smem:$0x3FB4];
	_ =	sdelay $0x3  }
0x33: {  	p0 =	seq.s32 s10, $0x1;
	s10 =	sld [smem:$0x3FB6];
	_ =	sdelay $0x3  }
0x34: {  	[smem:$0x3FB6] =	sst s10  }
0x35: {  	s10 =	sld [smem:$0x3FB5];
	_ =	sdelay $0x3  }
0x36: {  	p1 =	seq.s32 s10, $0x1;
	s10 =	sld [smem:$0x3FB6];
	_ =	sdelay $0x3  }
0x37: {  	[smem:$0x3FB6] =	sst s10  }
0x38: {  	s10 =	sld [smem:$0x3FB7]  }
0x39: {  	_ = 	snop;
	(pc) =	sbr.ind lr, $3  }
0x3a: {  	_ = 	snop  }
0x3b: {  	_ = 	snop  }
0x3c: {  	p2 =	seq.s32 s10, $0x1;
	s10 =	sld [smem:$0x3FB6]  }
0x3d: {  	_ =	shalt  }
0x3e: {  	_ =	shalt  }
0x3f: {  	_ =	shalt  }
0x40: {  	_ =	shalt  }
0x41: {  	_ =	shalt  }
0x42: {  	_ =	shalt  }
0x43: {  	_ =	shalt  }
0x44: {  	_ =	shalt  }
0x45: {  	_ =	shalt  }
0x46: {  	_ =	shalt  }
0x47: {  	_ =	shalt  }
0x48: {  	_ =	shalt  }
0x49: {  	_ =	shalt  }
0x4a: {  	_ =	shalt  }
0x4b: {  	_ =	shalt  }
0x4c: {  	_ =	shalt  }
0x4d: {  	_ =	shalt  }
0x4e: {  	_ =	shalt  }
0x4f: {  	_ =	shalt  }
0x50: {  	_ =	shalt  }
0x51: {  	_ =	shalt  }
0x52: {  	_ =	shalt  }
0x53: {  	_ =	shalt  }
0x54: {  	_ =	shalt  }
0x55: {  	_ =	shalt  }
0x56: {  	_ =	shalt  }
0x57: {  	_ =	shalt  }
0x58: {  	_ =	shalt  }
0x59: {  	_ =	shalt  }
0x5a: {  	_ =	shalt  }
0x5b: {  	_ =	shalt  }
0x5c: {  	_ =	shalt  }
0x5d: {  	_ =	shalt  }
0x5e: {  	_ =	shalt  }
0x5f: {  	_ =	shalt  }
0x60: {  	_ =	shalt  }
0x61: {  	_ =	shalt  }
0x62: {  	_ =	shalt  }
0x63: {  	_ =	shalt  }
0x64: {  	_ =	shalt  }
0x65: {  	_ =	shalt  }
0x66: {  	_ =	shalt  }
0x67: {  	_ =	shalt  }
0x68: {  	_ =	shalt  }
0x69: {  	_ =	shalt  }
0x6a: {  	_ =	shalt  }
0x6b: {  	_ =	shalt  }
0x6c: {  	_ =	shalt  }
0x6d: {  	_ =	shalt  }
0x6e: {  	_ =	shalt  }
0x6f: {  	_ =	shalt  }
0x70: {  	_ =	shalt  }
0x71: {  	_ =	shalt  }
0x72: {  	_ =	shalt  }
0x73: {  	_ =	shalt  }
0x74: {  	_ =	shalt  }
0x75: {  	_ =	shalt  }
0x76: {  	_ =	shalt  }
0x77: {  	_ =	shalt  }
0x78: {  	_ =	shalt  }
0x79: {  	_ =	shalt  }
0x7a: {  	_ =	shalt  }
0x7b: {  	_ =	shalt  }
0x7c: {  	_ =	shalt  }
0x7d: {  	_ =	shalt  }
0x7e: {  	_ =	shalt  }
0x7f: {  	_ =	shalt  }
0x80: {  	_ =	shalt  }
0x81: {  	_ =	shalt  }
0x82: {  	_ =	shalt  }
0x83: {  	_ =	shalt  }
0x84: {  	_ =	shalt  }
0x85: {  	_ =	shalt  }
0x86: {  	_ =	shalt  }
0x87: {  	_ =	shalt  }
.Lfunc_end0:
.L_simem_size_0:
called_computation.2_lowered:
.L_overlay_start_0:
0x88: {  	s2 =	sld [smem:$0x3FD9]  }
0x89: {  	s3 =	sld [smem:$0x3FFE];
	_ =	sdelay $0x1  }
0x8a: {  	s1 =	srdreg.scid  }
0x8b: {  	s0 =	sand.u32 $0x1, s1  }
0x8c: {  	s17 =	sshll.u32 s0, $0xA;
	s2 =	sadd.s32 s3, s2  }
0x8d: {  	s2 =	sadd.s32 s2, s17  }
0x8e: {  	[smem:$0x3FC2] =	sst s2  }
0x8f: {  	_ = 	snop  }
0x90: {  	s2 =	sld [smem:$0x3FD0];
	(tm) =	ssettm $0x1  }
0x91: {  	s18 =	sld [smem:$0x3FFB];
	_ =	sdelay $0x3  }
0x92: {  	_ =	strace s18  }
0x93: {  	s3 =	sld [smem:$0x3FFC];
	_ =	sdelay $0x3  }
0x94: {  	_ =	strace s3  }
0x95: {  	s3 =	sld [smem:$0x3FFD];
	_ =	sdelay $0x3  }
0x96: {  	_ =	strace s3  }
0x97: {  	_ =	strace $0x8FFFFFFF  }
0x98: {  	s19 =	sld [smem:$0x3FDB];
	_ =	sdelay $0x1  }
0x99: {  	s4 =	simm.s32 $_scs_section_size  }
0x9a: {  	s5 =	simm.s32 $_size__tile_overlayer_lowered;
	s6 =	simm.s32 $_tile_overlayer_lowered  }
0x9b: {  	s22 =	simm.s32 $0x1BFF;
	s21 =	sshll.u32 s6, $0x1;
	s3 =	sadd.s32 s4, s19  }
0x9c: {  	s7 =	simm.s32 $0x0;
	s20 =	sshll.u32 s5, $0x1;
	s5 =	sadd.s32 s21, s3  }
0x9d: {  	[timem:s7], [sflag:s22] =	dma.local [hbm:s5], s20  }
0x9e: {  	_ =	swait.ge [sflag:s22], s20  }
0x9f: {  	s4 =	ssub.s32 $0x0, s20;
	[sflag:s22] =	ssyncset.done $0x0  }
0xa0: {  	[sflag:s22] =	ssyncadd.s32 s4;
	_ =	sdelay $0x1  }
0xa1: {  	s23 =	simm.s32 $0x1B8B  }
0xa2: {  	_ =	swait.ge [sflag:s23], $0x1  }
0xa3: {  	[sflag:s23] =	ssyncset.done $0x0  }
0xa4: {  	s25 =	simm.s32 $0x1B8E;
	s24 =	sld [smem:$0x3FFE];
	[sflag:s23] =	ssyncadd.s32 $0xFFFFFFFF  }
0xa5: {  	s26 =	simm.s32 $execute0_lowered;
	[smem:$0x3FD2] =	sst s25  }
0xa6: {  	s5 =	sshll.u32 s26, $0x1;
	_ =	strace $0x8000004C;
	[dreg:$0x1] =	wrdreg $0xFFFFFFFF  }
0xa7: {  	s28 =	simm.s32 $_size_execute0_lowered;
	s3 =	sadd.s32 s3, s5;
	[dreg:$0x0] =	wrdreg $0x0  }
0xa8: {  	s5 =	sshll.u32 s28, $0x1;
	[dreg:$0x2] =	wrdreg s3  }
0xa9: {  	[dreg:$0x3] =	wrdreg s5  }
0xaa: {  	[dreg:$0x4] =	wrdreg $0xC0  }
0xab: {  	_ =	task [dreg:s7], $0x5FFFF  }
0xac: {  	[dreg:$0x1] =	wrdreg $0xFFFFFFFF  }
0xad: {  	[dreg:$0x0] =	wrdreg $0x60  }
0xae: {  	[dreg:$0x2] =	wrdreg s2  }
0xaf: {  	[dreg:$0x3] =	wrdreg s24  }
0xb0: {  	[dreg:$0x4] =	wrdreg $0x13C400  }
0xb1: {  	[dreg:$0x5] =	wrdreg $0x9  }
0xb2: {  	_ =	task.clear_ibuf [dreg:s7], $0x6FFFF;
	_ =	strace $0x9000004C  }
0xb3: {  	s29 =	simm.s32 $0x9;
	_ =	strace $0x8000004E  }
0xb4: {  	_ =	swait.ge [sflag:s29], $0x1  }
0xb5: {  	[sflag:s29] =	ssyncadd.s32 $0xFFFFFFFF  }
0xb6: {  	_ =	strace $0x9000004E  }
0xb7: {  	_ =	sfence  }
0xb8: {  	s30 =	sld [smem:$0x0];
	_ =	sdelay $0x2  }
0xb9: {  	s31 =	sshll.u32 s1, $0xD;
	s1 =	sshrl.u32 s1, $0x2  }
0xba: {  	s3 =	sand.u32 $0x4000, s31;
	s1 =	sadd.s32 s1, s30  }
0xbb: {  	s0 =	sor.u32 s3, s0;
	s1 =	sshll.u32 s1, $0x11  }
0xbc: {  	s0 =	sor.u32 s1, s0  }
0xbd: {  	s0 =	sadd.s32 $0x8F2B, s0  }
0xbe: {  	[sflag:s0] =	ssyncadd.remote.s32 $0x1  }
0xbf: {  	_ =	sfence.sel $0xFFFF  }
0xc0: {  	[dreg:$0x0] =	wrdreg $0xFFFFFFFF;
	(pc) =	sbr.abs _section_cstart, $3  }
0xc1: {  	[dreg:$0x1] =	wrdreg $0xFFFFFFFF  }
0xc2: {  	_ =	task.clear_ibuf [dreg:s7], $0x2FFFF;
	_ =	strace $0x9FFFFFFF  }
0xc3: {  	(tm) =	ssettm $0x7FFFFFFF  }
tec
execute0_lowered:
.L_overlay_start_1:
0x0: {  	(tag) =	ssettag $0x1  }
0x1: {  	s0 =	rddreg [dreg:$0x0]  }
0x2: {  	s1 =	rddreg [dreg:$0x1]  }
0x3: {  	s2 =	rddreg [dreg:$0x2];
	s10 =	stileid.u32  }
0x4: {  	s4 =	srdreg.scid;
	s3 =	simm.s32 $0x0;
	s13 =	simm.s32 $0xA000  }
0x5: {  	s14 =	simm.s32 $0x6;
	s16 =	simm.s32 $0x7D;
	s18 =	simm.s32 $0xBF40  }
0x6: {  	s20 =	simm.s32 $0xDE80;
	s22 =	simm.s32 $0xFDC0;
	s23 =	simm.s32 $0x1  }
0x7: {  	s25 =	simm.s32 $0x11D00;
	s28 =	simm.s32 $0x3;
	s5 =	smul.u32 $0xA00, s10  }
0x8: {  	s29 =	simm.s32 $0x4;
	s30 =	simm.s32 $0x5;
	s8 =	smul.u32 $0x27100, s10  }
0x9: {  	s17 =	simm.s32 $0x9E80;
	s4 =	sand.u32 $0x1, s4;
	s15 =	smul.u32 $0x1388, s10  }
0xa: {  	s19 =	simm.s32 $0x9F00;
	[smem:$0x7FF] =	sst s3;
	s6 =	smul.u32 $0x13880, s4  }
0xb: {  	_ =	strace $0x8000004D;
	s4 =	ssub.s32 $0x2, s4;
	s5 =	sadd.s32 s5, s1  }
0xc: {  	s7 =	sshrl.u32 s4, $0x1;
	s31 =	sshrl.u32 s8, $0x2;
	s1 =	sadd.s32 s6, s1  }
0xd: {  	s9 =	ssub.s32 s4, s7;
	s4 =	sadd.s32 $0xB800, s5;
	s5 =	sadd.s32 $0x15800, s5  }
0xe: {  	s6 =	sadd.s32 s0, s6;
	s7 =	sadd.s32 s31, s2;
	s26 =	sadd.s32 $0x6DA00, s1  }
0xf: {  	s8 =	smax.u32 s9, $0x1;
	s9 =	sadd.s32 $0x1F40, s7;
	s10 =	sadd.s32 $0x3E80, s7  }
0x10: {  	s11 =	sadd.s32 $0x5DC0, s7;
	s12 =	sadd.s32 $0x7D00, s7;
	s1 =	simm.s32 $0x9F80  }
0x11: {  	v0 =	vimm.f32 $0.0e+00;
	s24 =	sadd.s32 s15, s26;
	s26 =	simm.s32 $0x2;
	s15 =	simm.s32 $0x9E00  }
.LBB2_1:
0x12: {  	s31 =	simm.s32 $0x100;
	s21 =	simm.s32 $0x0  }
.LBB2_2:
0x13: {  	p0 =	sne.s32 s31, $0x7C00;
	[tilespmem:s21+$0xA030] =	vst v0;
	s0 =	smov.u32 s31;
	s31 =	sadd.s32 $0x100, s31  }
.Ltmp0:
0x14: {  	[tilespmem:s21+$0xA020] =	vst v0;
	(pc) =	sbr.rel @p0 .LBB2_2-.Ltmp0, $3  }
0x15: {  	[tilespmem:s21+$0xA000] =	vst v0  }
0x16: {  	[tilespmem:s21+$0xA010] =	vst v0;
	_ =	sdelay $0x1  }
0x17: {  	s21 =	sshra.s32 s0, $0x2  }
0x18: {  	[tilespmem:s21+$0xA030] =	vst v0  }
0x19: {  	[tilespmem:s21+$0xA020] =	vst v0  }
0x1a: {  	[tilespmem:s21+$0xA000] =	vst v0  }
0x1b: {  	[tilespmem:s21+$0xA010] =	vst v0  }
0x1c: {  	[spmem:s7] =	stream.linear.scatter [tilespmem:s13], [sflag:$0x6], $0x1F40, $0x38;
	[tilespmem:$0x1D880] =	vst v63  }
0x1d: {  	_ =	swait.ge [sflag:s14], $0x1F40  }
0x1e: {  	[sflag:s14] =	ssyncset.done $0x0  }
0x1f: {  	[sflag:s14] =	ssyncadd.s32 $0xFFFFE0C0  }
0x20: {  	[spmem:s9] =	stream.linear.scatter [tilespmem:s13], [sflag:$0x6], $0x1F40, $0x38;
	[tilespmem:$0x1D880] =	vst v63  }
0x21: {  	_ =	swait.ge [sflag:s14], $0x1F40  }
0x22: {  	[sflag:s14] =	ssyncset.done $0x0  }
0x23: {  	[sflag:s14] =	ssyncadd.s32 $0xFFFFE0C0  }
0x24: {  	[spmem:s10] =	stream.linear.scatter [tilespmem:s13], [sflag:$0x6], $0x1F40, $0x38;
	[tilespmem:$0x1D880] =	vst v63  }
0x25: {  	_ =	swait.ge [sflag:s14], $0x1F40  }
0x26: {  	[sflag:s14] =	ssyncset.done $0x0  }
0x27: {  	[sflag:s14] =	ssyncadd.s32 $0xFFFFE0C0  }
0x28: {  	[spmem:s11] =	stream.linear.scatter [tilespmem:s13], [sflag:$0x6], $0x1F40, $0x38;
	[tilespmem:$0x1D880] =	vst v63  }
0x29: {  	_ =	swait.ge [sflag:s14], $0x1F40  }
0x2a: {  	[sflag:s14] =	ssyncset.done $0x0  }
0x2b: {  	[sflag:s14] =	ssyncadd.s32 $0xFFFFE0C0  }
0x2c: {  	[spmem:s12] =	stream.linear.scatter [tilespmem:s13], [sflag:$0x6], $0x1F40, $0x38;
	[tilespmem:$0x1D880] =	vst v63  }
0x2d: {  	_ =	swait.ge [sflag:s14], $0x1F40  }
0x2e: {  	[sflag:s14] =	ssyncset.done $0x0  }
0x2f: {  	s0 =	simm.s32 $0x0;
	[sflag:s14] =	ssyncadd.s32 $0xFFFFE0C0  }
0x30: {  	[tilespmem:s0], [sflag:$0x6] =	stream.linear.gather [hbm4b:s4+s0], $0x5000, $0x38;
	[tilespmem:$0x1D880] =	vst v63  }
0x31: {  	_ =	swait.ge [sflag:s14], $0x5000  }
0x32: {  	[sflag:s14] =	ssyncset.done $0x0  }
0x33: {  	s31 =	simm.s32 $0x5000;
	[sflag:s14] =	ssyncadd.s32 $0xFFFFB000  }
0x34: {  	[tilespmem:s31], [sflag:$0x6] =	stream.linear.gather [hbm4b:s5+s0], $0x5000, $0x38;
	[tilespmem:$0x1D880] =	vst v63  }
0x35: {  	_ =	swait.ge [sflag:s14], $0x5000  }
0x36: {  	[sflag:s14] =	ssyncset.done $0x0  }
0x37: {  	[sflag:s14] =	ssyncadd.s32 $0xFFFFB000  }
0x38: {  	[bflag:$0x0] =	sbarrier.arrive $0xFFFF  }
0x39: {  	[tilespmem:s13], [sflag:$0x1] =	stream.indirect.gather [hbm4b:s6+s16], $0x40, s0, s16, $0xb8;
	[tilespmem:$0x1D880] =	vst v63  }
0x3a: {  	s31 =	simm.s32 $0x80  }
0x3b: {  	[tilespmem:s18], [sflag:$0x2] =	stream.indirect.gather [hbm4b:s6+s16], $0x40, s31, s16, $0xb8;
	[tilespmem:$0x1D880] =	vst v63  }
0x3c: {  	s21 =	simm.s32 $0x100  }
0x3d: {  	[tilespmem:s20], [sflag:$0x3] =	stream.indirect.gather [hbm4b:s6+s16], $0x40, s21, s16, $0xb8;
	[tilespmem:$0x1D880] =	vst v63  }
0x3e: {  	s31 =	simm.s32 $0x180  }
0x3f: {  	[tilespmem:s22], [sflag:$0x4] =	stream.indirect.gather [hbm4b:s6+s16], $0x40, s31, s16, $0xb8;
	[tilespmem:$0x1D880] =	vst v63  }
0x40: {  	_ =	swait.ge [sflag:s23], $0x1F40  }
0x41: {  	[sflag:s23] =	ssyncset.done $0x0  }
0x42: {  	s21 =	simm.s32 $0x200;
	[sflag:s23] =	ssyncadd.s32 $0xFFFFE0C0  }
0x43: {  	[tilespmem:s25], [sflag:$0x5] =	stream.indirect.gather [hbm4b:s6+s16], $0x40, s21, s16, $0xb8;
	[tilespmem:$0x1D880] =	vst v63  }
0x44: {  	s31 =	simm.s32 $0x5000  }
0x45: {  	[spmem:s2] =	stream.indirect.scatter.add.f32 [tilespmem:s13], [sflag:$0x6], $0x40, s31, s16, $0xb8;
	[tilespmem:$0x1D880] =	vst v63  }
0x46: {  	_ =	swait.ge [sflag:s14], $0x1F40  }
0x47: {  	[sflag:s14] =	ssyncset.done $0x0  }
0x48: {  	[sflag:s14] =	ssyncadd.s32 $0xFFFFE0C0  }
0x49: {  	_ =	swait.ge [sflag:s26], $0x1F40  }
0x4a: {  	[sflag:s26] =	ssyncset.done $0x0  }
0x4b: {  	s21 =	simm.s32 $0x280;
	[sflag:s26] =	ssyncadd.s32 $0xFFFFE0C0  }
0x4c: {  	[tilespmem:s13], [sflag:$0x1] =	stream.indirect.gather [hbm4b:s6+s16], $0x40, s21, s16, $0xb8;
	[tilespmem:$0x1D880] =	vst v63  }
0x4d: {  	s31 =	simm.s32 $0x5080  }
0x4e: {  	[spmem:s2] =	stream.indirect.scatter.add.f32 [tilespmem:s18], [sflag:$0x6], $0x40, s31, s16, $0xb8;
	[tilespmem:$0x1D880] =	vst v63  }
0x4f: {  	_ =	swait.ge [sflag:s14], $0x1F40  }
0x50: {  	[sflag:s14] =	ssyncset.done $0x0  }
0x51: {  	[sflag:s14] =	ssyncadd.s32 $0xFFFFE0C0  }
0x52: {  	_ =	swait.ge [sflag:s28], $0x1F40  }
0x53: {  	[sflag:s28] =	ssyncset.done $0x0  }
0x54: {  	s21 =	simm.s32 $0x300;
	[sflag:s28] =	ssyncadd.s32 $0xFFFFE0C0  }
0x55: {  	[tilespmem:s18], [sflag:$0x2] =	stream.indirect.gather [hbm4b:s6+s16], $0x40, s21, s16, $0xb8;
	[tilespmem:$0x1D880] =	vst v63  }
0x56: {  	s31 =	simm.s32 $0x5100  }
0x57: {  	[spmem:s2] =	stream.indirect.scatter.add.f32 [tilespmem:s20], [sflag:$0x6], $0x40, s31, s16, $0xb8;
	[tilespmem:$0x1D880] =	vst v63  }
0x58: {  	_ =	swait.ge [sflag:s14], $0x1F40  }
0x59: {  	[sflag:s14] =	ssyncset.done $0x0  }
0x5a: {  	[sflag:s14] =	ssyncadd.s32 $0xFFFFE0C0  }
0x5b: {  	_ =	swait.ge [sflag:s29], $0x1F40  }
0x5c: {  	[sflag:s29] =	ssyncset.done $0x0  }
0x5d: {  	s21 =	simm.s32 $0x380;
	[sflag:s29] =	ssyncadd.s32 $0xFFFFE0C0  }
0x5e: {  	[tilespmem:s20], [sflag:$0x3] =	stream.indirect.gather [hbm4b:s6+s16], $0x40, s21, s16, $0xb8;
	[tilespmem:$0x1D880] =	vst v63  }
0x5f: {  	s31 =	simm.s32 $0x5180  }
0x60: {  	[spmem:s2] =	stream.indirect.scatter.add.f32 [tilespmem:s22], [sflag:$0x6], $0x40, s31, s16, $0xb8;
	[tilespmem:$0x1D880] =	vst v63  }
0x61: {  	_ =	swait.ge [sflag:s14], $0x1F40  }
0x62: {  	[sflag:s14] =	ssyncset.done $0x0  }
0x63: {  	[sflag:s14] =	ssyncadd.s32 $0xFFFFE0C0  }
0x64: {  	_ =	swait.ge [sflag:s30], $0x1F40  }
0x65: {  	[sflag:s30] =	ssyncset.done $0x0  }
0x66: {  	s21 =	simm.s32 $0x400;
	[sflag:s30] =	ssyncadd.s32 $0xFFFFE0C0  }
0x67: {  	[tilespmem:s22], [sflag:$0x4] =	stream.indirect.gather [hbm4b:s6+s16], $0x40, s21, s16, $0xb8;
	[tilespmem:$0x1D880] =	vst v63  }
0x68: {  	s31 =	simm.s32 $0x5200  }
0x69: {  	[spmem:s2] =	stream.indirect.scatter.add.f32 [tilespmem:s25], [sflag:$0x6], $0x40, s31, s16, $0xb8;
	[tilespmem:$0x1D880] =	vst v63  }
0x6a: {  	_ =	swait.ge [sflag:s14], $0x1F40  }
0x6b: {  	s21 =	simm.s32 $0xA00;
	[sflag:s14] =	ssyncset.done $0x0  }
.LBB2_4:
0x6c: {  	p0 =	sne.s32 s21, $0x12C00  }
0x6d: {  	[sflag:s14] =	ssyncadd.s32 $0xFFFFE0C0;
	s0 =	smov.u32 s21;
	s21 =	sadd.s32 $0xA00, s21  }
0x6e: {  	_ = 	snop  }
0x6f: {  	_ =	swait.ge [sflag:s23], $0x1F40  }
0x70: {  	s31 =	sshra.s32 s0, $0x2;
	[sflag:s23] =	ssyncset.done $0x0  }
0x71: {  	s0 =	sadd.s32 $0x200, s31;
	[sflag:s23] =	ssyncadd.s32 $0xFFFFE0C0  }
0x72: {  	[tilespmem:s25], [sflag:$0x5] =	stream.indirect.gather [hbm4b:s6+s16], $0x40, s0, s16, $0xb8;
	[tilespmem:$0x1D880] =	vst v63  }
0x73: {  	s0 =	sadd.s32 $0x5000, s31  }
0x74: {  	[spmem:s2] =	stream.indirect.scatter.add.f32 [tilespmem:s13], [sflag:$0x6], $0x40, s0, s16, $0xb8;
	[tilespmem:$0x1D880] =	vst v63  }
0x75: {  	_ =	swait.ge [sflag:s14], $0x1F40  }
0x76: {  	[sflag:s14] =	ssyncset.done $0x0  }
0x77: {  	[sflag:s14] =	ssyncadd.s32 $0xFFFFE0C0  }
0x78: {  	_ =	swait.ge [sflag:s26], $0x1F40  }
0x79: {  	[sflag:s26] =	ssyncset.done $0x0  }
0x7a: {  	s0 =	sadd.s32 $0x280, s31;
	[sflag:s26] =	ssyncadd.s32 $0xFFFFE0C0  }
0x7b: {  	[tilespmem:s13], [sflag:$0x1] =	stream.indirect.gather [hbm4b:s6+s16], $0x40, s0, s16, $0xb8;
	[tilespmem:$0x1D880] =	vst v63  }
0x7c: {  	s0 =	sadd.s32 $0x5080, s31  }
0x7d: {  	[spmem:s2] =	stream.indirect.scatter.add.f32 [tilespmem:s18], [sflag:$0x6], $0x40, s0, s16, $0xb8;
	[tilespmem:$0x1D880] =	vst v63  }
0x7e: {  	_ =	swait.ge [sflag:s14], $0x1F40  }
0x7f: {  	[sflag:s14] =	ssyncset.done $0x0  }
0x80: {  	[sflag:s14] =	ssyncadd.s32 $0xFFFFE0C0  }
0x81: {  	_ =	swait.ge [sflag:s28], $0x1F40  }
0x82: {  	[sflag:s28] =	ssyncset.done $0x0  }
0x83: {  	s0 =	sadd.s32 $0x300, s31;
	[sflag:s28] =	ssyncadd.s32 $0xFFFFE0C0  }
0x84: {  	[tilespmem:s18], [sflag:$0x2] =	stream.indirect.gather [hbm4b:s6+s16], $0x40, s0, s16, $0xb8;
	[tilespmem:$0x1D880] =	vst v63  }
0x85: {  	s0 =	sadd.s32 $0x5100, s31  }
0x86: {  	[spmem:s2] =	stream.indirect.scatter.add.f32 [tilespmem:s20], [sflag:$0x6], $0x40, s0, s16, $0xb8;
	[tilespmem:$0x1D880] =	vst v63  }
0x87: {  	_ =	swait.ge [sflag:s14], $0x1F40  }
0x88: {  	[sflag:s14] =	ssyncset.done $0x0  }
0x89: {  	[sflag:s14] =	ssyncadd.s32 $0xFFFFE0C0  }
0x8a: {  	_ =	swait.ge [sflag:s29], $0x1F40  }
0x8b: {  	[sflag:s29] =	ssyncset.done $0x0  }
0x8c: {  	s0 =	sadd.s32 $0x380, s31;
	[sflag:s29] =	ssyncadd.s32 $0xFFFFE0C0  }
0x8d: {  	[tilespmem:s20], [sflag:$0x3] =	stream.indirect.gather [hbm4b:s6+s16], $0x40, s0, s16, $0xb8;
	[tilespmem:$0x1D880] =	vst v63  }
0x8e: {  	s0 =	sadd.s32 $0x5180, s31  }
0x8f: {  	[spmem:s2] =	stream.indirect.scatter.add.f32 [tilespmem:s22], [sflag:$0x6], $0x40, s0, s16, $0xb8;
	[tilespmem:$0x1D880] =	vst v63  }
0x90: {  	_ =	swait.ge [sflag:s14], $0x1F40  }
0x91: {  	[sflag:s14] =	ssyncset.done $0x0  }
0x92: {  	[sflag:s14] =	ssyncadd.s32 $0xFFFFE0C0  }
0x93: {  	_ =	swait.ge [sflag:s30], $0x1F40  }
0x94: {  	[sflag:s30] =	ssyncset.done $0x0  }
0x95: {  	s0 =	sadd.s32 $0x400, s31;
	[sflag:s30] =	ssyncadd.s32 $0xFFFFE0C0  }
0x96: {  	[tilespmem:s22], [sflag:$0x4] =	stream.indirect.gather [hbm4b:s6+s16], $0x40, s0, s16, $0xb8;
	[tilespmem:$0x1D880] =	vst v63  }
.Ltmp1:
0x97: {  	_ = 	snop;
	(pc) =	sbr.rel @p0 .LBB2_4-.Ltmp1, $4  }
0x98: {  	s0 =	sadd.s32 $0x5200, s31  }
0x99: {  	[spmem:s2] =	stream.indirect.scatter.add.f32 [tilespmem:s25], [sflag:$0x6], $0x40, s0, s16, $0xb8;
	[tilespmem:$0x1D880] =	vst v63  }
0x9a: {  	_ =	swait.ge [sflag:s14], $0x1F40  }
0x9b: {  	[sflag:s14] =	ssyncset.done $0x0  }
0x9c: {  	[sflag:s14] =	ssyncadd.s32 $0xFFFFE0C0  }
0x9d: {  	_ =	swait.ge [sflag:s23], $0x1F40  }
0x9e: {  	[sflag:s23] =	ssyncset.done $0x0  }
0x9f: {  	s0 =	simm.s32 $0x4F80;
	[sflag:s23] =	ssyncadd.s32 $0xFFFFE0C0  }
0xa0: {  	[tilespmem:s25], [sflag:$0x5] =	stream.indirect.gather [hbm4b:s6+s16], $0x40, s0, s16, $0xb8;
	[tilespmem:$0x1D880] =	vst v63  }
0xa1: {  	s21 =	simm.s32 $0x9D80  }
0xa2: {  	[spmem:s2] =	stream.indirect.scatter.add.f32 [tilespmem:s13], [sflag:$0x6], $0x40, s21, s16, $0xb8;
	[tilespmem:$0x1D880] =	vst v63  }
0xa3: {  	_ =	swait.ge [sflag:s14], $0x1F40  }
0xa4: {  	[sflag:s14] =	ssyncset.done $0x0  }
0xa5: {  	[sflag:s14] =	ssyncadd.s32 $0xFFFFE0C0  }
0xa6: {  	_ =	swait.ge [sflag:s26], $0x1F40  }
0xa7: {  	[sflag:s26] =	ssyncset.done $0x0  }
0xa8: {  	[sflag:s26] =	ssyncadd.s32 $0xFFFFE0C0  }
0xa9: {  	[spmem:s2] =	stream.indirect.scatter.add.f32 [tilespmem:s18], [sflag:$0x6], $0x40, s15, s16, $0xb8;
	[tilespmem:$0x1D880] =	vst v63  }
0xaa: {  	_ =	swait.ge [sflag:s14], $0x1F40  }
0xab: {  	[sflag:s14] =	ssyncset.done $0x0  }
0xac: {  	[sflag:s14] =	ssyncadd.s32 $0xFFFFE0C0  }
0xad: {  	_ =	swait.ge [sflag:s28], $0x1F40  }
0xae: {  	[sflag:s28] =	ssyncset.done $0x0  }
0xaf: {  	[sflag:s28] =	ssyncadd.s32 $0xFFFFE0C0  }
0xb0: {  	[spmem:s2] =	stream.indirect.scatter.add.f32 [tilespmem:s20], [sflag:$0x6], $0x40, s17, s16, $0xb8;
	[tilespmem:$0x1D880] =	vst v63  }
0xb1: {  	_ =	swait.ge [sflag:s14], $0x1F40  }
0xb2: {  	[sflag:s14] =	ssyncset.done $0x0  }
0xb3: {  	[sflag:s14] =	ssyncadd.s32 $0xFFFFE0C0  }
0xb4: {  	_ =	swait.ge [sflag:s29], $0x1F40  }
0xb5: {  	[sflag:s29] =	ssyncset.done $0x0  }
0xb6: {  	[sflag:s29] =	ssyncadd.s32 $0xFFFFE0C0  }
0xb7: {  	[spmem:s2] =	stream.indirect.scatter.add.f32 [tilespmem:s22], [sflag:$0x6], $0x40, s19, s16, $0xb8;
	[tilespmem:$0x1D880] =	vst v63  }
0xb8: {  	_ =	swait.ge [sflag:s14], $0x1F40  }
0xb9: {  	[sflag:s14] =	ssyncset.done $0x0  }
0xba: {  	[sflag:s14] =	ssyncadd.s32 $0xFFFFE0C0  }
0xbb: {  	_ =	swait.ge [sflag:s30], $0x1F40  }
0xbc: {  	[sflag:s30] =	ssyncset.done $0x0  }
0xbd: {  	[sflag:s30] =	ssyncadd.s32 $0xFFFFE0C0  }
0xbe: {  	[spmem:s2] =	stream.indirect.scatter.add.f32 [tilespmem:s25], [sflag:$0x6], $0x40, s1, s16, $0xb8;
	[tilespmem:$0x1D880] =	vst v63  }
0xbf: {  	s31 =	stileid.u32;
	_ =	swait.ge [sflag:s14], $0x1F40  }
0xc0: {  	s3 =	sadd.s32 $0x1, s3;
	s0 =	sshll.u32 s31, $0x6;
	[sflag:s14] =	ssyncset.done $0x0  }
0xc1: {  	p0 =	sne.s32 s3, s8;
	s0 =	sor.u32 $0x1C06, s0;
	[sflag:s14] =	ssyncadd.s32 $0xFFFFE0C0  }
.Ltmp2:
0xc2: {  	s21 =	sshrl.u32 s7, $0x3;
	[bflag:$0x0] =	sbarrier.arrive $0xFFFF;
	(pc) =	sbr.rel @p0 .LBB2_1-.Ltmp2, $4  }
0xc3: {  	[hbm:s24], [sflag:s0] =	dma.local [spmem:s21], $0x1388  }
0xc4: {  	_ =	swait.ge [sflag:s14], $0x1388  }
0xc5: {  	[sflag:s14] =	ssyncset.done $0x0  }
0xc6: {  	[sflag:s14] =	ssyncadd.s32 $0xFFFFEC78  }
0xc7: {  	_ =	sfence.sel $0x180000  }
0xc8: {  	[bflag:$0x0] =	sbarrier.arrive $0xFFFF  }
0xc9: {  	_ =	strace $0x9000004D  }
0xca: {  	s0 =	stileid.u32;
	[bflag:$0x2] =	sbarrier.arrive $0xFFFF  }
0xcb: {  	p0 =	sne.s32 s0, $0x0;
	s0 =	rddreg [dreg:$0x3]  }
0xcc: {  	s0 =	sadd.s32 @!p0 $0x100000, s0  }
0xcd: {  	[sflag:s0] =	ssyncadd.tile.s32 @!p0 $0x1;
	_ =	shalt  }
.Lfunc_end2:
_tile_overlayer_lowered:
.L_overlay_start_2:
0xce: {  	(tag) =	ssettag $0x2  }
0xcf: {  	s0 =	rddreg [dreg:$0x0];
	s2 =	stileid.u32  }
0xd0: {  	s1 =	rddreg [dreg:$0x1];
	p0 =	sne.s32 s2, $0x0  }
0xd1: {  	s3 =	rddreg [dreg:$0x2];
	[bflag:$0x3] =	sbarrier.arrive $0xFFFF;
	s2 =	simm.s32 @!p0 $0x1C06  }
0xd2: {  	[timem:s3], [sflag:s2] =	dma.local @!p0 [hbm:s0], s1  }
0xd3: {  	s0 =	simm.s32 @!p0 $0x6  }
0xd4: {  	_ =	swait.ge @!p0 [sflag:s0], s1  }
0xd5: {  	s1 =	ssub.s32 @!p0 $0x0, s1;
	[sflag:s0] =	ssyncset.done @!p0 $0x0  }
0xd6: {  	[sflag:s0] =	ssyncadd.s32 @!p0 s1  }
0xd7: {  	[bflag:$0x3] =	sbarrier.arrive $0xFFFF  }
0xd8: {  	_ =	shalt  }

// kernel: kernel.8.cloned.1.call-start
scs
__scs_entry_jumppad:
0x0: {  	(pc) =	sbr.rel $0x88, $3  }
0x1: {  	(tag) =	ssettag $0x0;
	lr =	simm.s32 $0x1  }
0x2: {  	[smem:$0x3F9B] =	sst lr;
	_ =	strace $0xD0000000  }
0x3: {  	_ = 	snop  }
0x4: {  	_ = 	snop  }
0x5: {  	_ = 	snop  }
0x6: {  	_ = 	snop  }
0x7: {  	_ = 	snop  }
__scs_overlays_trampoline_lowered:
0x8: {  	[smem:$0x3FAA] =	sst s0  }
0x9: {  	[smem:$0x3FAB] =	sst s1  }
0xa: {  	[smem:$0x3FAC] =	sst s2  }
0xb: {  	[smem:$0x3FAD] =	sst s3  }
0xc: {  	[smem:$0x3FAE] =	sst s4  }
0xd: {  	[smem:$0x3FAF] =	sst s5  }
0xe: {  	[smem:$0x3FB0] =	sst s6  }
0xf: {  	[smem:$0x3FB1] =	sst s7  }
0x10: {  	[smem:$0x3FB2] =	sst s8  }
0x11: {  	[smem:$0x3FB3] =	sst s9;
	s0 =	simm.s32 @!p0 $0x0  }
0x12: {  	s1 =	sld [smem:$0x3F99];
	s0 =	simm.s32 @p0 $0x1  }
0x13: {  	[smem:$0x3FB4] =	sst s0;
	s0 =	simm.s32 @!p1 $0x0  }
0x14: {  	s2 =	sld [smem:$0x3F98];
	s0 =	simm.s32 @p1 $0x1  }
0x15: {  	[smem:$0x3FB5] =	sst s0;
	s0 =	simm.s32 @!p2 $0x0  }
0x16: {  	s3 =	sld [smem:$0x3FDB];
	s0 =	simm.s32 @p2 $0x1  }
0x17: {  	s4 =	simm.s32 $0x1BF5;
	[smem:$0x3FB7] =	sst s0  }
0x18: {  	s0 =	sld [smem:$0x3F9A];
	_ =	swait.ge [sflag:s4], $0x0  }
0x19: {  	s7 =	sld [smem:$0x3F9B]  }
0x1a: {  	s8 =	sadd.s32 $0xFFFFE003, lr  }
0x1b: {  	s9 =	sadd.s32 $0xFFFFFEF7, lr;
	s5 =	simm.s32 $0xFFFFFFFF;
	p2 =	slt.u32 s8, $0xFFFFF086  }
0x1c: {  	p1 =	slt.u32 s9, $0xF7A;
	s5 =	simm.s32 @!p2 $0x0  }
0x1d: {  	s5 =	simm.s32 @p1 $0x1;
	p0 =	seq.s32 s7, s2  }
0x1e: {  	s7 =	smul.u32 @!p0 $0xF7A, s2;
	p2 =	seq.s32 @!p0 s5, $0x0  }
0x1f: {  	s9 =	smul.u32 $0xF7A, s1;
	s8 =	simm.s32 @!p0 $0x1BF5;
	p2 =	por !p2, p0  }
0x20: {  	[sflag:s8] =	ssyncset.s32 @!p0 $0xFFFFF086;
	s6 =	sadd.s32 @!p0 s3, s7;
	s7 =	simm.s32 @!p0 $0x108  }
0x21: {  	s3 =	sadd.s32 s3, s9;
	s6 =	sadd.s32 @!p0 $0x88, s6;
	s7 =	simm.s32 @p2 $0x1082  }
0x22: {  	[simem:s7], [sflag:s8] =	dma.local @!p0 [hbm:s6], $0xF7A  }
0x23: {  	s9 =	sor.u32 $0xD0000000, s2;
	s6 =	simm.s32 $0x108;
	_ =	swait.ge @!p0 [sflag:s8], $0x0  }
0x24: {  	s3 =	sadd.s32 $0x88, s3;
	s6 =	simm.s32 @!p1 $0x1082;
	[sflag:s4] =	ssyncset.s32 $0xFFFFF086  }
0x25: {  	[simem:s6], [sflag:s4] =	dma.local [hbm:s3], $0xF7A  }
0x26: {  	[smem:$0x3F9B] =	sst s1;
	(tag) =	ssettag s2;
	_ =	strace s9  }
0x27: {  	s1 =	sld [smem:$0x3FAB]  }
0x28: {  	s2 =	sld [smem:$0x3FAC]  }
0x29: {  	s4 =	sld [smem:$0x3FAE]  }
0x2a: {  	p0 =	seq.s32 s5, $0x0;
	s5 =	sld [smem:$0x3FAF]  }
0x2b: {  	s6 =	sld [smem:$0x3FB0]  }
0x2c: {  	s7 =	sld [smem:$0x3FB1]  }
0x2d: {  	s3 =	simm.s32 $0x108;
	s8 =	sld [smem:$0x3FB2]  }
0x2e: {  	s3 =	simm.s32 @!p0 $0x1082;
	s9 =	sld [smem:$0x3FB3]  }
0x2f: {  	lr =	sadd.s32 s0, s3;
	s0 =	sld [smem:$0x3FAA]  }
0x30: {  	s3 =	sld [smem:$0x3FAD]  }
0x31: {  	[smem:$0x3FB6] =	sst s10  }
0x32: {  	s10 =	sld [smem:$0x3FB4];
	_ =	sdelay $0x3  }
0x33: {  	p0 =	seq.s32 s10, $0x1;
	s10 =	sld [smem:$0x3FB6];
	_ =	sdelay $0x3  }
0x34: {  	[smem:$0x3FB6] =	sst s10  }
0x35: {  	s10 =	sld [smem:$0x3FB5];
	_ =	sdelay $0x3  }
0x36: {  	p1 =	seq.s32 s10, $0x1;
	s10 =	sld [smem:$0x3FB6];
	_ =	sdelay $0x3  }
0x37: {  	[smem:$0x3FB6] =	sst s10  }
0x38: {  	s10 =	sld [smem:$0x3FB7]  }
0x39: {  	_ = 	snop;
	(pc) =	sbr.ind lr, $3  }
0x3a: {  	_ = 	snop  }
0x3b: {  	_ = 	snop  }
0x3c: {  	p2 =	seq.s32 s10, $0x1;
	s10 =	sld [smem:$0x3FB6]  }
0x3d: {  	_ =	shalt  }
0x3e: {  	_ =	shalt  }
0x3f: {  	_ =	shalt  }
0x40: {  	_ =	shalt  }
0x41: {  	_ =	shalt  }
0x42: {  	_ =	shalt  }
0x43: {  	_ =	shalt  }
0x44: {  	_ =	shalt  }
0x45: {  	_ =	shalt  }
0x46: {  	_ =	shalt  }
0x47: {  	_ =	shalt  }
0x48: {  	_ =	shalt  }
0x49: {  	_ =	shalt  }
0x4a: {  	_ =	shalt  }
0x4b: {  	_ =	shalt  }
0x4c: {  	_ =	shalt  }
0x4d: {  	_ =	shalt  }
0x4e: {  	_ =	shalt  }
0x4f: {  	_ =	shalt  }
0x50: {  	_ =	shalt  }
0x51: {  	_ =	shalt  }
0x52: {  	_ =	shalt  }
0x53: {  	_ =	shalt  }
0x54: {  	_ =	shalt  }
0x55: {  	_ =	shalt  }
0x56: {  	_ =	shalt  }
0x57: {  	_ =	shalt  }
0x58: {  	_ =	shalt  }
0x59: {  	_ =	shalt  }
0x5a: {  	_ =	shalt  }
0x5b: {  	_ =	shalt  }
0x5c: {  	_ =	shalt  }
0x5d: {  	_ =	shalt  }
0x5e: {  	_ =	shalt  }
0x5f: {  	_ =	shalt  }
0x60: {  	_ =	shalt  }
0x61: {  	_ =	shalt  }
0x62: {  	_ =	shalt  }
0x63: {  	_ =	shalt  }
0x64: {  	_ =	shalt  }
0x65: {  	_ =	shalt  }
0x66: {  	_ =	shalt  }
0x67: {  	_ =	shalt  }
0x68: {  	_ =	shalt  }
0x69: {  	_ =	shalt  }
0x6a: {  	_ =	shalt  }
0x6b: {  	_ =	shalt  }
0x6c: {  	_ =	shalt  }
0x6d: {  	_ =	shalt  }
0x6e: {  	_ =	shalt  }
0x6f: {  	_ =	shalt  }
0x70: {  	_ =	shalt  }
0x71: {  	_ =	shalt  }
0x72: {  	_ =	shalt  }
0x73: {  	_ =	shalt  }
0x74: {  	_ =	shalt  }
0x75: {  	_ =	shalt  }
0x76: {  	_ =	shalt  }
0x77: {  	_ =	shalt  }
0x78: {  	_ =	shalt  }
0x79: {  	_ =	shalt  }
0x7a: {  	_ =	shalt  }
0x7b: {  	_ =	shalt  }
0x7c: {  	_ =	shalt  }
0x7d: {  	_ =	shalt  }
0x7e: {  	_ =	shalt  }
0x7f: {  	_ =	shalt  }
0x80: {  	_ =	shalt  }
0x81: {  	_ =	shalt  }
0x82: {  	_ =	shalt  }
0x83: {  	_ =	shalt  }
0x84: {  	_ =	shalt  }
0x85: {  	_ =	shalt  }
0x86: {  	_ =	shalt  }
0x87: {  	_ =	shalt  }
.Lfunc_end0:
.L_simem_size_0:
called_computation_lowered:
.L_overlay_start_0:
0x88: {  	s2 =	sld [smem:$0x3FD9]  }
0x89: {  	s3 =	sld [smem:$0x3FFE];
	_ =	sdelay $0x1  }
0x8a: {  	s1 =	srdreg.scid  }
0x8b: {  	s0 =	sand.u32 $0x1, s1  }
0x8c: {  	s17 =	sshll.u32 s0, $0xA;
	s2 =	sadd.s32 s3, s2  }
0x8d: {  	s2 =	sadd.s32 s2, s17  }
0x8e: {  	[smem:$0x3FC2] =	sst s2  }
0x8f: {  	_ = 	snop  }
0x90: {  	s2 =	sld [smem:$0x3FD0];
	(tm) =	ssettm $0x1  }
0x91: {  	s18 =	sld [smem:$0x3FFB];
	_ =	sdelay $0x3  }
0x92: {  	_ =	strace s18  }
0x93: {  	s3 =	sld [smem:$0x3FFC];
	_ =	sdelay $0x3  }
0x94: {  	_ =	strace s3  }
0x95: {  	s3 =	sld [smem:$0x3FFD];
	_ =	sdelay $0x3  }
0x96: {  	_ =	strace s3  }
0x97: {  	_ =	strace $0x8FFFFFFF  }
0x98: {  	s19 =	sld [smem:$0x3FDB];
	_ =	sdelay $0x1  }
0x99: {  	s4 =	simm.s32 $_scs_section_size  }
0x9a: {  	s5 =	simm.s32 $_size__tile_overlayer_lowered;
	s6 =	simm.s32 $_tile_overlayer_lowered  }
0x9b: {  	s22 =	simm.s32 $0x1BFF;
	s21 =	sshll.u32 s6, $0x1;
	s3 =	sadd.s32 s4, s19  }
0x9c: {  	s7 =	simm.s32 $0x0;
	s20 =	sshll.u32 s5, $0x1;
	s5 =	sadd.s32 s21, s3  }
0x9d: {  	[timem:s7], [sflag:s22] =	dma.local [hbm:s5], s20  }
0x9e: {  	_ =	swait.ge [sflag:s22], s20  }
0x9f: {  	s4 =	ssub.s32 $0x0, s20;
	[sflag:s22] =	ssyncset.done $0x0  }
0xa0: {  	[sflag:s22] =	ssyncadd.s32 s4;
	_ =	sdelay $0x1  }
0xa1: {  	s23 =	simm.s32 $0x1B8B  }
0xa2: {  	_ =	swait.ge [sflag:s23], $0x1  }
0xa3: {  	[sflag:s23] =	ssyncset.done $0x0  }
0xa4: {  	s25 =	simm.s32 $0x1B8E;
	s24 =	sld [smem:$0x3FFE];
	[sflag:s23] =	ssyncadd.s32 $0xFFFFFFFF  }
0xa5: {  	s26 =	simm.s32 $execute0_lowered;
	[smem:$0x3FD2] =	sst s25  }
0xa6: {  	s5 =	sshll.u32 s26, $0x1;
	_ =	strace $0x80000046;
	[dreg:$0x1] =	wrdreg $0xFFFFFFFF  }
0xa7: {  	s28 =	simm.s32 $_size_execute0_lowered;
	s3 =	sadd.s32 s3, s5;
	[dreg:$0x0] =	wrdreg $0x0  }
0xa8: {  	s5 =	sshll.u32 s28, $0x1;
	[dreg:$0x2] =	wrdreg s3  }
0xa9: {  	[dreg:$0x3] =	wrdreg s5  }
0xaa: {  	[dreg:$0x4] =	wrdreg $0xC0  }
0xab: {  	_ =	task [dreg:s7], $0x5FFFF  }
0xac: {  	[dreg:$0x1] =	wrdreg $0xFFFFFFFF  }
0xad: {  	[dreg:$0x0] =	wrdreg $0x60  }
0xae: {  	[dreg:$0x2] =	wrdreg s2  }
0xaf: {  	[dreg:$0x3] =	wrdreg s24  }
0xb0: {  	[dreg:$0x4] =	wrdreg $0x56E00  }
0xb1: {  	[dreg:$0x5] =	wrdreg $0x9  }
0xb2: {  	_ =	task.clear_ibuf [dreg:s7], $0x6FFFF;
	_ =	strace $0x90000046  }
0xb3: {  	s29 =	simm.s32 $0x9;
	_ =	strace $0x80000048  }
0xb4: {  	_ =	swait.ge [sflag:s29], $0x1  }
0xb5: {  	[sflag:s29] =	ssyncadd.s32 $0xFFFFFFFF  }
0xb6: {  	_ =	strace $0x90000048  }
0xb7: {  	_ =	sfence  }
0xb8: {  	s30 =	sld [smem:$0x0];
	_ =	sdelay $0x2  }
0xb9: {  	s31 =	sshll.u32 s1, $0xD;
	s1 =	sshrl.u32 s1, $0x2  }
0xba: {  	s3 =	sand.u32 $0x4000, s31;
	s1 =	sadd.s32 s1, s30  }
0xbb: {  	s0 =	sor.u32 s3, s0;
	s1 =	sshll.u32 s1, $0x11  }
0xbc: {  	s0 =	sor.u32 s1, s0  }
0xbd: {  	s0 =	sadd.s32 $0x8F2B, s0  }
0xbe: {  	[sflag:s0] =	ssyncadd.remote.s32 $0x1  }
0xbf: {  	_ =	sfence.sel $0xFFFF  }
0xc0: {  	[dreg:$0x0] =	wrdreg $0xFFFFFFFF;
	(pc) =	sbr.abs _section_cstart, $3  }
0xc1: {  	[dreg:$0x1] =	wrdreg $0xFFFFFFFF  }
0xc2: {  	_ =	task.clear_ibuf [dreg:s7], $0x2FFFF;
	_ =	strace $0x9FFFFFFF  }
0xc3: {  	(tm) =	ssettm $0x7FFFFFFF  }
tec
execute0_lowered:
.L_overlay_start_1:
0x0: {  	(tag) =	ssettag $0x1  }
0x1: {  	s5 =	rddreg [dreg:$0x0]  }
0x2: {  	s4 =	rddreg [dreg:$0x1]  }
0x3: {  	s1 =	rddreg [dreg:$0x2];
	s2 =	srdreg.scid  }
0x4: {  	s0 =	rddreg [dreg:$0x3];
	s3 =	simm.s32 $0x0;
	s10 =	simm.s32 $0x2800  }
0x5: {  	s11 =	simm.s32 $0x1;
	s6 =	sand.u32 $0x1, s2;
	s2 =	stileid.u32  }
0x6: {  	[smem:$0x7FF] =	sst s3;
	s7 =	smul.u32 $0x4E20, s6;
	s8 =	sshll.u32 s6, $0x4  }
0x7: {  	s9 =	smul.u32 $0x9C40, s2;
	_ =	strace $0x80000047;
	s6 =	ssub.s32 $0x2, s6  }
0x8: {  	s13 =	smul.u32 $0x4E2, s2;
	s14 =	sshll.u32 s2, $0x6;
	s8 =	sor.u32 s2, s8  }
0x9: {  	s31 =	sshrl.u32 s6, $0x1;
	s8 =	smul.u32 $0x500, s8;
	s9 =	sshrl.u32 s9, $0x2  }
0xa: {  	s7 =	sadd.s32 s7, s4;
	s6 =	ssub.s32 s6, s31;
	s4 =	sadd.s32 s9, s1  }
0xb: {  	s12 =	sadd.s32 $0x1A00, s7;
	s6 =	smax.u32 s6, $0x1;
	s7 =	simm.s32 $0x2FD0  }
0xc: {  	s9 =	simm.s32 $0x7D;
	s5 =	sadd.s32 s5, s8;
	s8 =	simm.s32 $0x2  }
0xd: {  	v0 =	vimm.f32 $0.0e+00;
	v1 =	vimm.f32 $1.000000000e+00;
	s12 =	sadd.s32 s13, s12;
	s13 =	sor.u32 $0x1C02, s14;
	s14 =	sshrl.u32 s4, $0x3  }
.LBB2_1:
0xe: {  	s15 =	simm.s32 $0x40;
	s16 =	simm.s32 $0x0  }
.LBB2_2:
0xf: {  	p0 =	sne.s32 s15, $0x9C00;
	[tilespmem:s16+$0x2FD0] =	vst v0;
	s16 =	smov.u32 s15;
	s15 =	sadd.s32 $0x40, s15  }
.Ltmp0:
0x10: {  	(pc) =	sbr.rel @p0 .LBB2_2-.Ltmp0, $2  }
0x11: {  	_ =	sdelay $0x2  }
0x12: {  	s16 =	sshra.s32 s16, $0x2  }
0x13: {  	[tilespmem:s16+$0x2FD0] =	vst v0  }
0x14: {  	[spmem:s4] =	stream.linear.scatter [tilespmem:s7], [sflag:$0x2], $0x2710, $0x38;
	[tilespmem:$0x7DF0] =	vst v63  }
0x15: {  	_ =	swait.ge [sflag:s8], $0x2710  }
0x16: {  	[sflag:s8] =	ssyncset.done $0x0  }
0x17: {  	s15 =	simm.s32 $0x40;
	s16 =	simm.s32 $0x0;
	[sflag:s8] =	ssyncadd.s32 $0xFFFFD8F0  }
.LBB2_4:
0x18: {  	p0 =	sne.s32 s15, $0x1F00;
	[tilespmem:s16+$0x2800] =	vst v1;
	s16 =	smov.u32 s15;
	s15 =	sadd.s32 $0x40, s15  }
.Ltmp1:
0x19: {  	(pc) =	sbr.rel @p0 .LBB2_4-.Ltmp1, $2  }
0x1a: {  	_ =	sdelay $0x2  }
0x1b: {  	s16 =	sshra.s32 s16, $0x2  }
0x1c: {  	[tilespmem:s16+$0x2800] =	vst v1;
	s15 =	simm.s32 $0x0  }
0x1d: {  	[tilespmem:s15], [sflag:$0x2] =	stream.linear.gather [hbm4b:s5+s15], $0x2800, $0x38;
	[tilespmem:$0x7DF0] =	vst v63  }
0x1e: {  	_ =	swait.ge [sflag:s8], $0x2800  }
0x1f: {  	[sflag:s8] =	ssyncset.done $0x0  }
0x20: {  	[sflag:s8] =	ssyncadd.s32 $0xFFFFD800  }
0x21: {  	[bflag:$0x0] =	sbarrier.arrive $0xFFFF  }
.LBB2_6:
0x22: {  	p0 =	sne.s32 s15, $0x9E00  }
.Ltmp2:
0x23: {  	_ = 	snop;
	(pc) =	sbr.rel @p0 .LBB2_6-.Ltmp2, $3  }
0x24: {  	_ =	sdelay $0x1  }
0x25: {  	s16 =	sshra.s32 s15, $0x2;
	s15 =	sadd.s32 $0x200, s15  }
0x26: {  	[spmem:s1] =	stream.indirect.scatter.add.f32 [tilespmem:s10], [sflag:$0x1], $0x10, s16, s9, $0xb8;
	[tilespmem:$0x7DF0] =	vst v63  }
0x27: {  	_ =	swait.ge [sflag:s11], $0x7D0  }
0x28: {  	s15 =	simm.s32 $0x4F;
	[sflag:s11] =	ssyncset.done $0x0  }
.LBB2_8:
0x29: {  	p0 =	sne.s32 s15, $0x1;
	s15 =	sadd.s32 $0xFFFFFFFF, s15;
	[sflag:s11] =	ssyncadd.s32 $0xFFFFF830  }
.Ltmp3:
0x2a: {  	(pc) =	sbr.rel @p0 .LBB2_8-.Ltmp3, $3  }
0x2b: {  	_ =	sdelay $0x1  }
0x2c: {  	_ =	swait.ge [sflag:s11], $0x7D0  }
0x2d: {  	[sflag:s11] =	ssyncset.done $0x0  }
0x2e: {  	s3 =	sadd.s32 $0x1, s3  }
0x2f: {  	[sflag:s11] =	ssyncadd.s32 $0xFFFFF830;
	p0 =	sne.s32 s3, s6  }
.Ltmp4:
0x30: {  	[bflag:$0x0] =	sbarrier.arrive $0xFFFF;
	(pc) =	sbr.rel @p0 .LBB2_1-.Ltmp4, $4  }
0x31: {  	[hbm:s12], [sflag:s13] =	dma.local [spmem:s14], $0x4E2  }
0x32: {  	_ =	swait.ge [sflag:s8], $0x4E2  }
0x33: {  	[sflag:s8] =	ssyncset.done $0x0  }
0x34: {  	[sflag:s8] =	ssyncadd.s32 $0xFFFFFB1E  }
0x35: {  	_ =	sfence.sel $0x180000  }
0x36: {  	[bflag:$0x0] =	sbarrier.arrive $0xFFFF  }
0x37: {  	p0 =	sne.s32 s2, $0x0;
	_ =	strace $0x90000047  }
0x38: {  	s0 =	sadd.s32 @!p0 $0x100000, s0;
	[bflag:$0x2] =	sbarrier.arrive $0xFFFF  }
0x39: {  	[sflag:s0] =	ssyncadd.tile.s32 @!p0 $0x1;
	_ =	shalt  }
.Lfunc_end2:
_tile_overlayer_lowered:
.L_overlay_start_2:
0x3a: {  	(tag) =	ssettag $0x2  }
0x3b: {  	s0 =	rddreg [dreg:$0x0];
	s2 =	stileid.u32  }
0x3c: {  	s1 =	rddreg [dreg:$0x1];
	p0 =	sne.s32 s2, $0x0  }
0x3d: {  	s3 =	rddreg [dreg:$0x2];
	[bflag:$0x3] =	sbarrier.arrive $0xFFFF;
	s2 =	simm.s32 @!p0 $0x1C02  }
0x3e: {  	[timem:s3], [sflag:s2] =	dma.local @!p0 [hbm:s0], s1  }
0x3f: {  	s0 =	simm.s32 @!p0 $0x2  }
0x40: {  	_ =	swait.ge @!p0 [sflag:s0], s1  }
0x41: {  	s1 =	ssub.s32 @!p0 $0x0, s1;
	[sflag:s0] =	ssyncset.done @!p0 $0x0  }
0x42: {  	[sflag:s0] =	ssyncadd.s32 @!p0 s1  }
0x43: {  	[bflag:$0x3] =	sbarrier.arrive $0xFFFF  }
0x44: {  	_ =	shalt  }

</sc_bundles>
